<compile_context>
chip_gen: v7x
topology: tpu7x:2x2x1
jax: 0.10.2.dev20260603
libtpu: 0.0.44.dev20260713+nightly
codegen_flags: <defaults>
</compile_context>

<pallas_src>
import functools

import jax
import jax.numpy as jnp
import numpy as np
from jax import lax
from jax.experimental import pallas as pl
from jax.experimental.pallas import tpu as pltpu
from jax.experimental.pallas import tpu_sc as plsc

DEGREE = 3
LANES = 16


@functools.cache
def _spline_sc(num_segments, n_t):
    info = plsc.get_sparse_core_info()
    nc, ns = info.num_cores, info.num_subcores
    nw = nc * ns
    chunk = n_t // nw
    NB = 2
    SUB = chunk // NB
    n_cp = num_segments * (DEGREE - 1) * 2
    n_jp = (num_segments + 1) * 2

    @functools.partial(
        pl.kernel,
        out_type=jax.ShapeDtypeStruct((2, n_t), jnp.float32),
        mesh=plsc.VectorSubcoreMesh(core_axis_name="c", subcore_axis_name="s"),
        compiler_params=pltpu.CompilerParams(needs_layout_passes=False),
        scratch_types=[
            pltpu.VMEM((SUB,), jnp.float32),
            pltpu.VMEM((SUB,), jnp.float32),
            pltpu.VMEM((SUB,), jnp.float32),
            pltpu.VMEM((SUB,), jnp.float32),
            pltpu.VMEM((SUB,), jnp.float32),
            pltpu.VMEM((SUB,), jnp.float32),
            pltpu.VMEM((8 * num_segments + LANES,), jnp.float32),
            pltpu.VMEM((num_segments,), jnp.int32),
            pltpu.VMEM((n_cp,), jnp.float32),
            pltpu.VMEM((n_jp,), jnp.float32),
            pltpu.SemaphoreType.DMA,
            pltpu.SemaphoreType.DMA,
            pltpu.SemaphoreType.DMA,
            pltpu.SemaphoreType.DMA,
        ],
    )
    def k(t_hbm, cp_hbm, jp_hbm, out_hbm,
          t0_v, t1_v, x0_v, x1_v, y0_v, y1_v, ctab_v, thr_v, cp_v, jp_v,
          in0_s, in1_s, out0_s, out1_s):
        wid = lax.axis_index("s") * nc + lax.axis_index("c")
        base = wid * chunk
        t_bufs = (t0_v, t1_v)
        x_bufs = (x0_v, x1_v)
        y_bufs = (y0_v, y1_v)
        in_sems = (in0_s, in1_s)
        out_sems = (out0_s, out1_s)

        def in_copy(j, b):
            return pltpu.make_async_copy(
                t_hbm.at[pl.ds(base + j * SUB, SUB)], t_bufs[b], in_sems[b]
            )

        def out_copy(j, b, row, buf):
            return pltpu.make_async_copy(
                buf, out_hbm.at[row, pl.ds(base + j * SUB, SUB)], out_sems[b]
            )

        in_copy(0, 0).start()
        pltpu.sync_copy(cp_hbm, cp_v)
        pltpu.sync_copy(jp_hbm, jp_v)
        iv = lax.iota(jnp.int32, LANES)
        nseg_f = float(num_segments)
        inv_nseg = 1.0 / num_segments
        tmax = float(np.nextafter(np.float32(1.0), np.float32(0.0)))

        @plsc.parallel_loop(0, num_segments, LANES)
        def build(s0):
            segv = s0 + iv
            j2 = segv * 2
            c4 = segv * 4
            s8 = segv * 8

            def jp(off):
                return plsc.load_gather(jp_v, [j2 + off])

            def cp(off):
                return plsc.load_gather(cp_v, [c4 + off])

            for d in range(2):
                p0 = jp(d)
                p1 = cp(d)
                p2 = cp(2 + d)
                p3 = jp(2 + d)
                c1 = 3.0 * (p1 - p0)
                c2 = 3.0 * ((p0 - p1) + (p2 - p1))
                c3 = (p3 - p0) + 3.0 * (p1 - p2)
                plsc.store_scatter(ctab_v, [s8 + 4 * d], p0)
                plsc.store_scatter(ctab_v, [s8 + 4 * d + 1], c1)
                plsc.store_scatter(ctab_v, [s8 + 4 * d + 2], c2)
                plsc.store_scatter(ctab_v, [s8 + 4 * d + 3], c3)
            thr_f = (segv + 1).astype(jnp.float32) * inv_nseg
            plsc.store_scatter(thr_v, [segv], plsc.bitcast(thr_f, jnp.int32))

        NV = SUB // LANES

        def compute(t_v, x_v, y_v):
            def gather_fix(lo, hi):
                @plsc.parallel_loop(lo, hi, LANES)
                def fix(o):
                    tv = t_v[pl.ds(o, LANES)]
                    u = jnp.minimum(tv, tmax) * nseg_f
                    seg = u.astype(jnp.int32)
                    pt = u - seg.astype(jnp.float32)
                    seg8 = seg << 3

                    def g(r):
                        return plsc.load_gather(ctab_v, [seg8 + r])

                    x = ((g(3) * pt + g(2)) * pt + g(1)) * pt + g(0)
                    y = ((g(7) * pt + g(6)) * pt + g(5)) * pt + g(4)
                    x_v[pl.ds(o, LANES)] = x
                    y_v[pl.ds(o, LANES)] = y

            def lane0_bits(i16):
                v = t_v[pl.ds(i16, LANES)]
                return lax.bitcast_convert_type(v[0], jnp.int32)

            def while_cond(istart):
                return istart < SUB

            def while_body(istart):
                tv0 = t_v[pl.ds(istart, LANES)]
                u0 = jnp.minimum(tv0, tmax) * nseg_f
                seg0 = u0.astype(jnp.int32)
                s_spl = plsc.cummax(
                    jnp.where(iv == 0, seg0, jnp.int32(-2147483648))
                )
                thr_b = plsc.load_gather(thr_v, [s_spl])[0]

                def bs_cond(c):
                    return c[0] < c[1]

                def bs_body(c):
                    lo, hi = c
                    mid = (lo + hi) >> 1
                    pred = lane0_bits(mid * LANES) < thr_b
                    return (jnp.where(pred, mid + 1, lo),
                            jnp.where(pred, hi, mid))

                vb = lax.while_loop(
                    bs_cond, bs_body, ((istart >> 4) + 1, jnp.int32(NV))
                )[0]

                head_lo = jnp.maximum(jnp.minimum(istart - LANES, istart & -64), 0)
                head_hi = jnp.minimum((istart + 63) & -64, SUB)
                gather_fix(head_lo, head_hi)

                sf = s_spl.astype(jnp.float32)

                def cseg(r):
                    return plsc.load_gather(ctab_v, [s_spl * 8 + r])

                c0x, c1x, c2x, c3x = cseg(0), cseg(1), cseg(2), cseg(3)
                c0y, c1y, c2y, c3y = cseg(4), cseg(5), cseg(6), cseg(7)
                lo64 = (istart + 63) & -64
                hi64 = jnp.maximum((vb * LANES) & -64, lo64)

                @plsc.parallel_loop(lo64, hi64, 64)
                def dense(i0):
                    for q in range(4):
                        o = i0 + q * LANES
                        tv = t_v[pl.ds(o, LANES)]
                        u = jnp.minimum(tv, tmax) * nseg_f
                        pt = u - sf
                        x = ((c3x * pt + c2x) * pt + c1x) * pt + c0x
                        y = ((c3y * pt + c2y) * pt + c1y) * pt + c0y
                        x_v[pl.ds(o, LANES)] = x
                        y_v[pl.ds(o, LANES)] = y

                return vb * LANES

            lax.while_loop(while_cond, while_body, jnp.int32(0))
            gather_fix(SUB - LANES, SUB)

        for j in range(NB):
            b = j % 2
            in_copy(j, b).wait()
            if j + 1 < NB:
                in_copy(j + 1, 1 - b).start()
            if j >= 2:
                out_copy(j - 2, b, 0, x_bufs[b]).wait()
                out_copy(j - 2, b, 1, y_bufs[b]).wait()
            compute(t_bufs[b], x_bufs[b], y_bufs[b])
            out_copy(j, b, 0, x_bufs[b]).start()
            out_copy(j, b, 1, y_bufs[b]).start()
        for j in (NB - 2, NB - 1):
            b = j % 2
            out_copy(j, b, 0, x_bufs[b]).wait()
            out_copy(j, b, 1, y_bufs[b]).wait()

    return k


def kernel(t, control_points, joint_points):
    ns = joint_points.shape[0] - 1
    n_t = t.shape[0]
    out = _spline_sc(ns, n_t)(
        t, control_points.reshape(-1), joint_points.reshape(-1)
    )
    return out.T

# --- scband reference (transcript-rebuilt; emitter-appended) ---
"""Pipeline reference for scband-spline-10591389352571 (READ-ONLY COPY).

The authoritative reference and input builder live on the scoring server;
editing this copy changes nothing except your own understanding.
"""

import jax, jax.numpy as jnp
import numpy as np
from math import comb

DEGREE = 3
NUM_SEGMENTS = 256
N_T = 1048576
EPS = 1e-10


def bezier_matrix(degree):
    n = degree
    M = np.zeros((n + 1, n + 1), dtype=np.float32)
    for i in range(n + 1):
        for j in range(i + 1):
            M[i, j] = comb(n, j) * comb(n - j, i - j) * ((-1.0) ** (i - j))
    return jnp.asarray(M)


def setup_inputs(seed: int = 0) -> dict:
    key = jax.random.key(seed)
    k1, k2, k3 = jax.random.split(key, 3)
    # t must be sorted ascending for the ragged scatter bookkeeping to be valid
    t = jnp.sort(jax.random.uniform(k1, (N_T,), dtype=jnp.float32))
    control_points = jax.random.normal(k2, (NUM_SEGMENTS * (DEGREE - 1), 2), dtype=jnp.float32)
    joint_points = jax.random.normal(k3, (NUM_SEGMENTS + 1, 2), dtype=jnp.float32)
    return {"t": t, "control_points": control_points, "joint_points": joint_points}


def reference(t, control_points, joint_points):
    num_segments = joint_points.shape[0] - 1
    degree = DEGREE
    max_degree = degree + 1
    t = jnp.minimum(t, 1.0 - EPS)
    u = num_segments * t
    point_index = jnp.floor(u).astype(jnp.int32)
    polynomial_t = u - point_index.astype(u.dtype)
    last = point_index == num_segments
    point_index = jnp.where(last, num_segments - 1, point_index)
    polynomial_t = jnp.where(last, 1.0, polynomial_t)
    powers = jnp.stack([jnp.ones_like(polynomial_t)] + [polynomial_t ** i for i in range(1, max_degree)], axis=1)
    ctrl = control_points.reshape(num_segments, degree - 1, -1)
    points = jnp.concatenate([joint_points[:-1, None, :], ctrl, joint_points[1:, None, :]], axis=1)
    M = bezier_matrix(degree)
    basis = powers @ M
    return jnp.einsum('nk,nkd->nd', basis, points[point_index])

if __name__ == "__main__":
    import jax
    _d = setup_inputs()
    print(jax.jit(kernel)(*tuple(_d.values())))

</pallas_src>

<mosaic_0001>
#map = affine_map<(d0, d1) -> (0)>
#map1 = affine_map<(d0, d1) -> (0, 0)>
module attributes {stable_mosaic.version = 14 : i64} {
  func.func @k(%arg0: i32, %arg1: i32, %arg2: memref<1048576xf32, #tpu.memory_space<hbm>>, %arg3: memref<1024xf32, #tpu.memory_space<hbm>>, %arg4: memref<514xf32, #tpu.memory_space<hbm>>, %arg5: memref<2x1048576xf32, #tpu.memory_space<hbm>>, %arg6: memref<16384xf32, #tpu.memory_space<vmem>>, %arg7: memref<16384xf32, #tpu.memory_space<vmem>>, %arg8: memref<16384xf32, #tpu.memory_space<vmem>>, %arg9: memref<16384xf32, #tpu.memory_space<vmem>>, %arg10: memref<16384xf32, #tpu.memory_space<vmem>>, %arg11: memref<16384xf32, #tpu.memory_space<vmem>>, %arg12: memref<2064xf32, #tpu.memory_space<vmem>>, %arg13: memref<256xi32, #tpu.memory_space<vmem>>, %arg14: memref<1024xf32, #tpu.memory_space<vmem>>, %arg15: memref<514xf32, #tpu.memory_space<vmem>>, %arg16: memref<!tpu.dma_semaphore, #tpu.memory_space<semaphore_mem>>, %arg17: memref<!tpu.dma_semaphore, #tpu.memory_space<semaphore_mem>>, %arg18: memref<!tpu.dma_semaphore, #tpu.memory_space<semaphore_mem>>, %arg19: memref<!tpu.dma_semaphore, #tpu.memory_space<semaphore_mem>>) attributes {dimension_semantics = [#tpu.dimension_semantics<core_parallel>, #tpu.dimension_semantics<subcore_parallel>], iteration_bounds = array<i64: 2, 16>, scalar_prefetch = 0 : i64, scratch_operands = 14 : i64, tpu.core_type = #tpu.core_type<sc_vector_subcore>, window_params = [{transform_indices = #map}, {transform_indices = #map}, {transform_indices = #map}, {transform_indices = #map1}]} {
    %mul3A = arith.constant 2 : i32
    %mul3A_0 = arith.muli %arg1, %mul3A : i32
    %add3A = arith.addi %mul3A_0, %arg0 : i32
    %mul3A_1 = arith.constant 32768 : i32
    %mul3A_2 = arith.muli %add3A, %mul3A_1 : i32
    %add3A_3 = arith.constant 0 : i32
    %add3A_4 = arith.addi %mul3A_2, %add3A_3 : i32
    %dma_start3A = tpu.memref_slice %arg2[%add3A_4] : memref<1048576xf32, #tpu.memory_space<hbm>> -> memref<16384xf32, #tpu.memory_space<hbm>>
    %dma_start3A_5 = tpu.memref_slice %arg2[%add3A_4] : memref<1048576xf32, #tpu.memory_space<hbm>> -> memref<16384xf32, #tpu.memory_space<hbm>>
    tpu.enqueue_dma source(%dma_start3A_5 : memref<16384xf32, #tpu.memory_space<hbm>>) target(%arg6 : memref<16384xf32, #tpu.memory_space<vmem>>) target_semaphore(%arg16 : memref<!tpu.dma_semaphore, #tpu.memory_space<semaphore_mem>>)
    "tpu.region"() ({
      %run_scoped3A = tpu.sem_alloc : memref<!tpu.dma_semaphore, #tpu.memory_space<semaphore_mem>>
      tpu.enqueue_dma source(%arg3 : memref<1024xf32, #tpu.memory_space<hbm>>) target(%arg14 : memref<1024xf32, #tpu.memory_space<vmem>>) target_semaphore(%run_scoped3A : memref<!tpu.dma_semaphore, #tpu.memory_space<semaphore_mem>>)
      tpu.wait_dma2 semaphore(%run_scoped3A : memref<!tpu.dma_semaphore, #tpu.memory_space<semaphore_mem>>) src(%arg3 : memref<1024xf32, #tpu.memory_space<hbm>>) dst(%arg14 : memref<1024xf32, #tpu.memory_space<vmem>>)
      tpu.yield
    }) : () -> ()
    "tpu.region"() ({
      %run_scoped3A = tpu.sem_alloc : memref<!tpu.dma_semaphore, #tpu.memory_space<semaphore_mem>>
      tpu.enqueue_dma source(%arg4 : memref<514xf32, #tpu.memory_space<hbm>>) target(%arg15 : memref<514xf32, #tpu.memory_space<vmem>>) target_semaphore(%run_scoped3A : memref<!tpu.dma_semaphore, #tpu.memory_space<semaphore_mem>>)
      tpu.wait_dma2 semaphore(%run_scoped3A : memref<!tpu.dma_semaphore, #tpu.memory_space<semaphore_mem>>) src(%arg4 : memref<514xf32, #tpu.memory_space<hbm>>) dst(%arg15 : memref<514xf32, #tpu.memory_space<vmem>>)
      tpu.yield
    }) : () -> ()
    %iota3A = tpu.iota {dimensions = array<i32: 0>} : vector<16xi32>
    %parallel_loop3A = arith.constant 0 : i32
    %parallel_loop3A_6 = arith.constant 256 : i32
    %parallel_loop3A_7 = arith.constant 16 : i32
    scf.for %parallel_loop3A_84 = %parallel_loop3A to %parallel_loop3A_6 step %parallel_loop3A_7  : i32 {
      %parallel_loop3A_85 = vector.broadcast %parallel_loop3A_84 : i32 to vector<16xi32>
      %parallel_loop3A_86 = arith.addi %parallel_loop3A_85, %iota3A : vector<16xi32>
      %parallel_loop3A_87 = arith.constant 2 : i32
      %parallel_loop3A_88 = vector.broadcast %parallel_loop3A_87 : i32 to vector<16xi32>
      %parallel_loop3A_89 = arith.muli %parallel_loop3A_86, %parallel_loop3A_88 : vector<16xi32>
      %parallel_loop3A_90 = arith.constant 4 : i32
      %parallel_loop3A_91 = vector.broadcast %parallel_loop3A_90 : i32 to vector<16xi32>
      %parallel_loop3A_92 = arith.muli %parallel_loop3A_86, %parallel_loop3A_91 : vector<16xi32>
      %parallel_loop3A_93 = arith.constant 8 : i32
      %parallel_loop3A_94 = vector.broadcast %parallel_loop3A_93 : i32 to vector<16xi32>
      %parallel_loop3A_95 = arith.muli %parallel_loop3A_86, %parallel_loop3A_94 : vector<16xi32>
      %parallel_loop3A_96 = arith.constant 0 : i32
      %parallel_loop3A_97 = vector.broadcast %parallel_loop3A_96 : i32 to vector<16xi32>
      %parallel_loop3A_98 = arith.addi %parallel_loop3A_89, %parallel_loop3A_97 : vector<16xi32>
      %parallel_loop3A_99 = tpu.vector_load_idx %arg15[%parallel_loop3A_98] : memref<514xf32, #tpu.memory_space<vmem>>[vector<16xi32>], vector<16xf32>,
      %parallel_loop3A_100 = arith.constant 0 : i32
      %parallel_loop3A_101 = vector.broadcast %parallel_loop3A_100 : i32 to vector<16xi32>
      %parallel_loop3A_102 = arith.addi %parallel_loop3A_92, %parallel_loop3A_101 : vector<16xi32>
      %parallel_loop3A_103 = tpu.vector_load_idx %arg14[%parallel_loop3A_102] : memref<1024xf32, #tpu.memory_space<vmem>>[vector<16xi32>], vector<16xf32>,
      %parallel_loop3A_104 = arith.constant 2 : i32
      %parallel_loop3A_105 = vector.broadcast %parallel_loop3A_104 : i32 to vector<16xi32>
      %parallel_loop3A_106 = arith.addi %parallel_loop3A_92, %parallel_loop3A_105 : vector<16xi32>
      %parallel_loop3A_107 = tpu.vector_load_idx %arg14[%parallel_loop3A_106] : memref<1024xf32, #tpu.memory_space<vmem>>[vector<16xi32>], vector<16xf32>,
      %parallel_loop3A_108 = arith.constant 2 : i32
      %parallel_loop3A_109 = vector.broadcast %parallel_loop3A_108 : i32 to vector<16xi32>
      %parallel_loop3A_110 = arith.addi %parallel_loop3A_89, %parallel_loop3A_109 : vector<16xi32>
      %parallel_loop3A_111 = tpu.vector_load_idx %arg15[%parallel_loop3A_110] : memref<514xf32, #tpu.memory_space<vmem>>[vector<16xi32>], vector<16xf32>,
      %parallel_loop3A_112 = arith.subf %parallel_loop3A_103, %parallel_loop3A_99 : vector<16xf32>
      %parallel_loop3A_113 = arith.constant 3.000000e+00 : f32
      %parallel_loop3A_114 = vector.broadcast %parallel_loop3A_113 : f32 to vector<16xf32>
      %parallel_loop3A_115 = arith.mulf %parallel_loop3A_114, %parallel_loop3A_112 : vector<16xf32>
      %parallel_loop3A_116 = arith.subf %parallel_loop3A_99, %parallel_loop3A_103 : vector<16xf32>
      %parallel_loop3A_117 = arith.subf %parallel_loop3A_107, %parallel_loop3A_103 : vector<16xf32>
      %parallel_loop3A_118 = arith.addf %parallel_loop3A_116, %parallel_loop3A_117 : vector<16xf32>
      %parallel_loop3A_119 = arith.constant 3.000000e+00 : f32
      %parallel_loop3A_120 = vector.broadcast %parallel_loop3A_119 : f32 to vector<16xf32>
      %parallel_loop3A_121 = arith.mulf %parallel_loop3A_120, %parallel_loop3A_118 : vector<16xf32>
      %parallel_loop3A_122 = arith.subf %parallel_loop3A_111, %parallel_loop3A_99 : vector<16xf32>
      %parallel_loop3A_123 = arith.subf %parallel_loop3A_103, %parallel_loop3A_107 : vector<16xf32>
      %parallel_loop3A_124 = arith.constant 3.000000e+00 : f32
      %parallel_loop3A_125 = vector.broadcast %parallel_loop3A_124 : f32 to vector<16xf32>
      %parallel_loop3A_126 = arith.mulf %parallel_loop3A_125, %parallel_loop3A_123 : vector<16xf32>
      %parallel_loop3A_127 = arith.addf %parallel_loop3A_122, %parallel_loop3A_126 : vector<16xf32>
      %parallel_loop3A_128 = arith.constant 0 : i32
      %parallel_loop3A_129 = vector.broadcast %parallel_loop3A_128 : i32 to vector<16xi32>
      %parallel_loop3A_130 = arith.addi %parallel_loop3A_95, %parallel_loop3A_129 : vector<16xi32>
      tpu.vector_store_idx %arg12[%parallel_loop3A_130], %parallel_loop3A_99 : memref<2064xf32, #tpu.memory_space<vmem>>[vector<16xi32>], vector<16xf32>,
      %parallel_loop3A_131 = arith.constant 0 : i32
      %parallel_loop3A_132 = vector.broadcast %parallel_loop3A_131 : i32 to vector<16xi32>
      %parallel_loop3A_133 = arith.addi %parallel_loop3A_95, %parallel_loop3A_132 : vector<16xi32>
      %parallel_loop3A_134 = arith.constant 1 : i32
      %parallel_loop3A_135 = vector.broadcast %parallel_loop3A_134 : i32 to vector<16xi32>
      %parallel_loop3A_136 = arith.addi %parallel_loop3A_133, %parallel_loop3A_135 : vector<16xi32>
      tpu.vector_store_idx %arg12[%parallel_loop3A_136], %parallel_loop3A_115 : memref<2064xf32, #tpu.memory_space<vmem>>[vector<16xi32>], vector<16xf32>,
      %parallel_loop3A_137 = arith.constant 0 : i32
      %parallel_loop3A_138 = vector.broadcast %parallel_loop3A_137 : i32 to vector<16xi32>
      %parallel_loop3A_139 = arith.addi %parallel_loop3A_95, %parallel_loop3A_138 : vector<16xi32>
      %parallel_loop3A_140 = arith.constant 2 : i32
      %parallel_loop3A_141 = vector.broadcast %parallel_loop3A_140 : i32 to vector<16xi32>
      %parallel_loop3A_142 = arith.addi %parallel_loop3A_139, %parallel_loop3A_141 : vector<16xi32>
      tpu.vector_store_idx %arg12[%parallel_loop3A_142], %parallel_loop3A_121 : memref<2064xf32, #tpu.memory_space<vmem>>[vector<16xi32>], vector<16xf32>,
      %parallel_loop3A_143 = arith.constant 0 : i32
      %parallel_loop3A_144 = vector.broadcast %parallel_loop3A_143 : i32 to vector<16xi32>
      %parallel_loop3A_145 = arith.addi %parallel_loop3A_95, %parallel_loop3A_144 : vector<16xi32>
      %parallel_loop3A_146 = arith.constant 3 : i32
      %parallel_loop3A_147 = vector.broadcast %parallel_loop3A_146 : i32 to vector<16xi32>
      %parallel_loop3A_148 = arith.addi %parallel_loop3A_145, %parallel_loop3A_147 : vector<16xi32>
      tpu.vector_store_idx %arg12[%parallel_loop3A_148], %parallel_loop3A_127 : memref<2064xf32, #tpu.memory_space<vmem>>[vector<16xi32>], vector<16xf32>,
      %parallel_loop3A_149 = arith.constant 1 : i32
      %parallel_loop3A_150 = vector.broadcast %parallel_loop3A_149 : i32 to vector<16xi32>
      %parallel_loop3A_151 = arith.addi %parallel_loop3A_89, %parallel_loop3A_150 : vector<16xi32>
      %parallel_loop3A_152 = tpu.vector_load_idx %arg15[%parallel_loop3A_151] : memref<514xf32, #tpu.memory_space<vmem>>[vector<16xi32>], vector<16xf32>,
      %parallel_loop3A_153 = arith.constant 1 : i32
      %parallel_loop3A_154 = vector.broadcast %parallel_loop3A_153 : i32 to vector<16xi32>
      %parallel_loop3A_155 = arith.addi %parallel_loop3A_92, %parallel_loop3A_154 : vector<16xi32>
      %parallel_loop3A_156 = tpu.vector_load_idx %arg14[%parallel_loop3A_155] : memref<1024xf32, #tpu.memory_space<vmem>>[vector<16xi32>], vector<16xf32>,
      %parallel_loop3A_157 = arith.constant 3 : i32
      %parallel_loop3A_158 = vector.broadcast %parallel_loop3A_157 : i32 to vector<16xi32>
      %parallel_loop3A_159 = arith.addi %parallel_loop3A_92, %parallel_loop3A_158 : vector<16xi32>
      %parallel_loop3A_160 = tpu.vector_load_idx %arg14[%parallel_loop3A_159] : memref<1024xf32, #tpu.memory_space<vmem>>[vector<16xi32>], vector<16xf32>,
      %parallel_loop3A_161 = arith.constant 3 : i32
      %parallel_loop3A_162 = vector.broadcast %parallel_loop3A_161 : i32 to vector<16xi32>
      %parallel_loop3A_163 = arith.addi %parallel_loop3A_89, %parallel_loop3A_162 : vector<16xi32>
      %parallel_loop3A_164 = tpu.vector_load_idx %arg15[%parallel_loop3A_163] : memref<514xf32, #tpu.memory_space<vmem>>[vector<16xi32>], vector<16xf32>,
      %parallel_loop3A_165 = arith.subf %parallel_loop3A_156, %parallel_loop3A_152 : vector<16xf32>
      %parallel_loop3A_166 = arith.constant 3.000000e+00 : f32
      %parallel_loop3A_167 = vector.broadcast %parallel_loop3A_166 : f32 to vector<16xf32>
      %parallel_loop3A_168 = arith.mulf %parallel_loop3A_167, %parallel_loop3A_165 : vector<16xf32>
      %parallel_loop3A_169 = arith.subf %parallel_loop3A_152, %parallel_loop3A_156 : vector<16xf32>
      %parallel_loop3A_170 = arith.subf %parallel_loop3A_160, %parallel_loop3A_156 : vector<16xf32>
      %parallel_loop3A_171 = arith.addf %parallel_loop3A_169, %parallel_loop3A_170 : vector<16xf32>
      %parallel_loop3A_172 = arith.constant 3.000000e+00 : f32
      %parallel_loop3A_173 = vector.broadcast %parallel_loop3A_172 : f32 to vector<16xf32>
      %parallel_loop3A_174 = arith.mulf %parallel_loop3A_173, %parallel_loop3A_171 : vector<16xf32>
      %parallel_loop3A_175 = arith.subf %parallel_loop3A_164, %parallel_loop3A_152 : vector<16xf32>
      %parallel_loop3A_176 = arith.subf %parallel_loop3A_156, %parallel_loop3A_160 : vector<16xf32>
      %parallel_loop3A_177 = arith.constant 3.000000e+00 : f32
      %parallel_loop3A_178 = vector.broadcast %parallel_loop3A_177 : f32 to vector<16xf32>
      %parallel_loop3A_179 = arith.mulf %parallel_loop3A_178, %parallel_loop3A_176 : vector<16xf32>
      %parallel_loop3A_180 = arith.addf %parallel_loop3A_175, %parallel_loop3A_179 : vector<16xf32>
      %parallel_loop3A_181 = arith.constant 4 : i32
      %parallel_loop3A_182 = vector.broadcast %parallel_loop3A_181 : i32 to vector<16xi32>
      %parallel_loop3A_183 = arith.addi %parallel_loop3A_95, %parallel_loop3A_182 : vector<16xi32>
      tpu.vector_store_idx %arg12[%parallel_loop3A_183], %parallel_loop3A_152 : memref<2064xf32, #tpu.memory_space<vmem>>[vector<16xi32>], vector<16xf32>,
      %parallel_loop3A_184 = arith.constant 4 : i32
      %parallel_loop3A_185 = vector.broadcast %parallel_loop3A_184 : i32 to vector<16xi32>
      %parallel_loop3A_186 = arith.addi %parallel_loop3A_95, %parallel_loop3A_185 : vector<16xi32>
      %parallel_loop3A_187 = arith.constant 1 : i32
      %parallel_loop3A_188 = vector.broadcast %parallel_loop3A_187 : i32 to vector<16xi32>
      %parallel_loop3A_189 = arith.addi %parallel_loop3A_186, %parallel_loop3A_188 : vector<16xi32>
      tpu.vector_store_idx %arg12[%parallel_loop3A_189], %parallel_loop3A_168 : memref<2064xf32, #tpu.memory_space<vmem>>[vector<16xi32>], vector<16xf32>,
      %parallel_loop3A_190 = arith.constant 4 : i32
      %parallel_loop3A_191 = vector.broadcast %parallel_loop3A_190 : i32 to vector<16xi32>
      %parallel_loop3A_192 = arith.addi %parallel_loop3A_95, %parallel_loop3A_191 : vector<16xi32>
      %parallel_loop3A_193 = arith.constant 2 : i32
      %parallel_loop3A_194 = vector.broadcast %parallel_loop3A_193 : i32 to vector<16xi32>
      %parallel_loop3A_195 = arith.addi %parallel_loop3A_192, %parallel_loop3A_194 : vector<16xi32>
      tpu.vector_store_idx %arg12[%parallel_loop3A_195], %parallel_loop3A_174 : memref<2064xf32, #tpu.memory_space<vmem>>[vector<16xi32>], vector<16xf32>,
      %parallel_loop3A_196 = arith.constant 4 : i32
      %parallel_loop3A_197 = vector.broadcast %parallel_loop3A_196 : i32 to vector<16xi32>
      %parallel_loop3A_198 = arith.addi %parallel_loop3A_95, %parallel_loop3A_197 : vector<16xi32>
      %parallel_loop3A_199 = arith.constant 3 : i32
      %parallel_loop3A_200 = vector.broadcast %parallel_loop3A_199 : i32 to vector<16xi32>
      %parallel_loop3A_201 = arith.addi %parallel_loop3A_198, %parallel_loop3A_200 : vector<16xi32>
      tpu.vector_store_idx %arg12[%parallel_loop3A_201], %parallel_loop3A_180 : memref<2064xf32, #tpu.memory_space<vmem>>[vector<16xi32>], vector<16xf32>,
      %parallel_loop3A_202 = arith.constant 1 : i32
      %parallel_loop3A_203 = vector.broadcast %parallel_loop3A_202 : i32 to vector<16xi32>
      %parallel_loop3A_204 = arith.addi %parallel_loop3A_86, %parallel_loop3A_203 : vector<16xi32>
      %parallel_loop3A_205 = arith.sitofp %parallel_loop3A_204 : vector<16xi32> to vector<16xf32>
      %parallel_loop3A_206 = arith.constant 3.906250e-03 : f32
      %parallel_loop3A_207 = vector.broadcast %parallel_loop3A_206 : f32 to vector<16xf32>
      %parallel_loop3A_208 = arith.mulf %parallel_loop3A_205, %parallel_loop3A_207 : vector<16xf32>
      %parallel_loop3A_209 = vector.bitcast %parallel_loop3A_208 : vector<16xf32> to vector<16xi32>
      tpu.vector_store_idx %arg13[%parallel_loop3A_86], %parallel_loop3A_209 : memref<256xi32, #tpu.memory_space<vmem>>[vector<16xi32>], vector<16xi32>,
    } {sc.loop_unroll_factor = 1 : i64, sc.parallel_access}
    %add3A_8 = arith.constant 0 : i32
    %add3A_9 = arith.addi %mul3A_2, %add3A_8 : i32
    %dma_wait3A = tpu.memref_slice %arg2[%add3A_9] : memref<1048576xf32, #tpu.memory_space<hbm>> -> memref<16384xf32, #tpu.memory_space<hbm>>
    %dma_wait3A_10 = tpu.memref_slice %arg2[%add3A_9] : memref<1048576xf32, #tpu.memory_space<hbm>> -> memref<16384xf32, #tpu.memory_space<hbm>>
    tpu.wait_dma2 semaphore(%arg16 : memref<!tpu.dma_semaphore, #tpu.memory_space<semaphore_mem>>) src(%dma_wait3A_10 : memref<16384xf32, #tpu.memory_space<hbm>>) dst(%arg6 : memref<16384xf32, #tpu.memory_space<vmem>>)
    %add3A_11 = arith.constant 16384 : i32
    %add3A_12 = arith.addi %mul3A_2, %add3A_11 : i32
    %dma_start3A_13 = tpu.memref_slice %arg2[%add3A_12] : memref<1048576xf32, #tpu.memory_space<hbm>> -> memref<16384xf32, #tpu.memory_space<hbm>>
    %dma_start3A_14 = tpu.memref_slice %arg2[%add3A_12] : memref<1048576xf32, #tpu.memory_space<hbm>> -> memref<16384xf32, #tpu.memory_space<hbm>>
    tpu.enqueue_dma source(%dma_start3A_14 : memref<16384xf32, #tpu.memory_space<hbm>>) target(%arg7 : memref<16384xf32, #tpu.memory_space<vmem>>) target_semaphore(%arg17 : memref<!tpu.dma_semaphore, #tpu.memory_space<semaphore_mem>>)
    %while3A = arith.constant 0 : i32
    %while3A_15 = scf.while (%while3A_84 = %while3A) : (i32) -> i32 {
      %lt3A = arith.constant 16384 : i32
      %lt3A_85 = arith.cmpi slt, %while3A_84, %lt3A : i32
      scf.condition(%lt3A_85) %while3A_84 : i32
    } do {
    ^bb0(%while3A_84: i32):
      %get3A = arith.index_cast %while3A_84 : i32 to index
      %get3A_85 = tpu.vector_load %arg6[%get3A] {strides = array<i32>} : memref<16384xf32, #tpu.memory_space<vmem>>, vector<16xf32>,
      %min3A = arith.constant 0.99999994 : f32
      %min3A_86 = vector.broadcast %min3A : f32 to vector<16xf32>
      %min3A_87 = arith.minimumf %get3A_85, %min3A_86 : vector<16xf32>
      %mul3A_88 = arith.constant 2.560000e+02 : f32
      %mul3A_89 = vector.broadcast %mul3A_88 : f32 to vector<16xf32>
      %mul3A_90 = arith.mulf %min3A_87, %mul3A_89 : vector<16xf32>
      %convert_element_type3A = arith.fptosi %mul3A_90 : vector<16xf32> to vector<16xi32>
      %eq3A = arith.constant 0 : i32
      %eq3A_91 = vector.broadcast %eq3A : i32 to vector<16xi32>
      %eq3A_92 = arith.cmpi eq, %iota3A, %eq3A_91 : vector<16xi32>
      %jit3A = arith.constant -2147483648 : i32
      %broadcast_in_dim3A = vector.broadcast %jit3A : i32 to vector<16xi32>
      %select_n3A = arith.select %eq3A_92, %convert_element_type3A, %broadcast_in_dim3A : vector<16xi1>, vector<16xi32>
      %broadcast_in_dim3A_93 = arith.constant true
      %broadcast_in_dim3A_94 = vector.broadcast %broadcast_in_dim3A_93 : i1 to vector<16xi1>
      %masked_cummax3A = arith.constant -2147483648 : i32
      %masked_cummax3A_95 = vector.broadcast %masked_cummax3A : i32 to vector<16xi32>
      %masked_cummax3A_96 = arith.xori %select_n3A, %masked_cummax3A_95 : vector<16xi32>
      %masked_cummax3A_97 = tpu.scan <max>, %masked_cummax3A_96 masked %broadcast_in_dim3A_94 : vector<16xi32>, vector<16xi1> -> vector<16xi32>
      %masked_cummax3A_98 = arith.xori %masked_cummax3A_97, %masked_cummax3A_95 : vector<16xi32>
      %gather3A = tpu.vector_load_idx %arg13[%masked_cummax3A_98] : memref<256xi32, #tpu.memory_space<vmem>>[vector<16xi32>], vector<16xi32>,
      %slice3A = vector.extract_strided_slice %gather3A {offsets = [0], sizes = [1], strides = [1]} : vector<16xi32> to vector<1xi32>
      %squeeze3A = vector.extract %slice3A[0] : i32 from vector<1xi32>
      %shift_right_arithmetic3A = arith.constant 4 : i32
      %shift_right_arithmetic3A_99 = arith.shrsi %while3A_84, %shift_right_arithmetic3A : i32
      %add3A_100 = arith.constant 1 : i32
      %add3A_101 = arith.addi %shift_right_arithmetic3A_99, %add3A_100 : i32
      %while3A_102 = arith.constant 1024 : i32
      %while3A_103:2 = scf.while (%while3A_184 = %add3A_101, %while3A_185 = %while3A_102) : (i32, i32) -> (i32, i32) {
        %lt3A = arith.cmpi slt, %while3A_184, %while3A_185 : i32
        scf.condition(%lt3A) %while3A_184, %while3A_185 : i32, i32
      } do {
      ^bb0(%while3A_184: i32, %while3A_185: i32):
        %add3A_186 = arith.addi %while3A_184, %while3A_185 : i32
        %shift_right_arithmetic3A_187 = arith.constant 1 : i32
        %shift_right_arithmetic3A_188 = arith.shrsi %add3A_186, %shift_right_arithmetic3A_187 : i32
        %mul3A_189 = arith.constant 16 : i32
        %mul3A_190 = arith.muli %shift_right_arithmetic3A_188, %mul3A_189 : i32
        %get3A_191 = arith.index_cast %mul3A_190 : i32 to index
        %get3A_192 = tpu.vector_load %arg6[%get3A_191] {strides = array<i32>} : memref<16384xf32, #tpu.memory_space<vmem>>, vector<16xf32>,
        %slice3A_193 = vector.extract_strided_slice %get3A_192 {offsets = [0], sizes = [1], strides = [1]} : vector<16xf32> to vector<1xf32>
        %squeeze3A_194 = vector.extract %slice3A_193[0] : f32 from vector<1xf32>
        %bitcast_convert_type3A = arith.bitcast %squeeze3A_194 : f32 to i32
        %lt3A = arith.cmpi slt, %bitcast_convert_type3A, %squeeze3A : i32
        %add3A_195 = arith.constant 1 : i32
        %add3A_196 = arith.addi %shift_right_arithmetic3A_188, %add3A_195 : i32
        %select_n3A_197 = arith.select %lt3A, %add3A_196, %while3A_184 : i32
        %select_n3A_198 = arith.select %lt3A, %while3A_185, %shift_right_arithmetic3A_188 : i32
        scf.yield %select_n3A_197, %select_n3A_198 : i32, i32
      }
      %sub3A = arith.constant 16 : i32
      %sub3A_104 = arith.subi %while3A_84, %sub3A : i32
      %and3A = arith.constant -64 : i32
      %and3A_105 = arith.andi %while3A_84, %and3A : i32
      %min3A_106 = arith.minsi %sub3A_104, %and3A_105 : i32
      %max3A = arith.constant 0 : i32
      %max3A_107 = arith.maxsi %min3A_106, %max3A : i32
      %add3A_108 = arith.constant 63 : i32
      %add3A_109 = arith.addi %while3A_84, %add3A_108 : i32
      %and3A_110 = arith.constant -64 : i32
      %and3A_111 = arith.andi %add3A_109, %and3A_110 : i32
      %min3A_112 = arith.constant 16384 : i32
      %min3A_113 = arith.minsi %and3A_111, %min3A_112 : i32
      %parallel_loop3A_114 = arith.constant 16 : i32
      scf.for %parallel_loop3A_184 = %max3A_107 to %min3A_113 step %parallel_loop3A_114  : i32 {
        %parallel_loop3A_185 = arith.index_cast %parallel_loop3A_184 : i32 to index
        %parallel_loop3A_186 = tpu.vector_load %arg6[%parallel_loop3A_185] {strides = array<i32>} : memref<16384xf32, #tpu.memory_space<vmem>>, vector<16xf32>,
        %parallel_loop3A_187 = arith.constant 0.99999994 : f32
        %parallel_loop3A_188 = vector.broadcast %parallel_loop3A_187 : f32 to vector<16xf32>
        %parallel_loop3A_189 = arith.minimumf %parallel_loop3A_186, %parallel_loop3A_188 : vector<16xf32>
        %parallel_loop3A_190 = arith.constant 2.560000e+02 : f32
        %parallel_loop3A_191 = vector.broadcast %parallel_loop3A_190 : f32 to vector<16xf32>
        %parallel_loop3A_192 = arith.mulf %parallel_loop3A_189, %parallel_loop3A_191 : vector<16xf32>
        %parallel_loop3A_193 = arith.fptosi %parallel_loop3A_192 : vector<16xf32> to vector<16xi32>
        %parallel_loop3A_194 = arith.sitofp %parallel_loop3A_193 : vector<16xi32> to vector<16xf32>
        %parallel_loop3A_195 = arith.subf %parallel_loop3A_192, %parallel_loop3A_194 : vector<16xf32>
        %parallel_loop3A_196 = arith.constant 3 : i32
        %parallel_loop3A_197 = vector.broadcast %parallel_loop3A_196 : i32 to vector<16xi32>
        %parallel_loop3A_198 = arith.shli %parallel_loop3A_193, %parallel_loop3A_197 : vector<16xi32>
        %parallel_loop3A_199 = arith.constant 3 : i32
        %parallel_loop3A_200 = vector.broadcast %parallel_loop3A_199 : i32 to vector<16xi32>
        %parallel_loop3A_201 = arith.addi %parallel_loop3A_198, %parallel_loop3A_200 : vector<16xi32>
        %parallel_loop3A_202 = tpu.vector_load_idx %arg12[%parallel_loop3A_201] : memref<2064xf32, #tpu.memory_space<vmem>>[vector<16xi32>], vector<16xf32>,
        %parallel_loop3A_203 = arith.mulf %parallel_loop3A_202, %parallel_loop3A_195 : vector<16xf32>
        %parallel_loop3A_204 = arith.constant 2 : i32
        %parallel_loop3A_205 = vector.broadcast %parallel_loop3A_204 : i32 to vector<16xi32>
        %parallel_loop3A_206 = arith.addi %parallel_loop3A_198, %parallel_loop3A_205 : vector<16xi32>
        %parallel_loop3A_207 = tpu.vector_load_idx %arg12[%parallel_loop3A_206] : memref<2064xf32, #tpu.memory_space<vmem>>[vector<16xi32>], vector<16xf32>,
        %parallel_loop3A_208 = arith.addf %parallel_loop3A_203, %parallel_loop3A_207 : vector<16xf32>
        %parallel_loop3A_209 = arith.mulf %parallel_loop3A_208, %parallel_loop3A_195 : vector<16xf32>
        %parallel_loop3A_210 = arith.constant 1 : i32
        %parallel_loop3A_211 = vector.broadcast %parallel_loop3A_210 : i32 to vector<16xi32>
        %parallel_loop3A_212 = arith.addi %parallel_loop3A_198, %parallel_loop3A_211 : vector<16xi32>
        %parallel_loop3A_213 = tpu.vector_load_idx %arg12[%parallel_loop3A_212] : memref<2064xf32, #tpu.memory_space<vmem>>[vector<16xi32>], vector<16xf32>,
        %parallel_loop3A_214 = arith.addf %parallel_loop3A_209, %parallel_loop3A_213 : vector<16xf32>
        %parallel_loop3A_215 = arith.mulf %parallel_loop3A_214, %parallel_loop3A_195 : vector<16xf32>
        %parallel_loop3A_216 = arith.constant 0 : i32
        %parallel_loop3A_217 = vector.broadcast %parallel_loop3A_216 : i32 to vector<16xi32>
        %parallel_loop3A_218 = arith.addi %parallel_loop3A_198, %parallel_loop3A_217 : vector<16xi32>
        %parallel_loop3A_219 = tpu.vector_load_idx %arg12[%parallel_loop3A_218] : memref<2064xf32, #tpu.memory_space<vmem>>[vector<16xi32>], vector<16xf32>,
        %parallel_loop3A_220 = arith.addf %parallel_loop3A_215, %parallel_loop3A_219 : vector<16xf32>
        %parallel_loop3A_221 = arith.constant 7 : i32
        %parallel_loop3A_222 = vector.broadcast %parallel_loop3A_221 : i32 to vector<16xi32>
        %parallel_loop3A_223 = arith.addi %parallel_loop3A_198, %parallel_loop3A_222 : vector<16xi32>
        %parallel_loop3A_224 = tpu.vector_load_idx %arg12[%parallel_loop3A_223] : memref<2064xf32, #tpu.memory_space<vmem>>[vector<16xi32>], vector<16xf32>,
        %parallel_loop3A_225 = arith.mulf %parallel_loop3A_224, %parallel_loop3A_195 : vector<16xf32>
        %parallel_loop3A_226 = arith.constant 6 : i32
        %parallel_loop3A_227 = vector.broadcast %parallel_loop3A_226 : i32 to vector<16xi32>
        %parallel_loop3A_228 = arith.addi %parallel_loop3A_198, %parallel_loop3A_227 : vector<16xi32>
        %parallel_loop3A_229 = tpu.vector_load_idx %arg12[%parallel_loop3A_228] : memref<2064xf32, #tpu.memory_space<vmem>>[vector<16xi32>], vector<16xf32>,
        %parallel_loop3A_230 = arith.addf %parallel_loop3A_225, %parallel_loop3A_229 : vector<16xf32>
        %parallel_loop3A_231 = arith.mulf %parallel_loop3A_230, %parallel_loop3A_195 : vector<16xf32>
        %parallel_loop3A_232 = arith.constant 5 : i32
        %parallel_loop3A_233 = vector.broadcast %parallel_loop3A_232 : i32 to vector<16xi32>
        %parallel_loop3A_234 = arith.addi %parallel_loop3A_198, %parallel_loop3A_233 : vector<16xi32>
        %parallel_loop3A_235 = tpu.vector_load_idx %arg12[%parallel_loop3A_234] : memref<2064xf32, #tpu.memory_space<vmem>>[vector<16xi32>], vector<16xf32>,
        %parallel_loop3A_236 = arith.addf %parallel_loop3A_231, %parallel_loop3A_235 : vector<16xf32>
        %parallel_loop3A_237 = arith.mulf %parallel_loop3A_236, %parallel_loop3A_195 : vector<16xf32>
        %parallel_loop3A_238 = arith.constant 4 : i32
        %parallel_loop3A_239 = vector.broadcast %parallel_loop3A_238 : i32 to vector<16xi32>
        %parallel_loop3A_240 = arith.addi %parallel_loop3A_198, %parallel_loop3A_239 : vector<16xi32>
        %parallel_loop3A_241 = tpu.vector_load_idx %arg12[%parallel_loop3A_240] : memref<2064xf32, #tpu.memory_space<vmem>>[vector<16xi32>], vector<16xf32>,
        %parallel_loop3A_242 = arith.addf %parallel_loop3A_237, %parallel_loop3A_241 : vector<16xf32>
        %parallel_loop3A_243 = arith.index_cast %parallel_loop3A_184 : i32 to index
        %parallel_loop3A_244 = tpu.vector_load %arg8[%parallel_loop3A_243] {strides = array<i32>} : memref<16384xf32, #tpu.memory_space<vmem>>, vector<16xf32>,
        tpu.vector_store %arg8[%parallel_loop3A_243], %parallel_loop3A_220 {strides = array<i32>} : memref<16384xf32, #tpu.memory_space<vmem>>, vector<16xf32>,
        %parallel_loop3A_245 = arith.index_cast %parallel_loop3A_184 : i32 to index
        %parallel_loop3A_246 = tpu.vector_load %arg10[%parallel_loop3A_245] {strides = array<i32>} : memref<16384xf32, #tpu.memory_space<vmem>>, vector<16xf32>,
        tpu.vector_store %arg10[%parallel_loop3A_245], %parallel_loop3A_242 {strides = array<i32>} : memref<16384xf32, #tpu.memory_space<vmem>>, vector<16xf32>,
      } {sc.loop_unroll_factor = 1 : i64, sc.parallel_access}
      %convert_element_type3A_115 = arith.sitofp %masked_cummax3A_98 : vector<16xi32> to vector<16xf32>
      %mul3A_116 = arith.constant 8 : i32
      %mul3A_117 = vector.broadcast %mul3A_116 : i32 to vector<16xi32>
      %mul3A_118 = arith.muli %masked_cummax3A_98, %mul3A_117 : vector<16xi32>
      %add3A_119 = arith.constant 0 : i32
      %add3A_120 = vector.broadcast %add3A_119 : i32 to vector<16xi32>
      %add3A_121 = arith.addi %mul3A_118, %add3A_120 : vector<16xi32>
      %gather3A_122 = tpu.vector_load_idx %arg12[%add3A_121] : memref<2064xf32, #tpu.memory_space<vmem>>[vector<16xi32>], vector<16xf32>,
      %mul3A_123 = arith.constant 8 : i32
      %mul3A_124 = vector.broadcast %mul3A_123 : i32 to vector<16xi32>
      %mul3A_125 = arith.muli %masked_cummax3A_98, %mul3A_124 : vector<16xi32>
      %add3A_126 = arith.constant 1 : i32
      %add3A_127 = vector.broadcast %add3A_126 : i32 to vector<16xi32>
      %add3A_128 = arith.addi %mul3A_125, %add3A_127 : vector<16xi32>
      %gather3A_129 = tpu.vector_load_idx %arg12[%add3A_128] : memref<2064xf32, #tpu.memory_space<vmem>>[vector<16xi32>], vector<16xf32>,
      %mul3A_130 = arith.constant 8 : i32
      %mul3A_131 = vector.broadcast %mul3A_130 : i32 to vector<16xi32>
      %mul3A_132 = arith.muli %masked_cummax3A_98, %mul3A_131 : vector<16xi32>
      %add3A_133 = arith.constant 2 : i32
      %add3A_134 = vector.broadcast %add3A_133 : i32 to vector<16xi32>
      %add3A_135 = arith.addi %mul3A_132, %add3A_134 : vector<16xi32>
      %gather3A_136 = tpu.vector_load_idx %arg12[%add3A_135] : memref<2064xf32, #tpu.memory_space<vmem>>[vector<16xi32>], vector<16xf32>,
      %mul3A_137 = arith.constant 8 : i32
      %mul3A_138 = vector.broadcast %mul3A_137 : i32 to vector<16xi32>
      %mul3A_139 = arith.muli %masked_cummax3A_98, %mul3A_138 : vector<16xi32>
      %add3A_140 = arith.constant 3 : i32
      %add3A_141 = vector.broadcast %add3A_140 : i32 to vector<16xi32>
      %add3A_142 = arith.addi %mul3A_139, %add3A_141 : vector<16xi32>
      %gather3A_143 = tpu.vector_load_idx %arg12[%add3A_142] : memref<2064xf32, #tpu.memory_space<vmem>>[vector<16xi32>], vector<16xf32>,
      %mul3A_144 = arith.constant 8 : i32
      %mul3A_145 = vector.broadcast %mul3A_144 : i32 to vector<16xi32>
      %mul3A_146 = arith.muli %masked_cummax3A_98, %mul3A_145 : vector<16xi32>
      %add3A_147 = arith.constant 4 : i32
      %add3A_148 = vector.broadcast %add3A_147 : i32 to vector<16xi32>
      %add3A_149 = arith.addi %mul3A_146, %add3A_148 : vector<16xi32>
      %gather3A_150 = tpu.vector_load_idx %arg12[%add3A_149] : memref<2064xf32, #tpu.memory_space<vmem>>[vector<16xi32>], vector<16xf32>,
      %mul3A_151 = arith.constant 8 : i32
      %mul3A_152 = vector.broadcast %mul3A_151 : i32 to vector<16xi32>
      %mul3A_153 = arith.muli %masked_cummax3A_98, %mul3A_152 : vector<16xi32>
      %add3A_154 = arith.constant 5 : i32
      %add3A_155 = vector.broadcast %add3A_154 : i32 to vector<16xi32>
      %add3A_156 = arith.addi %mul3A_153, %add3A_155 : vector<16xi32>
      %gather3A_157 = tpu.vector_load_idx %arg12[%add3A_156] : memref<2064xf32, #tpu.memory_space<vmem>>[vector<16xi32>], vector<16xf32>,
      %mul3A_158 = arith.constant 8 : i32
      %mul3A_159 = vector.broadcast %mul3A_158 : i32 to vector<16xi32>
      %mul3A_160 = arith.muli %masked_cummax3A_98, %mul3A_159 : vector<16xi32>
      %add3A_161 = arith.constant 6 : i32
      %add3A_162 = vector.broadcast %add3A_161 : i32 to vector<16xi32>
      %add3A_163 = arith.addi %mul3A_160, %add3A_162 : vector<16xi32>
      %gather3A_164 = tpu.vector_load_idx %arg12[%add3A_163] : memref<2064xf32, #tpu.memory_space<vmem>>[vector<16xi32>], vector<16xf32>,
      %mul3A_165 = arith.constant 8 : i32
      %mul3A_166 = vector.broadcast %mul3A_165 : i32 to vector<16xi32>
      %mul3A_167 = arith.muli %masked_cummax3A_98, %mul3A_166 : vector<16xi32>
      %add3A_168 = arith.constant 7 : i32
      %add3A_169 = vector.broadcast %add3A_168 : i32 to vector<16xi32>
      %add3A_170 = arith.addi %mul3A_167, %add3A_169 : vector<16xi32>
      %gather3A_171 = tpu.vector_load_idx %arg12[%add3A_170] : memref<2064xf32, #tpu.memory_space<vmem>>[vector<16xi32>], vector<16xf32>,
      %add3A_172 = arith.constant 63 : i32
      %add3A_173 = arith.addi %while3A_84, %add3A_172 : i32
      %and3A_174 = arith.constant -64 : i32
      %and3A_175 = arith.andi %add3A_173, %and3A_174 : i32
      %mul3A_176 = arith.constant 16 : i32
      %mul3A_177 = arith.muli %while3A_103#0, %mul3A_176 : i32
      %and3A_178 = arith.constant -64 : i32
      %and3A_179 = arith.andi %mul3A_177, %and3A_178 : i32
      %max3A_180 = arith.maxsi %and3A_179, %and3A_175 : i32
      %parallel_loop3A_181 = arith.constant 64 : i32
      scf.for %parallel_loop3A_184 = %and3A_175 to %max3A_180 step %parallel_loop3A_181  : i32 {
        %parallel_loop3A_185 = arith.constant 0 : i32
        %parallel_loop3A_186 = arith.addi %parallel_loop3A_184, %parallel_loop3A_185 : i32
        %parallel_loop3A_187 = arith.index_cast %parallel_loop3A_186 : i32 to index
        %parallel_loop3A_188 = tpu.vector_load %arg6[%parallel_loop3A_187] {strides = array<i32>} : memref<16384xf32, #tpu.memory_space<vmem>>, vector<16xf32>,
        %parallel_loop3A_189 = arith.constant 0.99999994 : f32
        %parallel_loop3A_190 = vector.broadcast %parallel_loop3A_189 : f32 to vector<16xf32>
        %parallel_loop3A_191 = arith.minimumf %parallel_loop3A_188, %parallel_loop3A_190 : vector<16xf32>
        %parallel_loop3A_192 = arith.constant 2.560000e+02 : f32
        %parallel_loop3A_193 = vector.broadcast %parallel_loop3A_192 : f32 to vector<16xf32>
        %parallel_loop3A_194 = arith.mulf %parallel_loop3A_191, %parallel_loop3A_193 : vector<16xf32>
        %parallel_loop3A_195 = arith.subf %parallel_loop3A_194, %convert_element_type3A_115 : vector<16xf32>
        %parallel_loop3A_196 = arith.mulf %gather3A_143, %parallel_loop3A_195 : vector<16xf32>
        %parallel_loop3A_197 = arith.addf %parallel_loop3A_196, %gather3A_136 : vector<16xf32>
        %parallel_loop3A_198 = arith.mulf %parallel_loop3A_197, %parallel_loop3A_195 : vector<16xf32>
        %parallel_loop3A_199 = arith.addf %parallel_loop3A_198, %gather3A_129 : vector<16xf32>
        %parallel_loop3A_200 = arith.mulf %parallel_loop3A_199, %parallel_loop3A_195 : vector<16xf32>
        %parallel_loop3A_201 = arith.addf %parallel_loop3A_200, %gather3A_122 : vector<16xf32>
        %parallel_loop3A_202 = arith.mulf %gather3A_171, %parallel_loop3A_195 : vector<16xf32>
        %parallel_loop3A_203 = arith.addf %parallel_loop3A_202, %gather3A_164 : vector<16xf32>
        %parallel_loop3A_204 = arith.mulf %parallel_loop3A_203, %parallel_loop3A_195 : vector<16xf32>
        %parallel_loop3A_205 = arith.addf %parallel_loop3A_204, %gather3A_157 : vector<16xf32>
        %parallel_loop3A_206 = arith.mulf %parallel_loop3A_205, %parallel_loop3A_195 : vector<16xf32>
        %parallel_loop3A_207 = arith.addf %parallel_loop3A_206, %gather3A_150 : vector<16xf32>
        %parallel_loop3A_208 = arith.index_cast %parallel_loop3A_186 : i32 to index
        %parallel_loop3A_209 = tpu.vector_load %arg8[%parallel_loop3A_208] {strides = array<i32>} : memref<16384xf32, #tpu.memory_space<vmem>>, vector<16xf32>,
        tpu.vector_store %arg8[%parallel_loop3A_208], %parallel_loop3A_201 {strides = array<i32>} : memref<16384xf32, #tpu.memory_space<vmem>>, vector<16xf32>,
        %parallel_loop3A_210 = arith.index_cast %parallel_loop3A_186 : i32 to index
        %parallel_loop3A_211 = tpu.vector_load %arg10[%parallel_loop3A_210] {strides = array<i32>} : memref<16384xf32, #tpu.memory_space<vmem>>, vector<16xf32>,
        tpu.vector_store %arg10[%parallel_loop3A_210], %parallel_loop3A_207 {strides = array<i32>} : memref<16384xf32, #tpu.memory_space<vmem>>, vector<16xf32>,
        %parallel_loop3A_212 = arith.constant 16 : i32
        %parallel_loop3A_213 = arith.addi %parallel_loop3A_184, %parallel_loop3A_212 : i32
        %parallel_loop3A_214 = arith.index_cast %parallel_loop3A_213 : i32 to index
        %parallel_loop3A_215 = tpu.vector_load %arg6[%parallel_loop3A_214] {strides = array<i32>} : memref<16384xf32, #tpu.memory_space<vmem>>, vector<16xf32>,
        %parallel_loop3A_216 = arith.constant 0.99999994 : f32
        %parallel_loop3A_217 = vector.broadcast %parallel_loop3A_216 : f32 to vector<16xf32>
        %parallel_loop3A_218 = arith.minimumf %parallel_loop3A_215, %parallel_loop3A_217 : vector<16xf32>
        %parallel_loop3A_219 = arith.constant 2.560000e+02 : f32
        %parallel_loop3A_220 = vector.broadcast %parallel_loop3A_219 : f32 to vector<16xf32>
        %parallel_loop3A_221 = arith.mulf %parallel_loop3A_218, %parallel_loop3A_220 : vector<16xf32>
        %parallel_loop3A_222 = arith.subf %parallel_loop3A_221, %convert_element_type3A_115 : vector<16xf32>
        %parallel_loop3A_223 = arith.mulf %gather3A_143, %parallel_loop3A_222 : vector<16xf32>
        %parallel_loop3A_224 = arith.addf %parallel_loop3A_223, %gather3A_136 : vector<16xf32>
        %parallel_loop3A_225 = arith.mulf %parallel_loop3A_224, %parallel_loop3A_222 : vector<16xf32>
        %parallel_loop3A_226 = arith.addf %parallel_loop3A_225, %gather3A_129 : vector<16xf32>
        %parallel_loop3A_227 = arith.mulf %parallel_loop3A_226, %parallel_loop3A_222 : vector<16xf32>
        %parallel_loop3A_228 = arith.addf %parallel_loop3A_227, %gather3A_122 : vector<16xf32>
        %parallel_loop3A_229 = arith.mulf %gather3A_171, %parallel_loop3A_222 : vector<16xf32>
        %parallel_loop3A_230 = arith.addf %parallel_loop3A_229, %gather3A_164 : vector<16xf32>
        %parallel_loop3A_231 = arith.mulf %parallel_loop3A_230, %parallel_loop3A_222 : vector<16xf32>
        %parallel_loop3A_232 = arith.addf %parallel_loop3A_231, %gather3A_157 : vector<16xf32>
        %parallel_loop3A_233 = arith.mulf %parallel_loop3A_232, %parallel_loop3A_222 : vector<16xf32>
        %parallel_loop3A_234 = arith.addf %parallel_loop3A_233, %gather3A_150 : vector<16xf32>
        %parallel_loop3A_235 = arith.index_cast %parallel_loop3A_213 : i32 to index
        %parallel_loop3A_236 = tpu.vector_load %arg8[%parallel_loop3A_235] {strides = array<i32>} : memref<16384xf32, #tpu.memory_space<vmem>>, vector<16xf32>,
        tpu.vector_store %arg8[%parallel_loop3A_235], %parallel_loop3A_228 {strides = array<i32>} : memref<16384xf32, #tpu.memory_space<vmem>>, vector<16xf32>,
        %parallel_loop3A_237 = arith.index_cast %parallel_loop3A_213 : i32 to index
        %parallel_loop3A_238 = tpu.vector_load %arg10[%parallel_loop3A_237] {strides = array<i32>} : memref<16384xf32, #tpu.memory_space<vmem>>, vector<16xf32>,
        tpu.vector_store %arg10[%parallel_loop3A_237], %parallel_loop3A_234 {strides = array<i32>} : memref<16384xf32, #tpu.memory_space<vmem>>, vector<16xf32>,
        %parallel_loop3A_239 = arith.constant 32 : i32
        %parallel_loop3A_240 = arith.addi %parallel_loop3A_184, %parallel_loop3A_239 : i32
        %parallel_loop3A_241 = arith.index_cast %parallel_loop3A_240 : i32 to index
        %parallel_loop3A_242 = tpu.vector_load %arg6[%parallel_loop3A_241] {strides = array<i32>} : memref<16384xf32, #tpu.memory_space<vmem>>, vector<16xf32>,
        %parallel_loop3A_243 = arith.constant 0.99999994 : f32
        %parallel_loop3A_244 = vector.broadcast %parallel_loop3A_243 : f32 to vector<16xf32>
        %parallel_loop3A_245 = arith.minimumf %parallel_loop3A_242, %parallel_loop3A_244 : vector<16xf32>
        %parallel_loop3A_246 = arith.constant 2.560000e+02 : f32
        %parallel_loop3A_247 = vector.broadcast %parallel_loop3A_246 : f32 to vector<16xf32>
        %parallel_loop3A_248 = arith.mulf %parallel_loop3A_245, %parallel_loop3A_247 : vector<16xf32>
        %parallel_loop3A_249 = arith.subf %parallel_loop3A_248, %convert_element_type3A_115 : vector<16xf32>
        %parallel_loop3A_250 = arith.mulf %gather3A_143, %parallel_loop3A_249 : vector<16xf32>
        %parallel_loop3A_251 = arith.addf %parallel_loop3A_250, %gather3A_136 : vector<16xf32>
        %parallel_loop3A_252 = arith.mulf %parallel_loop3A_251, %parallel_loop3A_249 : vector<16xf32>
        %parallel_loop3A_253 = arith.addf %parallel_loop3A_252, %gather3A_129 : vector<16xf32>
        %parallel_loop3A_254 = arith.mulf %parallel_loop3A_253, %parallel_loop3A_249 : vector<16xf32>
        %parallel_loop3A_255 = arith.addf %parallel_loop3A_254, %gather3A_122 : vector<16xf32>
        %parallel_loop3A_256 = arith.mulf %gather3A_171, %parallel_loop3A_249 : vector<16xf32>
        %parallel_loop3A_257 = arith.addf %parallel_loop3A_256, %gather3A_164 : vector<16xf32>
        %parallel_loop3A_258 = arith.mulf %parallel_loop3A_257, %parallel_loop3A_249 : vector<16xf32>
        %parallel_loop3A_259 = arith.addf %parallel_loop3A_258, %gather3A_157 : vector<16xf32>
        %parallel_loop3A_260 = arith.mulf %parallel_loop3A_259, %parallel_loop3A_249 : vector<16xf32>
        %parallel_loop3A_261 = arith.addf %parallel_loop3A_260, %gather3A_150 : vector<16xf32>
        %parallel_loop3A_262 = arith.index_cast %parallel_loop3A_240 : i32 to index
        %parallel_loop3A_263 = tpu.vector_load %arg8[%parallel_loop3A_262] {strides = array<i32>} : memref<16384xf32, #tpu.memory_space<vmem>>, vector<16xf32>,
        tpu.vector_store %arg8[%parallel_loop3A_262], %parallel_loop3A_255 {strides = array<i32>} : memref<16384xf32, #tpu.memory_space<vmem>>, vector<16xf32>,
        %parallel_loop3A_264 = arith.index_cast %parallel_loop3A_240 : i32 to index
        %parallel_loop3A_265 = tpu.vector_load %arg10[%parallel_loop3A_264] {strides = array<i32>} : memref<16384xf32, #tpu.memory_space<vmem>>, vector<16xf32>,
        tpu.vector_store %arg10[%parallel_loop3A_264], %parallel_loop3A_261 {strides = array<i32>} : memref<16384xf32, #tpu.memory_space<vmem>>, vector<16xf32>,
        %parallel_loop3A_266 = arith.constant 48 : i32
        %parallel_loop3A_267 = arith.addi %parallel_loop3A_184, %parallel_loop3A_266 : i32
        %parallel_loop3A_268 = arith.index_cast %parallel_loop3A_267 : i32 to index
        %parallel_loop3A_269 = tpu.vector_load %arg6[%parallel_loop3A_268] {strides = array<i32>} : memref<16384xf32, #tpu.memory_space<vmem>>, vector<16xf32>,
        %parallel_loop3A_270 = arith.constant 0.99999994 : f32
        %parallel_loop3A_271 = vector.broadcast %parallel_loop3A_270 : f32 to vector<16xf32>
        %parallel_loop3A_272 = arith.minimumf %parallel_loop3A_269, %parallel_loop3A_271 : vector<16xf32>
        %parallel_loop3A_273 = arith.constant 2.560000e+02 : f32
        %parallel_loop3A_274 = vector.broadcast %parallel_loop3A_273 : f32 to vector<16xf32>
        %parallel_loop3A_275 = arith.mulf %parallel_loop3A_272, %parallel_loop3A_274 : vector<16xf32>
        %parallel_loop3A_276 = arith.subf %parallel_loop3A_275, %convert_element_type3A_115 : vector<16xf32>
        %parallel_loop3A_277 = arith.mulf %gather3A_143, %parallel_loop3A_276 : vector<16xf32>
        %parallel_loop3A_278 = arith.addf %parallel_loop3A_277, %gather3A_136 : vector<16xf32>
        %parallel_loop3A_279 = arith.mulf %parallel_loop3A_278, %parallel_loop3A_276 : vector<16xf32>
        %parallel_loop3A_280 = arith.addf %parallel_loop3A_279, %gather3A_129 : vector<16xf32>
        %parallel_loop3A_281 = arith.mulf %parallel_loop3A_280, %parallel_loop3A_276 : vector<16xf32>
        %parallel_loop3A_282 = arith.addf %parallel_loop3A_281, %gather3A_122 : vector<16xf32>
        %parallel_loop3A_283 = arith.mulf %gather3A_171, %parallel_loop3A_276 : vector<16xf32>
        %parallel_loop3A_284 = arith.addf %parallel_loop3A_283, %gather3A_164 : vector<16xf32>
        %parallel_loop3A_285 = arith.mulf %parallel_loop3A_284, %parallel_loop3A_276 : vector<16xf32>
        %parallel_loop3A_286 = arith.addf %parallel_loop3A_285, %gather3A_157 : vector<16xf32>
        %parallel_loop3A_287 = arith.mulf %parallel_loop3A_286, %parallel_loop3A_276 : vector<16xf32>
        %parallel_loop3A_288 = arith.addf %parallel_loop3A_287, %gather3A_150 : vector<16xf32>
        %parallel_loop3A_289 = arith.index_cast %parallel_loop3A_267 : i32 to index
        %parallel_loop3A_290 = tpu.vector_load %arg8[%parallel_loop3A_289] {strides = array<i32>} : memref<16384xf32, #tpu.memory_space<vmem>>, vector<16xf32>,
        tpu.vector_store %arg8[%parallel_loop3A_289], %parallel_loop3A_282 {strides = array<i32>} : memref<16384xf32, #tpu.memory_space<vmem>>, vector<16xf32>,
        %parallel_loop3A_291 = arith.index_cast %parallel_loop3A_267 : i32 to index
        %parallel_loop3A_292 = tpu.vector_load %arg10[%parallel_loop3A_291] {strides = array<i32>} : memref<16384xf32, #tpu.memory_space<vmem>>, vector<16xf32>,
        tpu.vector_store %arg10[%parallel_loop3A_291], %parallel_loop3A_288 {strides = array<i32>} : memref<16384xf32, #tpu.memory_space<vmem>>, vector<16xf32>,
      } {sc.loop_unroll_factor = 1 : i64, sc.parallel_access}
      %mul3A_182 = arith.constant 16 : i32
      %mul3A_183 = arith.muli %while3A_103#0, %mul3A_182 : i32
      scf.yield %mul3A_183 : i32
    }
    %parallel_loop3A_16 = arith.constant 16368 : i32
    %parallel_loop3A_17 = arith.constant 16384 : i32
    %parallel_loop3A_18 = arith.constant 16 : i32
    scf.for %parallel_loop3A_84 = %parallel_loop3A_16 to %parallel_loop3A_17 step %parallel_loop3A_18  : i32 {
      %parallel_loop3A_85 = arith.index_cast %parallel_loop3A_84 : i32 to index
      %parallel_loop3A_86 = tpu.vector_load %arg6[%parallel_loop3A_85] {strides = array<i32>} : memref<16384xf32, #tpu.memory_space<vmem>>, vector<16xf32>,
      %parallel_loop3A_87 = arith.constant 0.99999994 : f32
      %parallel_loop3A_88 = vector.broadcast %parallel_loop3A_87 : f32 to vector<16xf32>
      %parallel_loop3A_89 = arith.minimumf %parallel_loop3A_86, %parallel_loop3A_88 : vector<16xf32>
      %parallel_loop3A_90 = arith.constant 2.560000e+02 : f32
      %parallel_loop3A_91 = vector.broadcast %parallel_loop3A_90 : f32 to vector<16xf32>
      %parallel_loop3A_92 = arith.mulf %parallel_loop3A_89, %parallel_loop3A_91 : vector<16xf32>
      %parallel_loop3A_93 = arith.fptosi %parallel_loop3A_92 : vector<16xf32> to vector<16xi32>
      %parallel_loop3A_94 = arith.sitofp %parallel_loop3A_93 : vector<16xi32> to vector<16xf32>
      %parallel_loop3A_95 = arith.subf %parallel_loop3A_92, %parallel_loop3A_94 : vector<16xf32>
      %parallel_loop3A_96 = arith.constant 3 : i32
      %parallel_loop3A_97 = vector.broadcast %parallel_loop3A_96 : i32 to vector<16xi32>
      %parallel_loop3A_98 = arith.shli %parallel_loop3A_93, %parallel_loop3A_97 : vector<16xi32>
      %parallel_loop3A_99 = arith.constant 3 : i32
      %parallel_loop3A_100 = vector.broadcast %parallel_loop3A_99 : i32 to vector<16xi32>
      %parallel_loop3A_101 = arith.addi %parallel_loop3A_98, %parallel_loop3A_100 : vector<16xi32>
      %parallel_loop3A_102 = tpu.vector_load_idx %arg12[%parallel_loop3A_101] : memref<2064xf32, #tpu.memory_space<vmem>>[vector<16xi32>], vector<16xf32>,
      %parallel_loop3A_103 = arith.mulf %parallel_loop3A_102, %parallel_loop3A_95 : vector<16xf32>
      %parallel_loop3A_104 = arith.constant 2 : i32
      %parallel_loop3A_105 = vector.broadcast %parallel_loop3A_104 : i32 to vector<16xi32>
      %parallel_loop3A_106 = arith.addi %parallel_loop3A_98, %parallel_loop3A_105 : vector<16xi32>
      %parallel_loop3A_107 = tpu.vector_load_idx %arg12[%parallel_loop3A_106] : memref<2064xf32, #tpu.memory_space<vmem>>[vector<16xi32>], vector<16xf32>,
      %parallel_loop3A_108 = arith.addf %parallel_loop3A_103, %parallel_loop3A_107 : vector<16xf32>
      %parallel_loop3A_109 = arith.mulf %parallel_loop3A_108, %parallel_loop3A_95 : vector<16xf32>
      %parallel_loop3A_110 = arith.constant 1 : i32
      %parallel_loop3A_111 = vector.broadcast %parallel_loop3A_110 : i32 to vector<16xi32>
      %parallel_loop3A_112 = arith.addi %parallel_loop3A_98, %parallel_loop3A_111 : vector<16xi32>
      %parallel_loop3A_113 = tpu.vector_load_idx %arg12[%parallel_loop3A_112] : memref<2064xf32, #tpu.memory_space<vmem>>[vector<16xi32>], vector<16xf32>,
      %parallel_loop3A_114 = arith.addf %parallel_loop3A_109, %parallel_loop3A_113 : vector<16xf32>
      %parallel_loop3A_115 = arith.mulf %parallel_loop3A_114, %parallel_loop3A_95 : vector<16xf32>
      %parallel_loop3A_116 = arith.constant 0 : i32
      %parallel_loop3A_117 = vector.broadcast %parallel_loop3A_116 : i32 to vector<16xi32>
      %parallel_loop3A_118 = arith.addi %parallel_loop3A_98, %parallel_loop3A_117 : vector<16xi32>
      %parallel_loop3A_119 = tpu.vector_load_idx %arg12[%parallel_loop3A_118] : memref<2064xf32, #tpu.memory_space<vmem>>[vector<16xi32>], vector<16xf32>,
      %parallel_loop3A_120 = arith.addf %parallel_loop3A_115, %parallel_loop3A_119 : vector<16xf32>
      %parallel_loop3A_121 = arith.constant 7 : i32
      %parallel_loop3A_122 = vector.broadcast %parallel_loop3A_121 : i32 to vector<16xi32>
      %parallel_loop3A_123 = arith.addi %parallel_loop3A_98, %parallel_loop3A_122 : vector<16xi32>
      %parallel_loop3A_124 = tpu.vector_load_idx %arg12[%parallel_loop3A_123] : memref<2064xf32, #tpu.memory_space<vmem>>[vector<16xi32>], vector<16xf32>,
      %parallel_loop3A_125 = arith.mulf %parallel_loop3A_124, %parallel_loop3A_95 : vector<16xf32>
      %parallel_loop3A_126 = arith.constant 6 : i32
      %parallel_loop3A_127 = vector.broadcast %parallel_loop3A_126 : i32 to vector<16xi32>
      %parallel_loop3A_128 = arith.addi %parallel_loop3A_98, %parallel_loop3A_127 : vector<16xi32>
      %parallel_loop3A_129 = tpu.vector_load_idx %arg12[%parallel_loop3A_128] : memref<2064xf32, #tpu.memory_space<vmem>>[vector<16xi32>], vector<16xf32>,
      %parallel_loop3A_130 = arith.addf %parallel_loop3A_125, %parallel_loop3A_129 : vector<16xf32>
      %parallel_loop3A_131 = arith.mulf %parallel_loop3A_130, %parallel_loop3A_95 : vector<16xf32>
      %parallel_loop3A_132 = arith.constant 5 : i32
      %parallel_loop3A_133 = vector.broadcast %parallel_loop3A_132 : i32 to vector<16xi32>
      %parallel_loop3A_134 = arith.addi %parallel_loop3A_98, %parallel_loop3A_133 : vector<16xi32>
      %parallel_loop3A_135 = tpu.vector_load_idx %arg12[%parallel_loop3A_134] : memref<2064xf32, #tpu.memory_space<vmem>>[vector<16xi32>], vector<16xf32>,
      %parallel_loop3A_136 = arith.addf %parallel_loop3A_131, %parallel_loop3A_135 : vector<16xf32>
      %parallel_loop3A_137 = arith.mulf %parallel_loop3A_136, %parallel_loop3A_95 : vector<16xf32>
      %parallel_loop3A_138 = arith.constant 4 : i32
      %parallel_loop3A_139 = vector.broadcast %parallel_loop3A_138 : i32 to vector<16xi32>
      %parallel_loop3A_140 = arith.addi %parallel_loop3A_98, %parallel_loop3A_139 : vector<16xi32>
      %parallel_loop3A_141 = tpu.vector_load_idx %arg12[%parallel_loop3A_140] : memref<2064xf32, #tpu.memory_space<vmem>>[vector<16xi32>], vector<16xf32>,
      %parallel_loop3A_142 = arith.addf %parallel_loop3A_137, %parallel_loop3A_141 : vector<16xf32>
      %parallel_loop3A_143 = arith.index_cast %parallel_loop3A_84 : i32 to index
      %parallel_loop3A_144 = tpu.vector_load %arg8[%parallel_loop3A_143] {strides = array<i32>} : memref<16384xf32, #tpu.memory_space<vmem>>, vector<16xf32>,
      tpu.vector_store %arg8[%parallel_loop3A_143], %parallel_loop3A_120 {strides = array<i32>} : memref<16384xf32, #tpu.memory_space<vmem>>, vector<16xf32>,
      %parallel_loop3A_145 = arith.index_cast %parallel_loop3A_84 : i32 to index
      %parallel_loop3A_146 = tpu.vector_load %arg10[%parallel_loop3A_145] {strides = array<i32>} : memref<16384xf32, #tpu.memory_space<vmem>>, vector<16xf32>,
      tpu.vector_store %arg10[%parallel_loop3A_145], %parallel_loop3A_142 {strides = array<i32>} : memref<16384xf32, #tpu.memory_space<vmem>>, vector<16xf32>,
    } {sc.loop_unroll_factor = 1 : i64, sc.parallel_access}
    %add3A_19 = arith.constant 0 : i32
    %add3A_20 = arith.addi %mul3A_2, %add3A_19 : i32
    %dma_start3A_21 = arith.constant 0 : i32
    %dma_start3A_22 = tpu.memref_slice %arg5[%dma_start3A_21, %add3A_20] : memref<2x1048576xf32, #tpu.memory_space<hbm>> -> memref<1x16384xf32, #tpu.memory_space<hbm>>
    %dma_start3A_23 = tpu.memref_squeeze %dma_start3A_22 : memref<1x16384xf32, #tpu.memory_space<hbm>> -> memref<16384xf32, #tpu.memory_space<hbm>>
    %dma_start3A_24 = tpu.memref_slice %arg5[%dma_start3A_21, %add3A_20] : memref<2x1048576xf32, #tpu.memory_space<hbm>> -> memref<1x16384xf32, #tpu.memory_space<hbm>>
    %dma_start3A_25 = tpu.memref_squeeze %dma_start3A_24 : memref<1x16384xf32, #tpu.memory_space<hbm>> -> memref<16384xf32, #tpu.memory_space<hbm>>
    tpu.enqueue_dma source(%arg8 : memref<16384xf32, #tpu.memory_space<vmem>>) target(%dma_start3A_25 : memref<16384xf32, #tpu.memory_space<hbm>>) target_semaphore(%arg18 : memref<!tpu.dma_semaphore, #tpu.memory_space<semaphore_mem>>)
    %add3A_26 = arith.constant 0 : i32
    %add3A_27 = arith.addi %mul3A_2, %add3A_26 : i32
    %dma_start3A_28 = arith.constant 1 : i32
    %dma_start3A_29 = tpu.memref_slice %arg5[%dma_start3A_28, %add3A_27] : memref<2x1048576xf32, #tpu.memory_space<hbm>> -> memref<1x16384xf32, #tpu.memory_space<hbm>>
    %dma_start3A_30 = tpu.memref_squeeze %dma_start3A_29 : memref<1x16384xf32, #tpu.memory_space<hbm>> -> memref<16384xf32, #tpu.memory_space<hbm>>
    %dma_start3A_31 = tpu.memref_slice %arg5[%dma_start3A_28, %add3A_27] : memref<2x1048576xf32, #tpu.memory_space<hbm>> -> memref<1x16384xf32, #tpu.memory_space<hbm>>
    %dma_start3A_32 = tpu.memref_squeeze %dma_start3A_31 : memref<1x16384xf32, #tpu.memory_space<hbm>> -> memref<16384xf32, #tpu.memory_space<hbm>>
    tpu.enqueue_dma source(%arg10 : memref<16384xf32, #tpu.memory_space<vmem>>) target(%dma_start3A_32 : memref<16384xf32, #tpu.memory_space<hbm>>) target_semaphore(%arg18 : memref<!tpu.dma_semaphore, #tpu.memory_space<semaphore_mem>>)
    %add3A_33 = arith.constant 16384 : i32
    %add3A_34 = arith.addi %mul3A_2, %add3A_33 : i32
    %dma_wait3A_35 = tpu.memref_slice %arg2[%add3A_34] : memref<1048576xf32, #tpu.memory_space<hbm>> -> memref<16384xf32, #tpu.memory_space<hbm>>
    %dma_wait3A_36 = tpu.memref_slice %arg2[%add3A_34] : memref<1048576xf32, #tpu.memory_space<hbm>> -> memref<16384xf32, #tpu.memory_space<hbm>>
    tpu.wait_dma2 semaphore(%arg17 : memref<!tpu.dma_semaphore, #tpu.memory_space<semaphore_mem>>) src(%dma_wait3A_36 : memref<16384xf32, #tpu.memory_space<hbm>>) dst(%arg7 : memref<16384xf32, #tpu.memory_space<vmem>>)
    %while3A_37 = arith.constant 0 : i32
    %while3A_38 = scf.while (%while3A_84 = %while3A_37) : (i32) -> i32 {
      %lt3A = arith.constant 16384 : i32
      %lt3A_85 = arith.cmpi slt, %while3A_84, %lt3A : i32
      scf.condition(%lt3A_85) %while3A_84 : i32
    } do {
    ^bb0(%while3A_84: i32):
      %get3A = arith.index_cast %while3A_84 : i32 to index
      %get3A_85 = tpu.vector_load %arg7[%get3A] {strides = array<i32>} : memref<16384xf32, #tpu.memory_space<vmem>>, vector<16xf32>,
      %min3A = arith.constant 0.99999994 : f32
      %min3A_86 = vector.broadcast %min3A : f32 to vector<16xf32>
      %min3A_87 = arith.minimumf %get3A_85, %min3A_86 : vector<16xf32>
      %mul3A_88 = arith.constant 2.560000e+02 : f32
      %mul3A_89 = vector.broadcast %mul3A_88 : f32 to vector<16xf32>
      %mul3A_90 = arith.mulf %min3A_87, %mul3A_89 : vector<16xf32>
      %convert_element_type3A = arith.fptosi %mul3A_90 : vector<16xf32> to vector<16xi32>
      %eq3A = arith.constant 0 : i32
      %eq3A_91 = vector.broadcast %eq3A : i32 to vector<16xi32>
      %eq3A_92 = arith.cmpi eq, %iota3A, %eq3A_91 : vector<16xi32>
      %jit3A = arith.constant -2147483648 : i32
      %broadcast_in_dim3A = vector.broadcast %jit3A : i32 to vector<16xi32>
      %select_n3A = arith.select %eq3A_92, %convert_element_type3A, %broadcast_in_dim3A : vector<16xi1>, vector<16xi32>
      %broadcast_in_dim3A_93 = arith.constant true
      %broadcast_in_dim3A_94 = vector.broadcast %broadcast_in_dim3A_93 : i1 to vector<16xi1>
      %masked_cummax3A = arith.constant -2147483648 : i32
      %masked_cummax3A_95 = vector.broadcast %masked_cummax3A : i32 to vector<16xi32>
      %masked_cummax3A_96 = arith.xori %select_n3A, %masked_cummax3A_95 : vector<16xi32>
      %masked_cummax3A_97 = tpu.scan <max>, %masked_cummax3A_96 masked %broadcast_in_dim3A_94 : vector<16xi32>, vector<16xi1> -> vector<16xi32>
      %masked_cummax3A_98 = arith.xori %masked_cummax3A_97, %masked_cummax3A_95 : vector<16xi32>
      %gather3A = tpu.vector_load_idx %arg13[%masked_cummax3A_98] : memref<256xi32, #tpu.memory_space<vmem>>[vector<16xi32>], vector<16xi32>,
      %slice3A = vector.extract_strided_slice %gather3A {offsets = [0], sizes = [1], strides = [1]} : vector<16xi32> to vector<1xi32>
      %squeeze3A = vector.extract %slice3A[0] : i32 from vector<1xi32>
      %shift_right_arithmetic3A = arith.constant 4 : i32
      %shift_right_arithmetic3A_99 = arith.shrsi %while3A_84, %shift_right_arithmetic3A : i32
      %add3A_100 = arith.constant 1 : i32
      %add3A_101 = arith.addi %shift_right_arithmetic3A_99, %add3A_100 : i32
      %while3A_102 = arith.constant 1024 : i32
      %while3A_103:2 = scf.while (%while3A_184 = %add3A_101, %while3A_185 = %while3A_102) : (i32, i32) -> (i32, i32) {
        %lt3A = arith.cmpi slt, %while3A_184, %while3A_185 : i32
        scf.condition(%lt3A) %while3A_184, %while3A_185 : i32, i32
      } do {
      ^bb0(%while3A_184: i32, %while3A_185: i32):
        %add3A_186 = arith.addi %while3A_184, %while3A_185 : i32
        %shift_right_arithmetic3A_187 = arith.constant 1 : i32
        %shift_right_arithmetic3A_188 = arith.shrsi %add3A_186, %shift_right_arithmetic3A_187 : i32
        %mul3A_189 = arith.constant 16 : i32
        %mul3A_190 = arith.muli %shift_right_arithmetic3A_188, %mul3A_189 : i32
        %get3A_191 = arith.index_cast %mul3A_190 : i32 to index
        %get3A_192 = tpu.vector_load %arg7[%get3A_191] {strides = array<i32>} : memref<16384xf32, #tpu.memory_space<vmem>>, vector<16xf32>,
        %slice3A_193 = vector.extract_strided_slice %get3A_192 {offsets = [0], sizes = [1], strides = [1]} : vector<16xf32> to vector<1xf32>
        %squeeze3A_194 = vector.extract %slice3A_193[0] : f32 from vector<1xf32>
        %bitcast_convert_type3A = arith.bitcast %squeeze3A_194 : f32 to i32
        %lt3A = arith.cmpi slt, %bitcast_convert_type3A, %squeeze3A : i32
        %add3A_195 = arith.constant 1 : i32
        %add3A_196 = arith.addi %shift_right_arithmetic3A_188, %add3A_195 : i32
        %select_n3A_197 = arith.select %lt3A, %add3A_196, %while3A_184 : i32
        %select_n3A_198 = arith.select %lt3A, %while3A_185, %shift_right_arithmetic3A_188 : i32
        scf.yield %select_n3A_197, %select_n3A_198 : i32, i32
      }
      %sub3A = arith.constant 16 : i32
      %sub3A_104 = arith.subi %while3A_84, %sub3A : i32
      %and3A = arith.constant -64 : i32
      %and3A_105 = arith.andi %while3A_84, %and3A : i32
      %min3A_106 = arith.minsi %sub3A_104, %and3A_105 : i32
      %max3A = arith.constant 0 : i32
      %max3A_107 = arith.maxsi %min3A_106, %max3A : i32
      %add3A_108 = arith.constant 63 : i32
      %add3A_109 = arith.addi %while3A_84, %add3A_108 : i32
      %and3A_110 = arith.constant -64 : i32
      %and3A_111 = arith.andi %add3A_109, %and3A_110 : i32
      %min3A_112 = arith.constant 16384 : i32
      %min3A_113 = arith.minsi %and3A_111, %min3A_112 : i32
      %parallel_loop3A_114 = arith.constant 16 : i32
      scf.for %parallel_loop3A_184 = %max3A_107 to %min3A_113 step %parallel_loop3A_114  : i32 {
        %parallel_loop3A_185 = arith.index_cast %parallel_loop3A_184 : i32 to index
        %parallel_loop3A_186 = tpu.vector_load %arg7[%parallel_loop3A_185] {strides = array<i32>} : memref<16384xf32, #tpu.memory_space<vmem>>, vector<16xf32>,
        %parallel_loop3A_187 = arith.constant 0.99999994 : f32
        %parallel_loop3A_188 = vector.broadcast %parallel_loop3A_187 : f32 to vector<16xf32>
        %parallel_loop3A_189 = arith.minimumf %parallel_loop3A_186, %parallel_loop3A_188 : vector<16xf32>
        %parallel_loop3A_190 = arith.constant 2.560000e+02 : f32
        %parallel_loop3A_191 = vector.broadcast %parallel_loop3A_190 : f32 to vector<16xf32>
        %parallel_loop3A_192 = arith.mulf %parallel_loop3A_189, %parallel_loop3A_191 : vector<16xf32>
        %parallel_loop3A_193 = arith.fptosi %parallel_loop3A_192 : vector<16xf32> to vector<16xi32>
        %parallel_loop3A_194 = arith.sitofp %parallel_loop3A_193 : vector<16xi32> to vector<16xf32>
        %parallel_loop3A_195 = arith.subf %parallel_loop3A_192, %parallel_loop3A_194 : vector<16xf32>
        %parallel_loop3A_196 = arith.constant 3 : i32
        %parallel_loop3A_197 = vector.broadcast %parallel_loop3A_196 : i32 to vector<16xi32>
        %parallel_loop3A_198 = arith.shli %parallel_loop3A_193, %parallel_loop3A_197 : vector<16xi32>
        %parallel_loop3A_199 = arith.constant 3 : i32
        %parallel_loop3A_200 = vector.broadcast %parallel_loop3A_199 : i32 to vector<16xi32>
        %parallel_loop3A_201 = arith.addi %parallel_loop3A_198, %parallel_loop3A_200 : vector<16xi32>
        %parallel_loop3A_202 = tpu.vector_load_idx %arg12[%parallel_loop3A_201] : memref<2064xf32, #tpu.memory_space<vmem>>[vector<16xi32>], vector<16xf32>,
        %parallel_loop3A_203 = arith.mulf %parallel_loop3A_202, %parallel_loop3A_195 : vector<16xf32>
        %parallel_loop3A_204 = arith.constant 2 : i32
        %parallel_loop3A_205 = vector.broadcast %parallel_loop3A_204 : i32 to vector<16xi32>
        %parallel_loop3A_206 = arith.addi %parallel_loop3A_198, %parallel_loop3A_205 : vector<16xi32>
        %parallel_loop3A_207 = tpu.vector_load_idx %arg12[%parallel_loop3A_206] : memref<2064xf32, #tpu.memory_space<vmem>>[vector<16xi32>], vector<16xf32>,
        %parallel_loop3A_208 = arith.addf %parallel_loop3A_203, %parallel_loop3A_207 : vector<16xf32>
        %parallel_loop3A_209 = arith.mulf %parallel_loop3A_208, %parallel_loop3A_195 : vector<16xf32>
        %parallel_loop3A_210 = arith.constant 1 : i32
        %parallel_loop3A_211 = vector.broadcast %parallel_loop3A_210 : i32 to vector<16xi32>
        %parallel_loop3A_212 = arith.addi %parallel_loop3A_198, %parallel_loop3A_211 : vector<16xi32>
        %parallel_loop3A_213 = tpu.vector_load_idx %arg12[%parallel_loop3A_212] : memref<2064xf32, #tpu.memory_space<vmem>>[vector<16xi32>], vector<16xf32>,
        %parallel_loop3A_214 = arith.addf %parallel_loop3A_209, %parallel_loop3A_213 : vector<16xf32>
        %parallel_loop3A_215 = arith.mulf %parallel_loop3A_214, %parallel_loop3A_195 : vector<16xf32>
        %parallel_loop3A_216 = arith.constant 0 : i32
        %parallel_loop3A_217 = vector.broadcast %parallel_loop3A_216 : i32 to vector<16xi32>
        %parallel_loop3A_218 = arith.addi %parallel_loop3A_198, %parallel_loop3A_217 : vector<16xi32>
        %parallel_loop3A_219 = tpu.vector_load_idx %arg12[%parallel_loop3A_218] : memref<2064xf32, #tpu.memory_space<vmem>>[vector<16xi32>], vector<16xf32>,
        %parallel_loop3A_220 = arith.addf %parallel_loop3A_215, %parallel_loop3A_219 : vector<16xf32>
        %parallel_loop3A_221 = arith.constant 7 : i32
        %parallel_loop3A_222 = vector.broadcast %parallel_loop3A_221 : i32 to vector<16xi32>
        %parallel_loop3A_223 = arith.addi %parallel_loop3A_198, %parallel_loop3A_222 : vector<16xi32>
        %parallel_loop3A_224 = tpu.vector_load_idx %arg12[%parallel_loop3A_223] : memref<2064xf32, #tpu.memory_space<vmem>>[vector<16xi32>], vector<16xf32>,
        %parallel_loop3A_225 = arith.mulf %parallel_loop3A_224, %parallel_loop3A_195 : vector<16xf32>
        %parallel_loop3A_226 = arith.constant 6 : i32
        %parallel_loop3A_227 = vector.broadcast %parallel_loop3A_226 : i32 to vector<16xi32>
        %parallel_loop3A_228 = arith.addi %parallel_loop3A_198, %parallel_loop3A_227 : vector<16xi32>
        %parallel_loop3A_229 = tpu.vector_load_idx %arg12[%parallel_loop3A_228] : memref<2064xf32, #tpu.memory_space<vmem>>[vector<16xi32>], vector<16xf32>,
        %parallel_loop3A_230 = arith.addf %parallel_loop3A_225, %parallel_loop3A_229 : vector<16xf32>
        %parallel_loop3A_231 = arith.mulf %parallel_loop3A_230, %parallel_loop3A_195 : vector<16xf32>
        %parallel_loop3A_232 = arith.constant 5 : i32
        %parallel_loop3A_233 = vector.broadcast %parallel_loop3A_232 : i32 to vector<16xi32>
        %parallel_loop3A_234 = arith.addi %parallel_loop3A_198, %parallel_loop3A_233 : vector<16xi32>
        %parallel_loop3A_235 = tpu.vector_load_idx %arg12[%parallel_loop3A_234] : memref<2064xf32, #tpu.memory_space<vmem>>[vector<16xi32>], vector<16xf32>,
        %parallel_loop3A_236 = arith.addf %parallel_loop3A_231, %parallel_loop3A_235 : vector<16xf32>
        %parallel_loop3A_237 = arith.mulf %parallel_loop3A_236, %parallel_loop3A_195 : vector<16xf32>
        %parallel_loop3A_238 = arith.constant 4 : i32
        %parallel_loop3A_239 = vector.broadcast %parallel_loop3A_238 : i32 to vector<16xi32>
        %parallel_loop3A_240 = arith.addi %parallel_loop3A_198, %parallel_loop3A_239 : vector<16xi32>
        %parallel_loop3A_241 = tpu.vector_load_idx %arg12[%parallel_loop3A_240] : memref<2064xf32, #tpu.memory_space<vmem>>[vector<16xi32>], vector<16xf32>,
        %parallel_loop3A_242 = arith.addf %parallel_loop3A_237, %parallel_loop3A_241 : vector<16xf32>
        %parallel_loop3A_243 = arith.index_cast %parallel_loop3A_184 : i32 to index
        %parallel_loop3A_244 = tpu.vector_load %arg9[%parallel_loop3A_243] {strides = array<i32>} : memref<16384xf32, #tpu.memory_space<vmem>>, vector<16xf32>,
        tpu.vector_store %arg9[%parallel_loop3A_243], %parallel_loop3A_220 {strides = array<i32>} : memref<16384xf32, #tpu.memory_space<vmem>>, vector<16xf32>,
        %parallel_loop3A_245 = arith.index_cast %parallel_loop3A_184 : i32 to index
        %parallel_loop3A_246 = tpu.vector_load %arg11[%parallel_loop3A_245] {strides = array<i32>} : memref<16384xf32, #tpu.memory_space<vmem>>, vector<16xf32>,
        tpu.vector_store %arg11[%parallel_loop3A_245], %parallel_loop3A_242 {strides = array<i32>} : memref<16384xf32, #tpu.memory_space<vmem>>, vector<16xf32>,
      } {sc.loop_unroll_factor = 1 : i64, sc.parallel_access}
      %convert_element_type3A_115 = arith.sitofp %masked_cummax3A_98 : vector<16xi32> to vector<16xf32>
      %mul3A_116 = arith.constant 8 : i32
      %mul3A_117 = vector.broadcast %mul3A_116 : i32 to vector<16xi32>
      %mul3A_118 = arith.muli %masked_cummax3A_98, %mul3A_117 : vector<16xi32>
      %add3A_119 = arith.constant 0 : i32
      %add3A_120 = vector.broadcast %add3A_119 : i32 to vector<16xi32>
      %add3A_121 = arith.addi %mul3A_118, %add3A_120 : vector<16xi32>
      %gather3A_122 = tpu.vector_load_idx %arg12[%add3A_121] : memref<2064xf32, #tpu.memory_space<vmem>>[vector<16xi32>], vector<16xf32>,
      %mul3A_123 = arith.constant 8 : i32
      %mul3A_124 = vector.broadcast %mul3A_123 : i32 to vector<16xi32>
      %mul3A_125 = arith.muli %masked_cummax3A_98, %mul3A_124 : vector<16xi32>
      %add3A_126 = arith.constant 1 : i32
      %add3A_127 = vector.broadcast %add3A_126 : i32 to vector<16xi32>
      %add3A_128 = arith.addi %mul3A_125, %add3A_127 : vector<16xi32>
      %gather3A_129 = tpu.vector_load_idx %arg12[%add3A_128] : memref<2064xf32, #tpu.memory_space<vmem>>[vector<16xi32>], vector<16xf32>,
      %mul3A_130 = arith.constant 8 : i32
      %mul3A_131 = vector.broadcast %mul3A_130 : i32 to vector<16xi32>
      %mul3A_132 = arith.muli %masked_cummax3A_98, %mul3A_131 : vector<16xi32>
      %add3A_133 = arith.constant 2 : i32
      %add3A_134 = vector.broadcast %add3A_133 : i32 to vector<16xi32>
      %add3A_135 = arith.addi %mul3A_132, %add3A_134 : vector<16xi32>
      %gather3A_136 = tpu.vector_load_idx %arg12[%add3A_135] : memref<2064xf32, #tpu.memory_space<vmem>>[vector<16xi32>], vector<16xf32>,
      %mul3A_137 = arith.constant 8 : i32
      %mul3A_138 = vector.broadcast %mul3A_137 : i32 to vector<16xi32>
      %mul3A_139 = arith.muli %masked_cummax3A_98, %mul3A_138 : vector<16xi32>
      %add3A_140 = arith.constant 3 : i32
      %add3A_141 = vector.broadcast %add3A_140 : i32 to vector<16xi32>
      %add3A_142 = arith.addi %mul3A_139, %add3A_141 : vector<16xi32>
      %gather3A_143 = tpu.vector_load_idx %arg12[%add3A_142] : memref<2064xf32, #tpu.memory_space<vmem>>[vector<16xi32>], vector<16xf32>,
      %mul3A_144 = arith.constant 8 : i32
      %mul3A_145 = vector.broadcast %mul3A_144 : i32 to vector<16xi32>
      %mul3A_146 = arith.muli %masked_cummax3A_98, %mul3A_145 : vector<16xi32>
      %add3A_147 = arith.constant 4 : i32
      %add3A_148 = vector.broadcast %add3A_147 : i32 to vector<16xi32>
      %add3A_149 = arith.addi %mul3A_146, %add3A_148 : vector<16xi32>
      %gather3A_150 = tpu.vector_load_idx %arg12[%add3A_149] : memref<2064xf32, #tpu.memory_space<vmem>>[vector<16xi32>], vector<16xf32>,
      %mul3A_151 = arith.constant 8 : i32
      %mul3A_152 = vector.broadcast %mul3A_151 : i32 to vector<16xi32>
      %mul3A_153 = arith.muli %masked_cummax3A_98, %mul3A_152 : vector<16xi32>
      %add3A_154 = arith.constant 5 : i32
      %add3A_155 = vector.broadcast %add3A_154 : i32 to vector<16xi32>
      %add3A_156 = arith.addi %mul3A_153, %add3A_155 : vector<16xi32>
      %gather3A_157 = tpu.vector_load_idx %arg12[%add3A_156] : memref<2064xf32, #tpu.memory_space<vmem>>[vector<16xi32>], vector<16xf32>,
      %mul3A_158 = arith.constant 8 : i32
      %mul3A_159 = vector.broadcast %mul3A_158 : i32 to vector<16xi32>
      %mul3A_160 = arith.muli %masked_cummax3A_98, %mul3A_159 : vector<16xi32>
      %add3A_161 = arith.constant 6 : i32
      %add3A_162 = vector.broadcast %add3A_161 : i32 to vector<16xi32>
      %add3A_163 = arith.addi %mul3A_160, %add3A_162 : vector<16xi32>
      %gather3A_164 = tpu.vector_load_idx %arg12[%add3A_163] : memref<2064xf32, #tpu.memory_space<vmem>>[vector<16xi32>], vector<16xf32>,
      %mul3A_165 = arith.constant 8 : i32
      %mul3A_166 = vector.broadcast %mul3A_165 : i32 to vector<16xi32>
      %mul3A_167 = arith.muli %masked_cummax3A_98, %mul3A_166 : vector<16xi32>
      %add3A_168 = arith.constant 7 : i32
      %add3A_169 = vector.broadcast %add3A_168 : i32 to vector<16xi32>
      %add3A_170 = arith.addi %mul3A_167, %add3A_169 : vector<16xi32>
      %gather3A_171 = tpu.vector_load_idx %arg12[%add3A_170] : memref<2064xf32, #tpu.memory_space<vmem>>[vector<16xi32>], vector<16xf32>,
      %add3A_172 = arith.constant 63 : i32
      %add3A_173 = arith.addi %while3A_84, %add3A_172 : i32
      %and3A_174 = arith.constant -64 : i32
      %and3A_175 = arith.andi %add3A_173, %and3A_174 : i32
      %mul3A_176 = arith.constant 16 : i32
      %mul3A_177 = arith.muli %while3A_103#0, %mul3A_176 : i32
      %and3A_178 = arith.constant -64 : i32
      %and3A_179 = arith.andi %mul3A_177, %and3A_178 : i32
      %max3A_180 = arith.maxsi %and3A_179, %and3A_175 : i32
      %parallel_loop3A_181 = arith.constant 64 : i32
      scf.for %parallel_loop3A_184 = %and3A_175 to %max3A_180 step %parallel_loop3A_181  : i32 {
        %parallel_loop3A_185 = arith.constant 0 : i32
        %parallel_loop3A_186 = arith.addi %parallel_loop3A_184, %parallel_loop3A_185 : i32
        %parallel_loop3A_187 = arith.index_cast %parallel_loop3A_186 : i32 to index
        %parallel_loop3A_188 = tpu.vector_load %arg7[%parallel_loop3A_187] {strides = array<i32>} : memref<16384xf32, #tpu.memory_space<vmem>>, vector<16xf32>,
        %parallel_loop3A_189 = arith.constant 0.99999994 : f32
        %parallel_loop3A_190 = vector.broadcast %parallel_loop3A_189 : f32 to vector<16xf32>
        %parallel_loop3A_191 = arith.minimumf %parallel_loop3A_188, %parallel_loop3A_190 : vector<16xf32>
        %parallel_loop3A_192 = arith.constant 2.560000e+02 : f32
        %parallel_loop3A_193 = vector.broadcast %parallel_loop3A_192 : f32 to vector<16xf32>
        %parallel_loop3A_194 = arith.mulf %parallel_loop3A_191, %parallel_loop3A_193 : vector<16xf32>
        %parallel_loop3A_195 = arith.subf %parallel_loop3A_194, %convert_element_type3A_115 : vector<16xf32>
        %parallel_loop3A_196 = arith.mulf %gather3A_143, %parallel_loop3A_195 : vector<16xf32>
        %parallel_loop3A_197 = arith.addf %parallel_loop3A_196, %gather3A_136 : vector<16xf32>
        %parallel_loop3A_198 = arith.mulf %parallel_loop3A_197, %parallel_loop3A_195 : vector<16xf32>
        %parallel_loop3A_199 = arith.addf %parallel_loop3A_198, %gather3A_129 : vector<16xf32>
        %parallel_loop3A_200 = arith.mulf %parallel_loop3A_199, %parallel_loop3A_195 : vector<16xf32>
        %parallel_loop3A_201 = arith.addf %parallel_loop3A_200, %gather3A_122 : vector<16xf32>
        %parallel_loop3A_202 = arith.mulf %gather3A_171, %parallel_loop3A_195 : vector<16xf32>
        %parallel_loop3A_203 = arith.addf %parallel_loop3A_202, %gather3A_164 : vector<16xf32>
        %parallel_loop3A_204 = arith.mulf %parallel_loop3A_203, %parallel_loop3A_195 : vector<16xf32>
        %parallel_loop3A_205 = arith.addf %parallel_loop3A_204, %gather3A_157 : vector<16xf32>
        %parallel_loop3A_206 = arith.mulf %parallel_loop3A_205, %parallel_loop3A_195 : vector<16xf32>
        %parallel_loop3A_207 = arith.addf %parallel_loop3A_206, %gather3A_150 : vector<16xf32>
        %parallel_loop3A_208 = arith.index_cast %parallel_loop3A_186 : i32 to index
        %parallel_loop3A_209 = tpu.vector_load %arg9[%parallel_loop3A_208] {strides = array<i32>} : memref<16384xf32, #tpu.memory_space<vmem>>, vector<16xf32>,
        tpu.vector_store %arg9[%parallel_loop3A_208], %parallel_loop3A_201 {strides = array<i32>} : memref<16384xf32, #tpu.memory_space<vmem>>, vector<16xf32>,
        %parallel_loop3A_210 = arith.index_cast %parallel_loop3A_186 : i32 to index
        %parallel_loop3A_211 = tpu.vector_load %arg11[%parallel_loop3A_210] {strides = array<i32>} : memref<16384xf32, #tpu.memory_space<vmem>>, vector<16xf32>,
        tpu.vector_store %arg11[%parallel_loop3A_210], %parallel_loop3A_207 {strides = array<i32>} : memref<16384xf32, #tpu.memory_space<vmem>>, vector<16xf32>,
        %parallel_loop3A_212 = arith.constant 16 : i32
        %parallel_loop3A_213 = arith.addi %parallel_loop3A_184, %parallel_loop3A_212 : i32
        %parallel_loop3A_214 = arith.index_cast %parallel_loop3A_213 : i32 to index
        %parallel_loop3A_215 = tpu.vector_load %arg7[%parallel_loop3A_214] {strides = array<i32>} : memref<16384xf32, #tpu.memory_space<vmem>>, vector<16xf32>,
        %parallel_loop3A_216 = arith.constant 0.99999994 : f32
        %parallel_loop3A_217 = vector.broadcast %parallel_loop3A_216 : f32 to vector<16xf32>
        %parallel_loop3A_218 = arith.minimumf %parallel_loop3A_215, %parallel_loop3A_217 : vector<16xf32>
        %parallel_loop3A_219 = arith.constant 2.560000e+02 : f32
        %parallel_loop3A_220 = vector.broadcast %parallel_loop3A_219 : f32 to vector<16xf32>
        %parallel_loop3A_221 = arith.mulf %parallel_loop3A_218, %parallel_loop3A_220 : vector<16xf32>
        %parallel_loop3A_222 = arith.subf %parallel_loop3A_221, %convert_element_type3A_115 : vector<16xf32>
        %parallel_loop3A_223 = arith.mulf %gather3A_143, %parallel_loop3A_222 : vector<16xf32>
        %parallel_loop3A_224 = arith.addf %parallel_loop3A_223, %gather3A_136 : vector<16xf32>
        %parallel_loop3A_225 = arith.mulf %parallel_loop3A_224, %parallel_loop3A_222 : vector<16xf32>
        %parallel_loop3A_226 = arith.addf %parallel_loop3A_225, %gather3A_129 : vector<16xf32>
        %parallel_loop3A_227 = arith.mulf %parallel_loop3A_226, %parallel_loop3A_222 : vector<16xf32>
        %parallel_loop3A_228 = arith.addf %parallel_loop3A_227, %gather3A_122 : vector<16xf32>
        %parallel_loop3A_229 = arith.mulf %gather3A_171, %parallel_loop3A_222 : vector<16xf32>
        %parallel_loop3A_230 = arith.addf %parallel_loop3A_229, %gather3A_164 : vector<16xf32>
        %parallel_loop3A_231 = arith.mulf %parallel_loop3A_230, %parallel_loop3A_222 : vector<16xf32>
        %parallel_loop3A_232 = arith.addf %parallel_loop3A_231, %gather3A_157 : vector<16xf32>
        %parallel_loop3A_233 = arith.mulf %parallel_loop3A_232, %parallel_loop3A_222 : vector<16xf32>
        %parallel_loop3A_234 = arith.addf %parallel_loop3A_233, %gather3A_150 : vector<16xf32>
        %parallel_loop3A_235 = arith.index_cast %parallel_loop3A_213 : i32 to index
        %parallel_loop3A_236 = tpu.vector_load %arg9[%parallel_loop3A_235] {strides = array<i32>} : memref<16384xf32, #tpu.memory_space<vmem>>, vector<16xf32>,
        tpu.vector_store %arg9[%parallel_loop3A_235], %parallel_loop3A_228 {strides = array<i32>} : memref<16384xf32, #tpu.memory_space<vmem>>, vector<16xf32>,
        %parallel_loop3A_237 = arith.index_cast %parallel_loop3A_213 : i32 to index
        %parallel_loop3A_238 = tpu.vector_load %arg11[%parallel_loop3A_237] {strides = array<i32>} : memref<16384xf32, #tpu.memory_space<vmem>>, vector<16xf32>,
        tpu.vector_store %arg11[%parallel_loop3A_237], %parallel_loop3A_234 {strides = array<i32>} : memref<16384xf32, #tpu.memory_space<vmem>>, vector<16xf32>,
        %parallel_loop3A_239 = arith.constant 32 : i32
        %parallel_loop3A_240 = arith.addi %parallel_loop3A_184, %parallel_loop3A_239 : i32
        %parallel_loop3A_241 = arith.index_cast %parallel_loop3A_240 : i32 to index
        %parallel_loop3A_242 = tpu.vector_load %arg7[%parallel_loop3A_241] {strides = array<i32>} : memref<16384xf32, #tpu.memory_space<vmem>>, vector<16xf32>,
        %parallel_loop3A_243 = arith.constant 0.99999994 : f32
        %parallel_loop3A_244 = vector.broadcast %parallel_loop3A_243 : f32 to vector<16xf32>
        %parallel_loop3A_245 = arith.minimumf %parallel_loop3A_242, %parallel_loop3A_244 : vector<16xf32>
        %parallel_loop3A_246 = arith.constant 2.560000e+02 : f32
        %parallel_loop3A_247 = vector.broadcast %parallel_loop3A_246 : f32 to vector<16xf32>
        %parallel_loop3A_248 = arith.mulf %parallel_loop3A_245, %parallel_loop3A_247 : vector<16xf32>
        %parallel_loop3A_249 = arith.subf %parallel_loop3A_248, %convert_element_type3A_115 : vector<16xf32>
        %parallel_loop3A_250 = arith.mulf %gather3A_143, %parallel_loop3A_249 : vector<16xf32>
        %parallel_loop3A_251 = arith.addf %parallel_loop3A_250, %gather3A_136 : vector<16xf32>
        %parallel_loop3A_252 = arith.mulf %parallel_loop3A_251, %parallel_loop3A_249 : vector<16xf32>
        %parallel_loop3A_253 = arith.addf %parallel_loop3A_252, %gather3A_129 : vector<16xf32>
        %parallel_loop3A_254 = arith.mulf %parallel_loop3A_253, %parallel_loop3A_249 : vector<16xf32>
        %parallel_loop3A_255 = arith.addf %parallel_loop3A_254, %gather3A_122 : vector<16xf32>
        %parallel_loop3A_256 = arith.mulf %gather3A_171, %parallel_loop3A_249 : vector<16xf32>
        %parallel_loop3A_257 = arith.addf %parallel_loop3A_256, %gather3A_164 : vector<16xf32>
        %parallel_loop3A_258 = arith.mulf %parallel_loop3A_257, %parallel_loop3A_249 : vector<16xf32>
        %parallel_loop3A_259 = arith.addf %parallel_loop3A_258, %gather3A_157 : vector<16xf32>
        %parallel_loop3A_260 = arith.mulf %parallel_loop3A_259, %parallel_loop3A_249 : vector<16xf32>
        %parallel_loop3A_261 = arith.addf %parallel_loop3A_260, %gather3A_150 : vector<16xf32>
        %parallel_loop3A_262 = arith.index_cast %parallel_loop3A_240 : i32 to index
        %parallel_loop3A_263 = tpu.vector_load %arg9[%parallel_loop3A_262] {strides = array<i32>} : memref<16384xf32, #tpu.memory_space<vmem>>, vector<16xf32>,
        tpu.vector_store %arg9[%parallel_loop3A_262], %parallel_loop3A_255 {strides = array<i32>} : memref<16384xf32, #tpu.memory_space<vmem>>, vector<16xf32>,
        %parallel_loop3A_264 = arith.index_cast %parallel_loop3A_240 : i32 to index
        %parallel_loop3A_265 = tpu.vector_load %arg11[%parallel_loop3A_264] {strides = array<i32>} : memref<16384xf32, #tpu.memory_space<vmem>>, vector<16xf32>,
        tpu.vector_store %arg11[%parallel_loop3A_264], %parallel_loop3A_261 {strides = array<i32>} : memref<16384xf32, #tpu.memory_space<vmem>>, vector<16xf32>,
        %parallel_loop3A_266 = arith.constant 48 : i32
        %parallel_loop3A_267 = arith.addi %parallel_loop3A_184, %parallel_loop3A_266 : i32
        %parallel_loop3A_268 = arith.index_cast %parallel_loop3A_267 : i32 to index
        %parallel_loop3A_269 = tpu.vector_load %arg7[%parallel_loop3A_268] {strides = array<i32>} : memref<16384xf32, #tpu.memory_space<vmem>>, vector<16xf32>,
        %parallel_loop3A_270 = arith.constant 0.99999994 : f32
        %parallel_loop3A_271 = vector.broadcast %parallel_loop3A_270 : f32 to vector<16xf32>
        %parallel_loop3A_272 = arith.minimumf %parallel_loop3A_269, %parallel_loop3A_271 : vector<16xf32>
        %parallel_loop3A_273 = arith.constant 2.560000e+02 : f32
        %parallel_loop3A_274 = vector.broadcast %parallel_loop3A_273 : f32 to vector<16xf32>
        %parallel_loop3A_275 = arith.mulf %parallel_loop3A_272, %parallel_loop3A_274 : vector<16xf32>
        %parallel_loop3A_276 = arith.subf %parallel_loop3A_275, %convert_element_type3A_115 : vector<16xf32>
        %parallel_loop3A_277 = arith.mulf %gather3A_143, %parallel_loop3A_276 : vector<16xf32>
        %parallel_loop3A_278 = arith.addf %parallel_loop3A_277, %gather3A_136 : vector<16xf32>
        %parallel_loop3A_279 = arith.mulf %parallel_loop3A_278, %parallel_loop3A_276 : vector<16xf32>
        %parallel_loop3A_280 = arith.addf %parallel_loop3A_279, %gather3A_129 : vector<16xf32>
        %parallel_loop3A_281 = arith.mulf %parallel_loop3A_280, %parallel_loop3A_276 : vector<16xf32>
        %parallel_loop3A_282 = arith.addf %parallel_loop3A_281, %gather3A_122 : vector<16xf32>
        %parallel_loop3A_283 = arith.mulf %gather3A_171, %parallel_loop3A_276 : vector<16xf32>
        %parallel_loop3A_284 = arith.addf %parallel_loop3A_283, %gather3A_164 : vector<16xf32>
        %parallel_loop3A_285 = arith.mulf %parallel_loop3A_284, %parallel_loop3A_276 : vector<16xf32>
        %parallel_loop3A_286 = arith.addf %parallel_loop3A_285, %gather3A_157 : vector<16xf32>
        %parallel_loop3A_287 = arith.mulf %parallel_loop3A_286, %parallel_loop3A_276 : vector<16xf32>
        %parallel_loop3A_288 = arith.addf %parallel_loop3A_287, %gather3A_150 : vector<16xf32>
        %parallel_loop3A_289 = arith.index_cast %parallel_loop3A_267 : i32 to index
        %parallel_loop3A_290 = tpu.vector_load %arg9[%parallel_loop3A_289] {strides = array<i32>} : memref<16384xf32, #tpu.memory_space<vmem>>, vector<16xf32>,
        tpu.vector_store %arg9[%parallel_loop3A_289], %parallel_loop3A_282 {strides = array<i32>} : memref<16384xf32, #tpu.memory_space<vmem>>, vector<16xf32>,
        %parallel_loop3A_291 = arith.index_cast %parallel_loop3A_267 : i32 to index
        %parallel_loop3A_292 = tpu.vector_load %arg11[%parallel_loop3A_291] {strides = array<i32>} : memref<16384xf32, #tpu.memory_space<vmem>>, vector<16xf32>,
        tpu.vector_store %arg11[%parallel_loop3A_291], %parallel_loop3A_288 {strides = array<i32>} : memref<16384xf32, #tpu.memory_space<vmem>>, vector<16xf32>,
      } {sc.loop_unroll_factor = 1 : i64, sc.parallel_access}
      %mul3A_182 = arith.constant 16 : i32
      %mul3A_183 = arith.muli %while3A_103#0, %mul3A_182 : i32
      scf.yield %mul3A_183 : i32
    }
    %parallel_loop3A_39 = arith.constant 16368 : i32
    %parallel_loop3A_40 = arith.constant 16384 : i32
    %parallel_loop3A_41 = arith.constant 16 : i32
    scf.for %parallel_loop3A_84 = %parallel_loop3A_39 to %parallel_loop3A_40 step %parallel_loop3A_41  : i32 {
      %parallel_loop3A_85 = arith.index_cast %parallel_loop3A_84 : i32 to index
      %parallel_loop3A_86 = tpu.vector_load %arg7[%parallel_loop3A_85] {strides = array<i32>} : memref<16384xf32, #tpu.memory_space<vmem>>, vector<16xf32>,
      %parallel_loop3A_87 = arith.constant 0.99999994 : f32
      %parallel_loop3A_88 = vector.broadcast %parallel_loop3A_87 : f32 to vector<16xf32>
      %parallel_loop3A_89 = arith.minimumf %parallel_loop3A_86, %parallel_loop3A_88 : vector<16xf32>
      %parallel_loop3A_90 = arith.constant 2.560000e+02 : f32
      %parallel_loop3A_91 = vector.broadcast %parallel_loop3A_90 : f32 to vector<16xf32>
      %parallel_loop3A_92 = arith.mulf %parallel_loop3A_89, %parallel_loop3A_91 : vector<16xf32>
      %parallel_loop3A_93 = arith.fptosi %parallel_loop3A_92 : vector<16xf32> to vector<16xi32>
      %parallel_loop3A_94 = arith.sitofp %parallel_loop3A_93 : vector<16xi32> to vector<16xf32>
      %parallel_loop3A_95 = arith.subf %parallel_loop3A_92, %parallel_loop3A_94 : vector<16xf32>
      %parallel_loop3A_96 = arith.constant 3 : i32
      %parallel_loop3A_97 = vector.broadcast %parallel_loop3A_96 : i32 to vector<16xi32>
      %parallel_loop3A_98 = arith.shli %parallel_loop3A_93, %parallel_loop3A_97 : vector<16xi32>
      %parallel_loop3A_99 = arith.constant 3 : i32
      %parallel_loop3A_100 = vector.broadcast %parallel_loop3A_99 : i32 to vector<16xi32>
      %parallel_loop3A_101 = arith.addi %parallel_loop3A_98, %parallel_loop3A_100 : vector<16xi32>
      %parallel_loop3A_102 = tpu.vector_load_idx %arg12[%parallel_loop3A_101] : memref<2064xf32, #tpu.memory_space<vmem>>[vector<16xi32>], vector<16xf32>,
      %parallel_loop3A_103 = arith.mulf %parallel_loop3A_102, %parallel_loop3A_95 : vector<16xf32>
      %parallel_loop3A_104 = arith.constant 2 : i32
      %parallel_loop3A_105 = vector.broadcast %parallel_loop3A_104 : i32 to vector<16xi32>
      %parallel_loop3A_106 = arith.addi %parallel_loop3A_98, %parallel_loop3A_105 : vector<16xi32>
      %parallel_loop3A_107 = tpu.vector_load_idx %arg12[%parallel_loop3A_106] : memref<2064xf32, #tpu.memory_space<vmem>>[vector<16xi32>], vector<16xf32>,
      %parallel_loop3A_108 = arith.addf %parallel_loop3A_103, %parallel_loop3A_107 : vector<16xf32>
      %parallel_loop3A_109 = arith.mulf %parallel_loop3A_108, %parallel_loop3A_95 : vector<16xf32>
      %parallel_loop3A_110 = arith.constant 1 : i32
      %parallel_loop3A_111 = vector.broadcast %parallel_loop3A_110 : i32 to vector<16xi32>
      %parallel_loop3A_112 = arith.addi %parallel_loop3A_98, %parallel_loop3A_111 : vector<16xi32>
      %parallel_loop3A_113 = tpu.vector_load_idx %arg12[%parallel_loop3A_112] : memref<2064xf32, #tpu.memory_space<vmem>>[vector<16xi32>], vector<16xf32>,
      %parallel_loop3A_114 = arith.addf %parallel_loop3A_109, %parallel_loop3A_113 : vector<16xf32>
      %parallel_loop3A_115 = arith.mulf %parallel_loop3A_114, %parallel_loop3A_95 : vector<16xf32>
      %parallel_loop3A_116 = arith.constant 0 : i32
      %parallel_loop3A_117 = vector.broadcast %parallel_loop3A_116 : i32 to vector<16xi32>
      %parallel_loop3A_118 = arith.addi %parallel_loop3A_98, %parallel_loop3A_117 : vector<16xi32>
      %parallel_loop3A_119 = tpu.vector_load_idx %arg12[%parallel_loop3A_118] : memref<2064xf32, #tpu.memory_space<vmem>>[vector<16xi32>], vector<16xf32>,
      %parallel_loop3A_120 = arith.addf %parallel_loop3A_115, %parallel_loop3A_119 : vector<16xf32>
      %parallel_loop3A_121 = arith.constant 7 : i32
      %parallel_loop3A_122 = vector.broadcast %parallel_loop3A_121 : i32 to vector<16xi32>
      %parallel_loop3A_123 = arith.addi %parallel_loop3A_98, %parallel_loop3A_122 : vector<16xi32>
      %parallel_loop3A_124 = tpu.vector_load_idx %arg12[%parallel_loop3A_123] : memref<2064xf32, #tpu.memory_space<vmem>>[vector<16xi32>], vector<16xf32>,
      %parallel_loop3A_125 = arith.mulf %parallel_loop3A_124, %parallel_loop3A_95 : vector<16xf32>
      %parallel_loop3A_126 = arith.constant 6 : i32
      %parallel_loop3A_127 = vector.broadcast %parallel_loop3A_126 : i32 to vector<16xi32>
      %parallel_loop3A_128 = arith.addi %parallel_loop3A_98, %parallel_loop3A_127 : vector<16xi32>
      %parallel_loop3A_129 = tpu.vector_load_idx %arg12[%parallel_loop3A_128] : memref<2064xf32, #tpu.memory_space<vmem>>[vector<16xi32>], vector<16xf32>,
      %parallel_loop3A_130 = arith.addf %parallel_loop3A_125, %parallel_loop3A_129 : vector<16xf32>
      %parallel_loop3A_131 = arith.mulf %parallel_loop3A_130, %parallel_loop3A_95 : vector<16xf32>
      %parallel_loop3A_132 = arith.constant 5 : i32
      %parallel_loop3A_133 = vector.broadcast %parallel_loop3A_132 : i32 to vector<16xi32>
      %parallel_loop3A_134 = arith.addi %parallel_loop3A_98, %parallel_loop3A_133 : vector<16xi32>
      %parallel_loop3A_135 = tpu.vector_load_idx %arg12[%parallel_loop3A_134] : memref<2064xf32, #tpu.memory_space<vmem>>[vector<16xi32>], vector<16xf32>,
      %parallel_loop3A_136 = arith.addf %parallel_loop3A_131, %parallel_loop3A_135 : vector<16xf32>
      %parallel_loop3A_137 = arith.mulf %parallel_loop3A_136, %parallel_loop3A_95 : vector<16xf32>
      %parallel_loop3A_138 = arith.constant 4 : i32
      %parallel_loop3A_139 = vector.broadcast %parallel_loop3A_138 : i32 to vector<16xi32>
      %parallel_loop3A_140 = arith.addi %parallel_loop3A_98, %parallel_loop3A_139 : vector<16xi32>
      %parallel_loop3A_141 = tpu.vector_load_idx %arg12[%parallel_loop3A_140] : memref<2064xf32, #tpu.memory_space<vmem>>[vector<16xi32>], vector<16xf32>,
      %parallel_loop3A_142 = arith.addf %parallel_loop3A_137, %parallel_loop3A_141 : vector<16xf32>
      %parallel_loop3A_143 = arith.index_cast %parallel_loop3A_84 : i32 to index
      %parallel_loop3A_144 = tpu.vector_load %arg9[%parallel_loop3A_143] {strides = array<i32>} : memref<16384xf32, #tpu.memory_space<vmem>>, vector<16xf32>,
      tpu.vector_store %arg9[%parallel_loop3A_143], %parallel_loop3A_120 {strides = array<i32>} : memref<16384xf32, #tpu.memory_space<vmem>>, vector<16xf32>,
      %parallel_loop3A_145 = arith.index_cast %parallel_loop3A_84 : i32 to index
      %parallel_loop3A_146 = tpu.vector_load %arg11[%parallel_loop3A_145] {strides = array<i32>} : memref<16384xf32, #tpu.memory_space<vmem>>, vector<16xf32>,
      tpu.vector_store %arg11[%parallel_loop3A_145], %parallel_loop3A_142 {strides = array<i32>} : memref<16384xf32, #tpu.memory_space<vmem>>, vector<16xf32>,
    } {sc.loop_unroll_factor = 1 : i64, sc.parallel_access}
    %add3A_42 = arith.constant 16384 : i32
    %add3A_43 = arith.addi %mul3A_2, %add3A_42 : i32
    %dma_start3A_44 = arith.constant 0 : i32
    %dma_start3A_45 = tpu.memref_slice %arg5[%dma_start3A_44, %add3A_43] : memref<2x1048576xf32, #tpu.memory_space<hbm>> -> memref<1x16384xf32, #tpu.memory_space<hbm>>
    %dma_start3A_46 = tpu.memref_squeeze %dma_start3A_45 : memref<1x16384xf32, #tpu.memory_space<hbm>> -> memref<16384xf32, #tpu.memory_space<hbm>>
    %dma_start3A_47 = tpu.memref_slice %arg5[%dma_start3A_44, %add3A_43] : memref<2x1048576xf32, #tpu.memory_space<hbm>> -> memref<1x16384xf32, #tpu.memory_space<hbm>>
    %dma_start3A_48 = tpu.memref_squeeze %dma_start3A_47 : memref<1x16384xf32, #tpu.memory_space<hbm>> -> memref<16384xf32, #tpu.memory_space<hbm>>
    tpu.enqueue_dma source(%arg9 : memref<16384xf32, #tpu.memory_space<vmem>>) target(%dma_start3A_48 : memref<16384xf32, #tpu.memory_space<hbm>>) target_semaphore(%arg19 : memref<!tpu.dma_semaphore, #tpu.memory_space<semaphore_mem>>)
    %add3A_49 = arith.constant 16384 : i32
    %add3A_50 = arith.addi %mul3A_2, %add3A_49 : i32
    %dma_start3A_51 = arith.constant 1 : i32
    %dma_start3A_52 = tpu.memref_slice %arg5[%dma_start3A_51, %add3A_50] : memref<2x1048576xf32, #tpu.memory_space<hbm>> -> memref<1x16384xf32, #tpu.memory_space<hbm>>
    %dma_start3A_53 = tpu.memref_squeeze %dma_start3A_52 : memref<1x16384xf32, #tpu.memory_space<hbm>> -> memref<16384xf32, #tpu.memory_space<hbm>>
    %dma_start3A_54 = tpu.memref_slice %arg5[%dma_start3A_51, %add3A_50] : memref<2x1048576xf32, #tpu.memory_space<hbm>> -> memref<1x16384xf32, #tpu.memory_space<hbm>>
    %dma_start3A_55 = tpu.memref_squeeze %dma_start3A_54 : memref<1x16384xf32, #tpu.memory_space<hbm>> -> memref<16384xf32, #tpu.memory_space<hbm>>
    tpu.enqueue_dma source(%arg11 : memref<16384xf32, #tpu.memory_space<vmem>>) target(%dma_start3A_55 : memref<16384xf32, #tpu.memory_space<hbm>>) target_semaphore(%arg19 : memref<!tpu.dma_semaphore, #tpu.memory_space<semaphore_mem>>)
    %add3A_56 = arith.constant 0 : i32
    %add3A_57 = arith.addi %mul3A_2, %add3A_56 : i32
    %dma_wait3A_58 = arith.constant 0 : i32
    %dma_wait3A_59 = tpu.memref_slice %arg5[%dma_wait3A_58, %add3A_57] : memref<2x1048576xf32, #tpu.memory_space<hbm>> -> memref<1x16384xf32, #tpu.memory_space<hbm>>
    %dma_wait3A_60 = tpu.memref_squeeze %dma_wait3A_59 : memref<1x16384xf32, #tpu.memory_space<hbm>> -> memref<16384xf32, #tpu.memory_space<hbm>>
    %dma_wait3A_61 = tpu.memref_slice %arg5[%dma_wait3A_58, %add3A_57] : memref<2x1048576xf32, #tpu.memory_space<hbm>> -> memref<1x16384xf32, #tpu.memory_space<hbm>>
    %dma_wait3A_62 = tpu.memref_squeeze %dma_wait3A_61 : memref<1x16384xf32, #tpu.memory_space<hbm>> -> memref<16384xf32, #tpu.memory_space<hbm>>
    tpu.wait_dma2 semaphore(%arg18 : memref<!tpu.dma_semaphore, #tpu.memory_space<semaphore_mem>>) src(%arg8 : memref<16384xf32, #tpu.memory_space<vmem>>) dst(%dma_wait3A_62 : memref<16384xf32, #tpu.memory_space<hbm>>)
    %add3A_63 = arith.constant 0 : i32
    %add3A_64 = arith.addi %mul3A_2, %add3A_63 : i32
    %dma_wait3A_65 = arith.constant 1 : i32
    %dma_wait3A_66 = tpu.memref_slice %arg5[%dma_wait3A_65, %add3A_64] : memref<2x1048576xf32, #tpu.memory_space<hbm>> -> memref<1x16384xf32, #tpu.memory_space<hbm>>
    %dma_wait3A_67 = tpu.memref_squeeze %dma_wait3A_66 : memref<1x16384xf32, #tpu.memory_space<hbm>> -> memref<16384xf32, #tpu.memory_space<hbm>>
    %dma_wait3A_68 = tpu.memref_slice %arg5[%dma_wait3A_65, %add3A_64] : memref<2x1048576xf32, #tpu.memory_space<hbm>> -> memref<1x16384xf32, #tpu.memory_space<hbm>>
    %dma_wait3A_69 = tpu.memref_squeeze %dma_wait3A_68 : memref<1x16384xf32, #tpu.memory_space<hbm>> -> memref<16384xf32, #tpu.memory_space<hbm>>
    tpu.wait_dma2 semaphore(%arg18 : memref<!tpu.dma_semaphore, #tpu.memory_space<semaphore_mem>>) src(%arg10 : memref<16384xf32, #tpu.memory_space<vmem>>) dst(%dma_wait3A_69 : memref<16384xf32, #tpu.memory_space<hbm>>)
    %add3A_70 = arith.constant 16384 : i32
    %add3A_71 = arith.addi %mul3A_2, %add3A_70 : i32
    %dma_wait3A_72 = arith.constant 0 : i32
    %dma_wait3A_73 = tpu.memref_slice %arg5[%dma_wait3A_72, %add3A_71] : memref<2x1048576xf32, #tpu.memory_space<hbm>> -> memref<1x16384xf32, #tpu.memory_space<hbm>>
    %dma_wait3A_74 = tpu.memref_squeeze %dma_wait3A_73 : memref<1x16384xf32, #tpu.memory_space<hbm>> -> memref<16384xf32, #tpu.memory_space<hbm>>
    %dma_wait3A_75 = tpu.memref_slice %arg5[%dma_wait3A_72, %add3A_71] : memref<2x1048576xf32, #tpu.memory_space<hbm>> -> memref<1x16384xf32, #tpu.memory_space<hbm>>
    %dma_wait3A_76 = tpu.memref_squeeze %dma_wait3A_75 : memref<1x16384xf32, #tpu.memory_space<hbm>> -> memref<16384xf32, #tpu.memory_space<hbm>>
    tpu.wait_dma2 semaphore(%arg19 : memref<!tpu.dma_semaphore, #tpu.memory_space<semaphore_mem>>) src(%arg9 : memref<16384xf32, #tpu.memory_space<vmem>>) dst(%dma_wait3A_76 : memref<16384xf32, #tpu.memory_space<hbm>>)
    %add3A_77 = arith.constant 16384 : i32
    %add3A_78 = arith.addi %mul3A_2, %add3A_77 : i32
    %dma_wait3A_79 = arith.constant 1 : i32
    %dma_wait3A_80 = tpu.memref_slice %arg5[%dma_wait3A_79, %add3A_78] : memref<2x1048576xf32, #tpu.memory_space<hbm>> -> memref<1x16384xf32, #tpu.memory_space<hbm>>
    %dma_wait3A_81 = tpu.memref_squeeze %dma_wait3A_80 : memref<1x16384xf32, #tpu.memory_space<hbm>> -> memref<16384xf32, #tpu.memory_space<hbm>>
    %dma_wait3A_82 = tpu.memref_slice %arg5[%dma_wait3A_79, %add3A_78] : memref<2x1048576xf32, #tpu.memory_space<hbm>> -> memref<1x16384xf32, #tpu.memory_space<hbm>>
    %dma_wait3A_83 = tpu.memref_squeeze %dma_wait3A_82 : memref<1x16384xf32, #tpu.memory_space<hbm>> -> memref<16384xf32, #tpu.memory_space<hbm>>
    tpu.wait_dma2 semaphore(%arg19 : memref<!tpu.dma_semaphore, #tpu.memory_space<semaphore_mem>>) src(%arg11 : memref<16384xf32, #tpu.memory_space<vmem>>) dst(%dma_wait3A_83 : memref<16384xf32, #tpu.memory_space<hbm>>)
    return
  }
}

</mosaic_0001>

<sc_bundles>
// kernel: kernel.3.cloned.1.call-start
scs
__scs_entry_jumppad:
0x0: {  	(pc) =	sbr.rel $0x88, $3  }
0x1: {  	(tag) =	ssettag $0x0;
	lr =	simm.s32 $0x1  }
0x2: {  	[smem:$0x3F9E] =	sst lr;
	_ =	strace $0xD0000000  }
0x3: {  	_ = 	snop  }
0x4: {  	_ = 	snop  }
0x5: {  	_ = 	snop  }
0x6: {  	_ = 	snop  }
0x7: {  	_ = 	snop  }
__scs_overlays_trampoline_lowered:
0x8: {  	[smem:$0x3FAD] =	sst s0  }
0x9: {  	[smem:$0x3FAE] =	sst s1  }
0xa: {  	[smem:$0x3FAF] =	sst s2  }
0xb: {  	[smem:$0x3FB0] =	sst s3  }
0xc: {  	[smem:$0x3FB1] =	sst s4  }
0xd: {  	[smem:$0x3FB2] =	sst s5  }
0xe: {  	[smem:$0x3FB3] =	sst s6  }
0xf: {  	[smem:$0x3FB4] =	sst s7  }
0x10: {  	[smem:$0x3FB5] =	sst s8  }
0x11: {  	[smem:$0x3FB6] =	sst s9;
	s0 =	simm.s32 @!p0 $0x0  }
0x12: {  	s1 =	sld [smem:$0x3F9C];
	s0 =	simm.s32 @p0 $0x1  }
0x13: {  	[smem:$0x3FB7] =	sst s0;
	s0 =	simm.s32 @!p1 $0x0  }
0x14: {  	s2 =	sld [smem:$0x3F9B];
	s0 =	simm.s32 @p1 $0x1  }
0x15: {  	[smem:$0x3FB8] =	sst s0;
	s0 =	simm.s32 @!p2 $0x0  }
0x16: {  	s3 =	sld [smem:$0x3FDB];
	s0 =	simm.s32 @p2 $0x1  }
0x17: {  	s4 =	simm.s32 $0x1BF5;
	[smem:$0x3FBA] =	sst s0  }
0x18: {  	s0 =	sld [smem:$0x3F9D];
	_ =	swait.ge [sflag:s4], $0x0  }
0x19: {  	s7 =	sld [smem:$0x3F9E]  }
0x1a: {  	s8 =	sadd.s32 $0xFFFFE003, lr  }
0x1b: {  	s9 =	sadd.s32 $0xFFFFFEF7, lr;
	s5 =	simm.s32 $0xFFFFFFFF;
	p2 =	slt.u32 s8, $0xFFFFF086  }
0x1c: {  	p1 =	slt.u32 s9, $0xF7A;
	s5 =	simm.s32 @!p2 $0x0  }
0x1d: {  	s5 =	simm.s32 @p1 $0x1;
	p0 =	seq.s32 s7, s2  }
0x1e: {  	s7 =	smul.u32 @!p0 $0xF7A, s2;
	p2 =	seq.s32 @!p0 s5, $0x0  }
0x1f: {  	s9 =	smul.u32 $0xF7A, s1;
	s8 =	simm.s32 @!p0 $0x1BF5;
	p2 =	por !p2, p0  }
0x20: {  	[sflag:s8] =	ssyncset.s32 @!p0 $0xFFFFF086;
	s6 =	sadd.s32 @!p0 s3, s7;
	s7 =	simm.s32 @!p0 $0x108  }
0x21: {  	s3 =	sadd.s32 s3, s9;
	s6 =	sadd.s32 @!p0 $0x88, s6;
	s7 =	simm.s32 @p2 $0x1082  }
0x22: {  	[simem:s7], [sflag:s8] =	dma.local @!p0 [hbm:s6], $0xF7A  }
0x23: {  	s9 =	sor.u32 $0xD0000000, s2;
	s6 =	simm.s32 $0x108;
	_ =	swait.ge @!p0 [sflag:s8], $0x0  }
0x24: {  	s3 =	sadd.s32 $0x88, s3;
	s6 =	simm.s32 @!p1 $0x1082;
	[sflag:s4] =	ssyncset.s32 $0xFFFFF086  }
0x25: {  	[simem:s6], [sflag:s4] =	dma.local [hbm:s3], $0xF7A  }
0x26: {  	[smem:$0x3F9E] =	sst s1;
	(tag) =	ssettag s2;
	_ =	strace s9  }
0x27: {  	s1 =	sld [smem:$0x3FAE]  }
0x28: {  	s2 =	sld [smem:$0x3FAF]  }
0x29: {  	s4 =	sld [smem:$0x3FB1]  }
0x2a: {  	p0 =	seq.s32 s5, $0x0;
	s5 =	sld [smem:$0x3FB2]  }
0x2b: {  	s6 =	sld [smem:$0x3FB3]  }
0x2c: {  	s7 =	sld [smem:$0x3FB4]  }
0x2d: {  	s3 =	simm.s32 $0x108;
	s8 =	sld [smem:$0x3FB5]  }
0x2e: {  	s3 =	simm.s32 @!p0 $0x1082;
	s9 =	sld [smem:$0x3FB6]  }
0x2f: {  	lr =	sadd.s32 s0, s3;
	s0 =	sld [smem:$0x3FAD]  }
0x30: {  	s3 =	sld [smem:$0x3FB0]  }
0x31: {  	[smem:$0x3FB9] =	sst s10  }
0x32: {  	s10 =	sld [smem:$0x3FB7];
	_ =	sdelay $0x3  }
0x33: {  	p0 =	seq.s32 s10, $0x1;
	s10 =	sld [smem:$0x3FB9];
	_ =	sdelay $0x3  }
0x34: {  	[smem:$0x3FB9] =	sst s10  }
0x35: {  	s10 =	sld [smem:$0x3FB8];
	_ =	sdelay $0x3  }
0x36: {  	p1 =	seq.s32 s10, $0x1;
	s10 =	sld [smem:$0x3FB9];
	_ =	sdelay $0x3  }
0x37: {  	[smem:$0x3FB9] =	sst s10  }
0x38: {  	s10 =	sld [smem:$0x3FBA]  }
0x39: {  	_ = 	snop;
	(pc) =	sbr.ind lr, $3  }
0x3a: {  	_ = 	snop  }
0x3b: {  	_ = 	snop  }
0x3c: {  	p2 =	seq.s32 s10, $0x1;
	s10 =	sld [smem:$0x3FB9]  }
0x3d: {  	_ =	shalt  }
0x3e: {  	_ =	shalt  }
0x3f: {  	_ =	shalt  }
0x40: {  	_ =	shalt  }
0x41: {  	_ =	shalt  }
0x42: {  	_ =	shalt  }
0x43: {  	_ =	shalt  }
0x44: {  	_ =	shalt  }
0x45: {  	_ =	shalt  }
0x46: {  	_ =	shalt  }
0x47: {  	_ =	shalt  }
0x48: {  	_ =	shalt  }
0x49: {  	_ =	shalt  }
0x4a: {  	_ =	shalt  }
0x4b: {  	_ =	shalt  }
0x4c: {  	_ =	shalt  }
0x4d: {  	_ =	shalt  }
0x4e: {  	_ =	shalt  }
0x4f: {  	_ =	shalt  }
0x50: {  	_ =	shalt  }
0x51: {  	_ =	shalt  }
0x52: {  	_ =	shalt  }
0x53: {  	_ =	shalt  }
0x54: {  	_ =	shalt  }
0x55: {  	_ =	shalt  }
0x56: {  	_ =	shalt  }
0x57: {  	_ =	shalt  }
0x58: {  	_ =	shalt  }
0x59: {  	_ =	shalt  }
0x5a: {  	_ =	shalt  }
0x5b: {  	_ =	shalt  }
0x5c: {  	_ =	shalt  }
0x5d: {  	_ =	shalt  }
0x5e: {  	_ =	shalt  }
0x5f: {  	_ =	shalt  }
0x60: {  	_ =	shalt  }
0x61: {  	_ =	shalt  }
0x62: {  	_ =	shalt  }
0x63: {  	_ =	shalt  }
0x64: {  	_ =	shalt  }
0x65: {  	_ =	shalt  }
0x66: {  	_ =	shalt  }
0x67: {  	_ =	shalt  }
0x68: {  	_ =	shalt  }
0x69: {  	_ =	shalt  }
0x6a: {  	_ =	shalt  }
0x6b: {  	_ =	shalt  }
0x6c: {  	_ =	shalt  }
0x6d: {  	_ =	shalt  }
0x6e: {  	_ =	shalt  }
0x6f: {  	_ =	shalt  }
0x70: {  	_ =	shalt  }
0x71: {  	_ =	shalt  }
0x72: {  	_ =	shalt  }
0x73: {  	_ =	shalt  }
0x74: {  	_ =	shalt  }
0x75: {  	_ =	shalt  }
0x76: {  	_ =	shalt  }
0x77: {  	_ =	shalt  }
0x78: {  	_ =	shalt  }
0x79: {  	_ =	shalt  }
0x7a: {  	_ =	shalt  }
0x7b: {  	_ =	shalt  }
0x7c: {  	_ =	shalt  }
0x7d: {  	_ =	shalt  }
0x7e: {  	_ =	shalt  }
0x7f: {  	_ =	shalt  }
0x80: {  	_ =	shalt  }
0x81: {  	_ =	shalt  }
0x82: {  	_ =	shalt  }
0x83: {  	_ =	shalt  }
0x84: {  	_ =	shalt  }
0x85: {  	_ =	shalt  }
0x86: {  	_ =	shalt  }
0x87: {  	_ =	shalt  }
.Lfunc_end0:
.L_simem_size_0:
called_computation_lowered:
.L_overlay_start_0:
0x88: {  	s2 =	sld [smem:$0x3FD9]  }
0x89: {  	s3 =	sld [smem:$0x3FFE];
	_ =	sdelay $0x1  }
0x8a: {  	s1 =	srdreg.scid  }
0x8b: {  	s0 =	sand.u32 $0x1, s1  }
0x8c: {  	s17 =	sshll.u32 s0, $0xA;
	s2 =	sadd.s32 s3, s2  }
0x8d: {  	s2 =	sadd.s32 s2, s17  }
0x8e: {  	[smem:$0x3FC5] =	sst s2  }
0x8f: {  	_ = 	snop  }
0x90: {  	s2 =	sld [smem:$0x3FC9]  }
0x91: {  	s18 =	sld [smem:$0x3FD0];
	(tm) =	ssettm $0x1  }
0x92: {  	s4 =	sld [smem:$0x3FFB];
	_ =	sdelay $0x3  }
0x93: {  	_ =	strace s4  }
0x94: {  	s4 =	sld [smem:$0x3FFC];
	_ =	sdelay $0x3  }
0x95: {  	_ =	strace s4  }
0x96: {  	s4 =	sld [smem:$0x3FFD];
	_ =	sdelay $0x3  }
0x97: {  	_ =	strace s4  }
0x98: {  	_ =	strace $0x8FFFFFFF  }
0x99: {  	s19 =	sld [smem:$0x3FDB];
	_ =	sdelay $0x1  }
0x9a: {  	s5 =	simm.s32 $_scs_section_size  }
0x9b: {  	s6 =	simm.s32 $_size__tile_overlayer_lowered;
	s7 =	simm.s32 $_tile_overlayer_lowered  }
0x9c: {  	s22 =	simm.s32 $0x1BFF;
	s21 =	sshll.u32 s7, $0x1;
	s4 =	sadd.s32 s5, s19  }
0x9d: {  	s8 =	simm.s32 $0x0;
	s20 =	sshll.u32 s6, $0x1;
	s6 =	sadd.s32 s21, s4  }
0x9e: {  	[timem:s8], [sflag:s22] =	dma.local [hbm:s6], s20  }
0x9f: {  	_ =	swait.ge [sflag:s22], s20  }
0xa0: {  	s5 =	ssub.s32 $0x0, s20;
	[sflag:s22] =	ssyncset.done $0x0  }
0xa1: {  	[sflag:s22] =	ssyncadd.s32 s5;
	_ =	sdelay $0x1  }
0xa2: {  	s23 =	simm.s32 $0x1B8B  }
0xa3: {  	_ =	swait.ge [sflag:s23], $0x1  }
0xa4: {  	[sflag:s23] =	ssyncset.done $0x0  }
0xa5: {  	s25 =	simm.s32 $0x1B8E;
	s24 =	sld [smem:$0x3FFE];
	[sflag:s23] =	ssyncadd.s32 $0xFFFFFFFF  }
0xa6: {  	s26 =	simm.s32 $execute0_lowered;
	[smem:$0x3FD2] =	sst s25  }
0xa7: {  	s6 =	sshll.u32 s26, $0x1;
	_ =	strace $0x80000046;
	[dreg:$0x1] =	wrdreg $0xFFFFFFFF  }
0xa8: {  	s28 =	simm.s32 $_size_execute0_lowered;
	s4 =	sadd.s32 s4, s6;
	[dreg:$0x0] =	wrdreg $0x0  }
0xa9: {  	s6 =	sshll.u32 s28, $0x1;
	[dreg:$0x2] =	wrdreg s4  }
0xaa: {  	[dreg:$0x3] =	wrdreg s6  }
0xab: {  	[dreg:$0x4] =	wrdreg $0xC0  }
0xac: {  	_ =	task [dreg:s8], $0x5FFFF  }
0xad: {  	[dreg:$0x1] =	wrdreg $0xFFFFFFFF  }
0xae: {  	[dreg:$0x0] =	wrdreg $0x60  }
0xaf: {  	[dreg:$0x2] =	wrdreg s2  }
0xb0: {  	[dreg:$0x3] =	wrdreg s24  }
0xb1: {  	[dreg:$0x4] =	wrdreg s18  }
0xb2: {  	[dreg:$0x5] =	wrdreg $0x9  }
0xb3: {  	_ =	task.clear_ibuf [dreg:s8], $0x6FFFF;
	_ =	strace $0x90000046  }
0xb4: {  	s29 =	simm.s32 $0x9;
	_ =	strace $0x80000048  }
0xb5: {  	_ =	swait.ge [sflag:s29], $0x1  }
0xb6: {  	[sflag:s29] =	ssyncadd.s32 $0xFFFFFFFF  }
0xb7: {  	_ =	strace $0x90000048  }
0xb8: {  	_ =	sfence  }
0xb9: {  	s30 =	sld [smem:$0x0];
	_ =	sdelay $0x2  }
0xba: {  	s31 =	sshll.u32 s1, $0xD;
	s1 =	sshrl.u32 s1, $0x2  }
0xbb: {  	s3 =	sand.u32 $0x4000, s31;
	s1 =	sadd.s32 s1, s30  }
0xbc: {  	s0 =	sor.u32 s3, s0;
	s1 =	sshll.u32 s1, $0x11  }
0xbd: {  	s0 =	sor.u32 s1, s0  }
0xbe: {  	s0 =	sadd.s32 $0x8F2B, s0  }
0xbf: {  	[sflag:s0] =	ssyncadd.remote.s32 $0x1  }
0xc0: {  	_ =	sfence.sel $0xFFFF  }
0xc1: {  	[dreg:$0x0] =	wrdreg $0xFFFFFFFF;
	(pc) =	sbr.abs _section_cstart, $3  }
0xc2: {  	[dreg:$0x1] =	wrdreg $0xFFFFFFFF  }
0xc3: {  	_ =	task.clear_ibuf [dreg:s8], $0x2FFFF;
	_ =	strace $0x9FFFFFFF  }
0xc4: {  	(tm) =	ssettm $0x7FFFFFFF  }
0xc5: {  	_ =	shalt  }
tec
execute0_lowered:
.L_overlay_start_1:
0x0: {  	(tag) =	ssettag $0x1  }
0x1: {  	s0 =	rddreg [dreg:$0x0]  }
0x2: {  	s1 =	rddreg [dreg:$0x1]  }
0x3: {  	s2 =	rddreg [dreg:$0x2];
	s3 =	srdreg.scid  }
0x4: {  	s5 =	simm.s32 $0x0;
	s4 =	stileid.u32;
	s12 =	simm.s32 $0x18980  }
0x5: {  	s3 =	sand.u32 $0x1, s3;
	[smem:$0x7FF] =	sst s5;
	s4 =	sshll.u32 s4, $0x10  }
0x6: {  	s20 =	sadd.s32 $0x600, s1;
	s1 =	sadd.s32 $0x400, s1;
	s19 =	sshll.u32 s3, $0xF  }
0x7: {  	_ =	strace $0x80000047;
	[dreg:$0x4] =	wrdreg s20;
	s3 =	ssub.s32 $0x2, s3  }
0x8: {  	[dreg:$0x5] =	wrdreg s1;
	s4 =	sor.u32 s19, s4;
	s22 =	sshrl.u32 s3, $0x1  }
0x9: {  	s21 =	sshrl.u32 s4, $0x7;
	s1 =	ssub.s32 s3, s22;
	s23 =	sshrl.u32 s4, $0x3  }
0xa: {  	s24 =	sshrl.u32 s4, $0x2;
	s5 =	sor.u32 $0x80, s21;
	s3 =	sadd.s32 s0, s23  }
0xb: {  	s25 =	sadd.s32 s2, s24;
	s31 =	smax.u32 s1, $0x1;
	[dreg:$0x6] =	wrdreg s3  }
0xc: {  	s6 =	sshll.u32 s5, $0x4;
	[dreg:$0x8] =	wrdreg s25;
	s28 =	sshll.u32 s5, $0x5  }
.Ltmp0:
0xd: {  	[dreg:$0xc] =	wrdreg s31;
	s0 =	sadd.s32 s0, s6;
	(pc) =	sbr.rel .LBB2_1-.Ltmp0, $4  }
0xe: {  	s26 =	sadd.s32 $0x10, s2;
	s29 =	sadd.s32 s2, s28;
	[dreg:$0x7] =	wrdreg s0  }
0xf: {  	s14 =	simm.s32 $0x18D80;
	s30 =	sadd.s32 s28, s26;
	[dreg:$0xa] =	wrdreg s29  }
0x10: {  	s15 =	simm.s32 $0x18000;
	v0 =	vlaneseq.u32;
	s0 =	sadd.s32 s24, s26;
	[dreg:$0xb] =	wrdreg s30  }
0x11: {  	s16 =	simm.s32 $0x18880;
	vm0 =	vmmov $0x1;
	v1 =	vadd.s32 $0x1, v0;
	s2 =	simm.s32 $0x0;
	[dreg:$0x9] =	wrdreg s0  }
.LBB2_75:
0x12: {  	v2 =	vld [tilespmem:$0x7FF0];
	_ =	sdelay $0x4  }
0x13: {  	v2 =	vmin.f32 v2, $9.999999400e-01  }
0x14: {  	v2 =	vmul.f32 $2.560000000e+02, v2;
	_ =	sdelay $0x1  }
0x15: {  	v3 =	vtrunc.f32 v2  }
0x16: {  	v3 =	vcvt.f32.s32 v3;
	_ =	sdelay $0x1  }
0x17: {  	v4 =	vshll.u32 v3, $0x3  }
0x18: {  	v5 =	vor.u32 $0x3, v4  }
0x19: {  	v6 =	vor.u32 $0x7, v4  }
0x1a: {  	v7 =	vor.u32 $0x2, v4  }
0x1b: {  	v8 =	vor.u32 $0x6, v4;
	_ =	sdelay $0x1  }
0x1c: {  	v5 =	vld.idx.msk [tilespmem:v5+s15+$0x0], $0xffff  }
0x1d: {  	v3 =	vcvt.s32.f32 v3;
	v9 =	vor.u32 $0x1, v4;
	v6 =	vld.idx.msk [tilespmem:v6+s15+$0x0], $0xffff  }
0x1e: {  	v10 =	vor.u32 $0x5, v4;
	v7 =	vld.idx.msk [tilespmem:v7+s15+$0x0], $0xffff  }
0x1f: {  	v2 =	vsub.f32 v2, v3;
	v3 =	vld.idx.msk [tilespmem:v8+s15+$0x0], $0xffff;
	_ =	sdelay $0x1  }
0x20: {  	v5 =	vmul.f32 v2, v5  }
0x21: {  	v61 =	vor.u32 $0x4, v4;
	v60 =	vld.idx.msk [tilespmem:v9+s15+$0x0], $0xffff;
	v6 =	vmul.f32 v2, v6  }
0x22: {  	v62 =	vld.idx.msk [tilespmem:v10+s15+$0x0], $0xffff;
	v5 =	vadd.f32 v5, v7  }
0x23: {  	v3 =	vadd.f32 v3, v6  }
0x24: {  	v5 =	vmul.f32 v5, v2  }
0x25: {  	v4 =	vld.idx.msk [tilespmem:v4+s15+$0x0], $0xffff;
	v3 =	vmul.f32 v3, v2  }
0x26: {  	v63 =	vld.idx.msk [tilespmem:v61+s15+$0x0], $0xffff;
	v5 =	vadd.f32 v5, v60  }
0x27: {  	v3 =	vadd.f32 v3, v62  }
0x28: {  	v5 =	vmul.f32 v5, v2  }
0x29: {  	v2 =	vmul.f32 v3, v2  }
0x2a: {  	v3 =	vadd.f32 v5, v4  }
0x2b: {  	v2 =	vadd.f32 v2, v63  }
0x2c: {  	s0 =	rddreg [dreg:$0xa];
	[tilespmem:$0xFFF0] =	vst v3  }
0x2d: {  	s1 =	simm.s32 $0x80;
	s2 =	simm.s32 $0x100;
	s3 =	simm.s32 $0xC000;
	[tilespmem:$0x17FF0] =	vst v2  }
0x2e: {  	[hbm4b:s0+s1] =	stream.strided.scatter [tilespmem:s3], [sflag:$0x4], $0x4000, s2, s1, $0x38;
	[tilespmem:$0x19000] =	vst v63  }
0x2f: {  	s25 =	rddreg [dreg:$0xb];
	s26 =	simm.s32 $0x14000;
	s28 =	simm.s32 $0x3  }
0x30: {  	[hbm4b:s25+s1] =	stream.strided.scatter [tilespmem:s26], [sflag:$0x4], $0x4000, s2, s1, $0x38;
	[tilespmem:$0x19000] =	vst v63  }
0x31: {  	_ =	swait.ge [sflag:s28], $0x4000  }
0x32: {  	[sflag:s28] =	ssyncset.done $0x0  }
0x33: {  	[sflag:s28] =	ssyncadd.s32 $0xFFFFC000  }
0x34: {  	_ =	swait.ge [sflag:s28], $0x4000  }
0x35: {  	[sflag:s28] =	ssyncset.done $0x0  }
0x36: {  	s29 =	simm.s32 $0x4;
	[sflag:s28] =	ssyncadd.s32 $0xFFFFC000  }
0x37: {  	_ =	swait.ge [sflag:s29], $0x4000  }
0x38: {  	[sflag:s29] =	ssyncset.done $0x0  }
0x39: {  	[sflag:s29] =	ssyncadd.s32 $0xFFFFC000  }
0x3a: {  	_ =	swait.ge [sflag:s29], $0x4000  }
0x3b: {  	s30 =	rddreg [dreg:$0xd]  }
0x3c: {  	s31 =	rddreg [dreg:$0xc];
	s2 =	sadd.s32 $0x1, s30  }
0x3d: {  	p0 =	sne.s32 s2, s31  }
.Ltmp1:
0x3e: {  	_ = 	snop;
	(pc) =	sbr.rel @!p0 .LBB2_76-.Ltmp1, $3  }
0x3f: {  	_ =	sdelay $0x1  }
0x40: {  	[sflag:s29] =	ssyncset.done $0x0  }
0x41: {  	[sflag:s29] =	ssyncadd.s32 $0xFFFFC000  }
.LBB2_1:
0x42: {  	[dreg:$0xd] =	wrdreg s2  }
0x43: {  	s0 =	simm.s32 $0x0;
	s1 =	rddreg [dreg:$0x6]  }
0x44: {  	[tilespmem:s0], [sflag:$0x1] =	stream.linear.gather [hbm4b:s1+s0], $0x4000, $0x38;
	[tilespmem:$0x19000] =	vst v63  }
0x45: {  	s29 =	rddreg [dreg:$0x4];
	s3 =	simm.s32 $0x5  }
0x46: {  	[tilespmem:s12], [sflag:$0x5] =	stream.linear.gather [hbm4b:s29+s0], $0x400, $0x38;
	[tilespmem:$0x19000] =	vst v63  }
0x47: {  	s30 =	simm.s32 $0x0;
	_ =	swait.ge [sflag:s3], $0x400  }
0x48: {  	v3 =	vor.u32 s30, v0;
	[sflag:s3] =	ssyncset.done $0x0  }
0x49: {  	v4 =	vshll.u32 v3, $0x2;
	s31 =	rddreg [dreg:$0x5];
	[sflag:s3] =	ssyncadd.s32 $0xFFFFFC00  }
0x4a: {  	v2 =	vor.u32 $0x2, v4;
	[tilespmem:s14], [sflag:$0x5] =	stream.linear.gather [hbm4b:s31+s0], $0x280, $0x38;
	[tilespmem:$0x19000] =	vst v63  }
0x4b: {  	v5 =	vshll.u32 v3, $0x1;
	_ =	swait.ge [sflag:s3], $0x280  }
0x4c: {  	[sflag:s3] =	ssyncset.done $0x0  }
0x4d: {  	[sflag:s3] =	ssyncadd.s32 $0xFFFFFD80  }
0x4e: {  	v6 =	vadd.s32 $0x2, v5;
	v7 =	vld.idx.msk [tilespmem:v4+s12+$0x0], $0xffff  }
0x4f: {  	v8 =	vld.idx.msk [tilespmem:v2+s12+$0x0], $0xffff  }
0x50: {  	v9 =	vld.idx.msk [tilespmem:v5+s14+$0x0], $0xffff;
	_ =	sdelay $0x1  }
0x51: {  	s1 =	simm.s32 $0x10;
	v12 =	vshll.u32 v3, $0x3  }
0x52: {  	v13 =	vor.u32 $0x1, v12;
	v10 =	vld.idx.msk [tilespmem:v6+s14+$0x0], $0xffff;
	v2 =	vor.u32 s1, v0  }
0x53: {  	v17 =	vor.u32 $0x2, v12;
	v14 =	vshll.u32 v2, $0x2;
	v11 =	vsub.f32 v7, v8  }
0x54: {  	v16 =	vor.u32 $0x2, v14;
	v15 =	vsub.f32 v9, v7;
	v8 =	vsub.f32 v8, v7  }
0x55: {  	v19 =	vor.u32 $0x1, v5;
	v6 =	vshll.u32 v2, $0x1;
	v7 =	vsub.f32 v7, v9  }
0x56: {  	v18 =	vadd.s32 $0x2, v6;
	v8 =	vadd.f32 v8, v15;
	v15 =	vor.u32 $0x3, v12  }
0x57: {  	v10 =	vsub.f32 v10, v9;
	v11 =	vmul.f32 $3.000000000e+00, v11;
	v7 =	vmul.f32 $3.000000000e+00, v7  }
0x58: {  	v20 =	vor.u32 $0x1, v4;
	[tilespmem:v12+s15+$0x0] =	vst.idx.msk $0xffff, v9;
	v9 =	vld.idx.msk [tilespmem:v14+s12+$0x0], $0xffff;
	v8 =	vmul.f32 $3.000000000e+00, v8  }
0x59: {  	v16 =	vld.idx.msk [tilespmem:v16+s12+$0x0], $0xffff;
	v10 =	vadd.f32 v11, v10;
	[tilespmem:v13+s15+$0x0] =	vst.idx.msk $0xffff, v7;
	v13 =	vor.u32 $0x3, v4  }
0x5a: {  	[tilespmem:v17+s15+$0x0] =	vst.idx.msk $0xffff, v8;
	v17 =	vld.idx.msk [tilespmem:v6+s14+$0x0], $0xffff  }
0x5b: {  	s0 =	simm.s32 $0x20;
	[tilespmem:v15+s15+$0x0] =	vst.idx.msk $0xffff, v10;
	v15 =	vld.idx.msk [tilespmem:v18+s14+$0x0], $0xffff  }
0x5c: {  	v21 =	vadd.s32 s30, v1;
	v25 =	vor.u32 $0x4, v12;
	v4 =	vor.u32 s0, v0;
	v24 =	vld.idx.msk [tilespmem:v19+s14+$0x0], $0xffff  }
0x5d: {  	v7 =	vshll.u32 v4, $0x1;
	v11 =	vshll.u32 v4, $0x2;
	v18 =	vadd.s32 $0x3, v5;
	v19 =	vld.idx.msk [tilespmem:v20+s12+$0x0], $0xffff  }
0x5e: {  	v8 =	vor.u32 $0x6, v12;
	v28 =	vor.u32 $0x2, v11;
	v5 =	vshll.u32 v2, $0x3;
	v13 =	vld.idx.msk [tilespmem:v13+s12+$0x0], $0xffff  }
0x5f: {  	v10 =	vor.u32 $0x5, v12;
	v20 =	vsub.f32 v9, v16;
	v22 =	vor.u32 $0x1, v5  }
0x60: {  	v16 =	vsub.f32 v16, v9;
	v26 =	vor.u32 $0x2, v5;
	v23 =	vsub.f32 v17, v9  }
0x61: {  	v20 =	vmul.f32 $3.000000000e+00, v20;
	v27 =	vsub.f32 v9, v17;
	v15 =	vsub.f32 v15, v17  }
0x62: {  	v9 =	vor.u32 $0x7, v12;
	v12 =	vld.idx.msk [tilespmem:v18+s14+$0x0], $0xffff;
	v16 =	vadd.f32 v16, v23;
	v23 =	vor.u32 $0x3, v5  }
0x63: {  	v18 =	vmul.f32 $3.000000000e+00, v27;
	v63 =	vadd.f32 v20, v15;
	v29 =	vsub.f32 v13, v19  }
0x64: {  	[tilespmem:v5+s15+$0x0] =	vst.idx.msk $0xffff, v17;
	v20 =	vadd.s32 $0x2, v7;
	v15 =	vmul.f32 $3.000000000e+00, v16;
	v16 =	vsub.f32 v24, v19  }
0x65: {  	[tilespmem:v22+s15+$0x0] =	vst.idx.msk $0xffff, v18;
	v18 =	vsub.f32 v19, v24;
	v22 =	vsub.f32 v19, v13;
	v19 =	vor.u32 $0x1, v6  }
0x66: {  	v17 =	vor.u32 $0x1, v14;
	v14 =	vor.u32 $0x3, v14;
	v13 =	vld.idx.msk [tilespmem:v11+s12+$0x0], $0xffff;
	[tilespmem:v26+s15+$0x0] =	vst.idx.msk $0xffff, v15;
	v16 =	vadd.f32 v29, v16  }
0x67: {  	v15 =	vld.idx.msk [tilespmem:v28+s12+$0x0], $0xffff;
	v18 =	vmul.f32 $3.000000000e+00, v18;
	[tilespmem:v23+s15+$0x0] =	vst.idx.msk $0xffff, v63;
	v23 =	vmul.f32 $3.000000000e+00, v22;
	v22 =	vsub.f32 v12, v24  }
0x68: {  	v21 =	vcvt.s32.f32 v21;
	[tilespmem:v25+s15+$0x0] =	vst.idx.msk $0xffff, v24;
	v12 =	vld.idx.msk [tilespmem:v7+s14+$0x0], $0xffff;
	v16 =	vmul.f32 $3.000000000e+00, v16  }
.LBB2_2:
0x69: {  	v20 =	vld.idx.msk [tilespmem:v20+s14+$0x0], $0xffff;
	v24 =	vadd.s32 s1, v1;
	v22 =	vadd.f32 v23, v22;
	[tilespmem:v10+s15+$0x0] =	vst.idx.msk $0xffff, v18;
	s1 =	smov.u32 s0;
	s0 =	sadd.s32 $0x10, s0  }
0x6a: {  	v18 =	vor.u32 s0, v0;
	p0 =	slt.u32 s0, $0xF0;
	v25 =	vld.idx.msk [tilespmem:v19+s14+$0x0], $0xffff;
	v19 =	vadd.s32 $0x3, v6;
	[tilespmem:v8+s15+$0x0] =	vst.idx.msk $0xffff, v16;
	v16 =	vmul.f32 $3.906250000e-03, v21;
	v6 =	vmovc v7  }
0x6b: {  	v21 =	vshll.u32 v4, $0x3;
	v7 =	vshll.u32 v18, $0x1;
	v26 =	vshll.u32 v18, $0x2;
	v17 =	vld.idx.msk [tilespmem:v17+s12+$0x0], $0xffff;
	[tilespmem:v9+s15+$0x0] =	vst.idx.msk $0xffff, v22  }
0x6c: {  	v27 =	vor.u32 $0x4, v5;
	v10 =	vor.u32 $0x5, v5;
	v8 =	vor.u32 $0x6, v5;
	v14 =	vld.idx.msk [tilespmem:v14+s12+$0x0], $0xffff;
	[tilespmem:v3+s16+$0x0] =	vst.idx.msk $0xffff, v16;
	v3 =	vmovc v2  }
0x6d: {  	v22 =	vor.u32 $0x1, v21;
	v9 =	vor.u32 $0x7, v5;
	v16 =	vsub.f32 v13, v15;
	v2 =	vmovc v4;
	v4 =	vmovc v18  }
0x6e: {  	v23 =	vor.u32 $0x2, v21;
	v5 =	vmovc v21;
	v15 =	vsub.f32 v15, v13;
	v18 =	vsub.f32 v12, v13  }
0x6f: {  	v13 =	vsub.f32 v13, v12;
	v28 =	vsub.f32 v20, v12;
	v16 =	vmul.f32 $3.000000000e+00, v16;
	v29 =	vld.idx.msk [tilespmem:v19+s14+$0x0], $0xffff  }
0x70: {  	v30 =	vor.u32 $0x2, v26;
	v15 =	vadd.f32 v15, v18;
	v18 =	vor.u32 $0x3, v5  }
0x71: {  	v20 =	vadd.s32 $0x2, v7;
	v13 =	vmul.f32 $3.000000000e+00, v13;
	v16 =	vadd.f32 v16, v28  }
.Ltmp2:
0x72: {  	v15 =	vmul.f32 $3.000000000e+00, v15;
	[tilespmem:v21+s15+$0x0] =	vst.idx.msk $0xffff, v12;
	v12 =	vsub.f32 v25, v17;
	v21 =	vsub.f32 v14, v17;
	(pc) =	sbr.rel @p0 .LBB2_2-.Ltmp2, $4  }
0x73: {  	v19 =	vor.u32 $0x1, v6;
	v28 =	vsub.f32 v17, v14;
	[tilespmem:v22+s15+$0x0] =	vst.idx.msk $0xffff, v13;
	v22 =	vsub.f32 v17, v25  }
0x74: {  	v14 =	vor.u32 $0x3, v11;
	v17 =	vor.u32 $0x1, v11;
	v13 =	vld.idx.msk [tilespmem:v26+s12+$0x0], $0xffff;
	[tilespmem:v23+s15+$0x0] =	vst.idx.msk $0xffff, v15;
	v31 =	vadd.f32 v21, v12  }
0x75: {  	v23 =	vmul.f32 $3.000000000e+00, v28;
	v15 =	vld.idx.msk [tilespmem:v30+s12+$0x0], $0xffff;
	[tilespmem:v18+s15+$0x0] =	vst.idx.msk $0xffff, v16;
	v18 =	vmul.f32 $3.000000000e+00, v22;
	v22 =	vsub.f32 v29, v25  }
0x76: {  	v11 =	vmov v26;
	v21 =	vcvt.s32.f32 v24;
	v12 =	vld.idx.msk [tilespmem:v7+s14+$0x0], $0xffff;
	v16 =	vmul.f32 $3.000000000e+00, v31;
	[tilespmem:v27+s15+$0x0] =	vst.idx.msk $0xffff, v25  }
0x77: {  	_ =	sdelay $0x3  }
0x78: {  	v20 =	vld.idx.msk [tilespmem:v20+s14+$0x0], $0xffff  }
0x79: {  	v6 =	vadd.s32 $0x3, v6;
	v24 =	vshll.u32 v4, $0x3  }
0x7a: {  	v25 =	vor.u32 $0x1, v24;
	v27 =	vsub.f32 v15, v13;
	v26 =	vsub.f32 v12, v13  }
0x7b: {  	v28 =	vor.u32 $0x2, v24;
	v63 =	vsub.f32 v13, v15;
	v32 =	vsub.f32 v13, v12  }
0x7c: {  	v29 =	vor.u32 $0x1, v7;
	v33 =	vor.u32 $0x3, v24;
	v26 =	vadd.f32 v27, v26  }
0x7d: {  	v19 =	vld.idx.msk [tilespmem:v19+s14+$0x0], $0xffff;
	v20 =	vsub.f32 v20, v12;
	v15 =	vmul.f32 $3.000000000e+00, v63;
	v13 =	vmul.f32 $3.000000000e+00, v32  }
0x7e: {  	v17 =	vld.idx.msk [tilespmem:v17+s12+$0x0], $0xffff;
	v34 =	vor.u32 $0x1, v11;
	[tilespmem:v24+s15+$0x0] =	vst.idx.msk $0xffff, v12;
	v26 =	vmul.f32 $3.000000000e+00, v26  }
0x7f: {  	v14 =	vld.idx.msk [tilespmem:v14+s12+$0x0], $0xffff;
	v36 =	vor.u32 $0x3, v11;
	v35 =	vadd.f32 v15, v20;
	[tilespmem:v25+s15+$0x0] =	vst.idx.msk $0xffff, v13  }
0x80: {  	[tilespmem:v28+s15+$0x0] =	vst.idx.msk $0xffff, v26  }
0x81: {  	v6 =	vld.idx.msk [tilespmem:v6+s14+$0x0], $0xffff;
	[tilespmem:v33+s15+$0x0] =	vst.idx.msk $0xffff, v35  }
0x82: {  	v37 =	vadd.s32 s1, v1;
	v38 =	vadd.f32 v23, v22;
	v41 =	vadd.s32 $0x3, v7;
	v40 =	vld.idx.msk [tilespmem:v29+s14+$0x0], $0xffff  }
0x83: {  	v42 =	vor.u32 $0x4, v5;
	[tilespmem:v10+s15+$0x0] =	vst.idx.msk $0xffff, v18;
	v45 =	vor.u32 $0x5, v5;
	v43 =	vsub.f32 v19, v17;
	v12 =	vld.idx.msk [tilespmem:v34+s12+$0x0], $0xffff  }
0x84: {  	v46 =	vor.u32 $0x6, v5;
	v44 =	vsub.f32 v14, v17;
	v14 =	vsub.f32 v17, v14;
	v11 =	vld.idx.msk [tilespmem:v36+s12+$0x0], $0xffff  }
0x85: {  	v47 =	vor.u32 $0x7, v5;
	v39 =	vmul.f32 $3.906250000e-03, v21;
	[tilespmem:v8+s15+$0x0] =	vst.idx.msk $0xffff, v16;
	v48 =	vsub.f32 v17, v19  }
0x86: {  	[tilespmem:v9+s15+$0x0] =	vst.idx.msk $0xffff, v38;
	v49 =	vadd.f32 v44, v43;
	v50 =	vmul.f32 $3.000000000e+00, v14;
	v6 =	vsub.f32 v6, v19  }
0x87: {  	v51 =	vcvt.s32.f32 v37;
	v54 =	vor.u32 $0x4, v24;
	[tilespmem:v3+s16+$0x0] =	vst.idx.msk $0xffff, v39;
	v3 =	vmul.f32 $3.000000000e+00, v48;
	v7 =	vld.idx.msk [tilespmem:v41+s14+$0x0], $0xffff  }
0x88: {  	v57 =	vor.u32 $0x6, v24;
	[tilespmem:v42+s15+$0x0] =	vst.idx.msk $0xffff, v19;
	v52 =	vmul.f32 $3.000000000e+00, v49;
	v6 =	vadd.f32 v50, v6  }
0x89: {  	[tilespmem:v45+s15+$0x0] =	vst.idx.msk $0xffff, v3;
	v3 =	vor.u32 $0x5, v24;
	v55 =	vsub.f32 v40, v12;
	v56 =	vsub.f32 v11, v12  }
0x8a: {  	v53 =	vmul.f32 $3.906250000e-03, v51;
	[tilespmem:v46+s15+$0x0] =	vst.idx.msk $0xffff, v52;
	v58 =	vsub.f32 v12, v40;
	v11 =	vsub.f32 v12, v11  }
0x8b: {  	v59 =	vadd.s32 s0, v1;
	v60 =	vor.u32 $0x7, v24;
	[tilespmem:v47+s15+$0x0] =	vst.idx.msk $0xffff, v6;
	v61 =	vadd.f32 v56, v55  }
0x8c: {  	[tilespmem:v2+s16+$0x0] =	vst.idx.msk $0xffff, v53;
	v7 =	vsub.f32 v7, v40;
	v2 =	vmul.f32 $3.000000000e+00, v58;
	v62 =	vmul.f32 $3.000000000e+00, v11  }
0x8d: {  	v63 =	vcvt.s32.f32 v59;
	[tilespmem:v54+s15+$0x0] =	vst.idx.msk $0xffff, v40;
	v6 =	vmul.f32 $3.000000000e+00, v61  }
0x8e: {  	v7 =	vadd.f32 v62, v7;
	[tilespmem:v3+s15+$0x0] =	vst.idx.msk $0xffff, v2  }
0x8f: {  	v2 =	vmul.f32 $3.906250000e-03, v63;
	[tilespmem:v57+s15+$0x0] =	vst.idx.msk $0xffff, v6  }
0x90: {  	[tilespmem:v60+s15+$0x0] =	vst.idx.msk $0xffff, v7  }
.Ltmp3:
0x91: {  	s30 =	simm.s32 $0x1;
	[tilespmem:v4+s16+$0x0] =	vst.idx.msk $0xffff, v2;
	(pc) =	sbr.rel .LBB2_4-.Ltmp3, $4  }
0x92: {  	_ =	swait.ge [sflag:s30], $0x4000  }
0x93: {  	s0 =	simm.s32 $0x0;
	[sflag:s30] =	ssyncset.done $0x0  }
0x94: {  	s2 =	simm.s32 $0x4000;
	s31 =	rddreg [dreg:$0x7];
	[sflag:s30] =	ssyncadd.s32 $0xFFFFC000  }
0x95: {  	[tilespmem:s2], [sflag:$0x2] =	stream.linear.gather [hbm4b:s31+s0], $0x4000, $0x38;
	[tilespmem:$0x19000] =	vst v63  }
.LBB2_24:
0x96: {  	_ = 	snop  }
0x97: {  	s18 =	smov.u32 s26;
	s2 =	smov.u32 s3;
	s23 =	smov.u32 s4  }
.LBB2_37:
0x98: {  	v11 =	vmul.f32 v24, v11;
	v24 =	vld @p2 [tilespmem:s5+$0x0]  }
0x99: {  	v22 =	vadd.f32 v22, v2;
	s1 =	sadd.s32 @p0 $0x40, s2;
	s9 =	smov.u32 s3  }
0x9a: {  	s10 =	smov.u32 s4;
	s9 =	smov.u32 @p0 s1;
	s1 =	sadd.s32 @p0 $0x40, s23;
	v11 =	vadd.f32 v11, v3  }
0x9b: {  	s10 =	smov.u32 @p0 s1;
	[tilespmem:s9+$0xFFFFFFE0] =	vst v22;
	v22 =	vmul.f32 @p0 v25, v8  }
0x9c: {  	v29 =	vmov @p0 v25;
	v25 =	vmul.f32 @p0 v25, v9;
	[tilespmem:s10+$0xFFFFFFE0] =	vst v11  }
0x9d: {  	v11 =	vadd.f32 @p3 v26, v4;
	v22 =	vadd.f32 @p0 v22, v6;
	v24 =	vmin.f32 @p2 v24, $9.999999400e-01;
	v39 =	vld [tilespmem:s18+$0xFFFFFFF0]  }
0x9e: {  	v28 =	vadd.f32 @p4 v28, v6;
	v24 =	vmul.f32 @p2 $2.560000000e+02, v24  }
0x9f: {  	v25 =	vadd.f32 @p0 v25, v7;
	v11 =	vmul.f32 @p3 v11, v23;
	v22 =	vmul.f32 @p0 v22, v29  }
0xa0: {  	v13 =	vmul.f32 @p1 v21, v13;
	v23 =	vmul.f32 @p3 v27, v23;
	v24 =	vsub.f32 @p2 v24, v10  }
0xa1: {  	v25 =	vmul.f32 @p0 v25, v29;
	v11 =	vadd.f32 @p3 v11, v2;
	v21 =	vadd.f32 @p0 v22, v4  }
0xa2: {  	v23 =	vadd.f32 @p3 v23, v3;
	v22 =	vmul.f32 @p2 v24, v9;
	v26 =	vmin.f32 v39, $9.999999400e-01  }
0xa3: {  	v27 =	vmul.f32 @p2 v24, v8;
	[tilespmem:s22+$0x0] =	vst @p3 v11;
	v11 =	vadd.f32 @p1 v13, v3;
	v26 =	vmul.f32 $2.560000000e+02, v26  }
0xa4: {  	s2 =	smov.u32 @p1 s28;
	[tilespmem:s24+$0x0] =	vst @p3 v23;
	v23 =	vadd.f32 @p0 v25, v5;
	v22 =	vadd.f32 @p2 v22, v7  }
0xa5: {  	[tilespmem:s2+$0xFFFFFFF0] =	vst @p1 v16;
	v27 =	vadd.f32 @p2 v27, v6;
	v26 =	vsub.f32 v26, v10  }
0xa6: {  	v21 =	vmul.f32 @p0 v21, v29;
	[tilespmem:s17+$0xFFFFFFF0] =	vst @p1 v11;
	v11 =	vpsel p0, v29, v14;
	v22 =	vmul.f32 @p2 v22, v24  }
0xa7: {  	v14 =	vpsel p0, v23, v20;
	v13 =	vmul.f32 @p2 v27, v24;
	v40 =	vmul.f32 v26, v8  }
0xa8: {  	v21 =	vadd.f32 @p0 v21, v2;
	v11 =	vmul.f32 @p0 v14, v11;
	v41 =	vmul.f32 v26, v9  }
0xa9: {  	s1 =	smov.u32 @p1 s30;
	v22 =	vadd.f32 @p2 v22, v5;
	v13 =	vpsel p2, v13, v18;
	v18 =	vld @p3 [tilespmem:s21+$0x10];
	v42 =	vadd.f32 v40, v6  }
0xaa: {  	s20 =	smov.u32 @p1 s1;
	s1 =	smov.u32 @p0 s6;
	v15 =	vpsel p2, v24, v15;
	v43 =	vadd.f32 v41, v7;
	v13 =	vadd.f32 @p2 v13, v4  }
0xab: {  	s19 =	smov.u32 @p0 s1;
	s1 =	rddreg [dreg:$0x14];
	v11 =	vadd.f32 @p0 v11, v3;
	v16 =	vpsel p2, v22, v17;
	v44 =	vmul.f32 v42, v26  }
0xac: {  	s11 =	smov.u32 @p0 s1;
	s1 =	smov.u32 @p0 s7;
	s7 =	smov.u32 @p0 s19;
	v17 =	vpsel p0, v21, v19;
	v19 =	vld @p1 [tilespmem:s20+$0x0];
	v20 =	vmul.f32 v43, v26;
	v13 =	vmul.f32 @p2 v13, v15  }
0xad: {  	v30 =	vmul.f32 @p4 v12, v9;
	s6 =	smov.u32 @p2 s8;
	s13 =	smov.u32 @p0 s1;
	s1 =	smov.u32 @p0 s11;
	v15 =	vmul.f32 @p2 v16, v15;
	[tilespmem:s7+$0xFFFFFFF0] =	vst @p0 v17;
	v14 =	vadd.f32 v44, v4  }
0xae: {  	s19 =	smov.u32 s26;
	s26 =	smov.u32 @p0 s1;
	s1 =	smov.u32 s3;
	[tilespmem:s13+$0xFFFFFFF0] =	vst @p0 v11;
	v45 =	vadd.f32 v20, v5;
	v17 =	vmin.f32 @p3 v18, $9.999999400e-01;
	v13 =	vadd.f32 @p2 v13, v2  }
0xaf: {  	s8 =	smov.u32 @p2 s25;
	s1 =	smov.u32 @p2 s6;
	s6 =	smov.u32 s4;
	v15 =	vadd.f32 @p2 v15, v3;
	v11 =	vmul.f32 @p3 $2.560000000e+02, v17;
	v17 =	vld @p0 [tilespmem:s26+$0x0];
	v14 =	vmul.f32 v14, v26  }
0xb0: {  	v21 =	vmul.f32 @p4 v28, v12;
	s6 =	smov.u32 @p2 s8;
	v18 =	vadd.f32 @p4 v30, v7;
	v16 =	vmul.f32 v45, v26;
	[tilespmem:s1+$0x0] =	vst @p2 v13  }
0xb1: {  	s19 =	smov.u32 @p2 s5;
	v19 =	vmin.f32 @p1 v19, $9.999999400e-01;
	v11 =	vsub.f32 @p3 v11, v10;
	[tilespmem:s6+$0x0] =	vst @p2 v15;
	v46 =	vadd.f32 v14, v2  }
0xb2: {  	v14 =	vmul.f32 @p1 $2.560000000e+02, v19;
	v47 =	vadd.f32 v16, v3;
	v16 =	vld @p2 [tilespmem:s19+$0x10];
	v19 =	vadd.f32 @p4 v21, v4  }
0xb3: {  	v13 =	vmul.f32 @p4 v18, v12;
	v18 =	vmul.f32 @p3 v11, v8;
	v11 =	vpsel p3, v11, v0;
	[tilespmem:s9+$0xFFFFFFF0] =	vst v46  }
0xb4: {  	v14 =	vsub.f32 @p1 v14, v10;
	v15 =	vmul.f32 @p4 v19, v12;
	v17 =	vmin.f32 @p0 v17, $9.999999400e-01;
	[tilespmem:s10+$0xFFFFFFF0] =	vst v47  }
0xb5: {  	v13 =	vadd.f32 @p4 v13, v5;
	v21 =	vmul.f32 @p3 v11, v9;
	v17 =	vmul.f32 @p0 $2.560000000e+02, v17;
	v48 =	vld [tilespmem:s18+$0x0]  }
0xb6: {  	v18 =	vpsel p3, v18, v0;
	v20 =	vmul.f32 @p1 v14, v8;
	v22 =	vmul.f32 @p1 v14, v9  }
0xb7: {  	v18 =	vadd.f32 @p3 v18, v6;
	v16 =	vmin.f32 @p2 v16, $9.999999400e-01;
	v17 =	vsub.f32 @p0 v17, v10  }
0xb8: {  	v20 =	vadd.f32 @p1 v20, v6;
	v22 =	vadd.f32 @p1 v22, v7;
	v16 =	vmul.f32 @p2 $2.560000000e+02, v16  }
0xb9: {  	v21 =	vadd.f32 @p3 v21, v7;
	v23 =	vmul.f32 @p0 v17, v9;
	v24 =	vmul.f32 @p0 v17, v8  }
0xba: {  	v20 =	vmul.f32 @p1 v20, v14;
	v22 =	vmul.f32 @p1 v22, v14;
	v19 =	vmin.f32 v48, $9.999999400e-01  }
0xbb: {  	v16 =	vsub.f32 @p2 v16, v10;
	v23 =	vadd.f32 @p0 v23, v7;
	v19 =	vmul.f32 $2.560000000e+02, v19  }
0xbc: {  	v24 =	vadd.f32 @p0 v24, v6;
	v20 =	vpsel p1, v20, v0;
	v22 =	vadd.f32 @p1 v22, v5  }
0xbd: {  	v20 =	vadd.f32 @p1 v20, v4;
	v19 =	vsub.f32 v19, v10  }
0xbe: {  	v14 =	vpsel p1, v14, v0;
	v23 =	vmul.f32 @p0 v23, v17;
	v24 =	vmul.f32 @p0 v24, v17  }
0xbf: {  	v22 =	vpsel p1, v22, v0;
	v20 =	vmul.f32 @p1 v20, v14;
	v49 =	vmul.f32 v19, v8  }
0xc0: {  	v23 =	vadd.f32 @p0 v23, v5;
	v24 =	vpsel p0, v24, v0;
	v50 =	vmul.f32 v19, v9  }
0xc1: {  	s8 =	rddreg [dreg:$0x10];
	v14 =	vmul.f32 @p1 v22, v14;
	v22 =	vadd.f32 @p0 v24, v4;
	v25 =	vadd.f32 v49, v6  }
0xc2: {  	s5 =	smov.u32 @p1 s17;
	s11 =	rddreg [dreg:$0x12];
	s8 =	smov.u32 @p1 s2;
	v17 =	vpsel p0, v17, v0;
	v20 =	vadd.f32 @p1 v20, v2;
	v51 =	vadd.f32 v50, v7  }
0xc3: {  	s11 =	smov.u32 @p1 s5;
	s5 =	smov.u32 @p0 s13;
	s2 =	smov.u32 @p1 s8;
	v23 =	vpsel p0, v23, v0;
	v22 =	vmul.f32 @p0 v22, v17;
	v25 =	vmul.f32 v25, v19  }
0xc4: {  	s4 =	smov.u32 @p0 s5;
	s5 =	smov.u32 @p1 s11;
	s2 =	smov.u32 @p1 s2;
	v14 =	vadd.f32 @p1 v14, v3;
	v17 =	vmul.f32 @p0 v23, v17;
	v24 =	vmul.f32 v51, v19  }
0xc5: {  	s3 =	smov.u32 @p0 s7;
	s7 =	smov.u32 @p1 s20;
	v18 =	vmul.f32 @p3 v18, v11;
	s5 =	smov.u32 @p1 s5;
	[tilespmem:s2+$0x0] =	vst @p1 v20;
	v20 =	vadd.f32 @p0 v22, v2;
	v52 =	vadd.f32 v25, v4  }
0xc6: {  	s7 =	smov.u32 @p1 s7;
	v21 =	vmul.f32 @p3 v21, v11;
	[tilespmem:s5+$0x0] =	vst @p1 v14;
	v14 =	vadd.f32 @p0 v17, v3;
	v53 =	vadd.f32 v24, v5  }
0xc7: {  	s3 =	smov.u32 @p0 s3;
	v23 =	vld @p1 [tilespmem:s7+$0x10];
	v25 =	vmul.f32 @p2 v16, v8;
	v16 =	vpsel p2, v16, v0;
	v54 =	vmul.f32 v52, v19  }
0xc8: {  	s4 =	smov.u32 @p0 s4;
	v18 =	vadd.f32 @p3 v18, v4;
	s7 =	smov.u32 @p0 s26;
	[tilespmem:s3+$0x0] =	vst @p0 v20;
	v20 =	vmul.f32 @p2 v16, v9;
	v19 =	vmul.f32 v53, v19  }
0xc9: {  	s7 =	smov.u32 @p0 s7;
	[tilespmem:s4+$0x0] =	vst @p0 v14;
	v14 =	vadd.f32 @p3 v21, v5;
	v24 =	vpsel p2, v25, v0;
	v55 =	vadd.f32 v54, v2  }
0xca: {  	v17 =	vld @p0 [tilespmem:s7+$0x10];
	v22 =	vadd.f32 @p2 v24, v6;
	v19 =	vadd.f32 v19, v3  }
0xcb: {  	v12 =	vmul.f32 @p4 v13, v12;
	v13 =	vmul.f32 @p3 v18, v11;
	v20 =	vadd.f32 @p2 v20, v7;
	[tilespmem:s9+$0x0] =	vst v55  }
0xcc: {  	v11 =	vmul.f32 @p3 v14, v11;
	v21 =	vmin.f32 @p1 v23, $9.999999400e-01;
	v22 =	vmul.f32 @p2 v22, v16;
	[tilespmem:s10+$0x0] =	vst v19  }
0xcd: {  	v15 =	vadd.f32 @p4 v15, v2;
	v20 =	vmul.f32 @p2 v20, v16;
	v14 =	vmul.f32 @p1 $2.560000000e+02, v21;
	v56 =	vld [tilespmem:s18+$0x10]  }
0xce: {  	v12 =	vadd.f32 @p4 v12, v3;
	v19 =	vadd.f32 @p2 v22, v4  }
0xcf: {  	v20 =	vadd.f32 @p2 v20, v5;
	v17 =	vmin.f32 @p0 v17, $9.999999400e-01;
	v14 =	vsub.f32 @p1 v14, v10  }
0xd0: {  	v13 =	vadd.f32 @p3 v13, v2;
	v17 =	vmul.f32 @p0 $2.560000000e+02, v17;
	v19 =	vmul.f32 @p2 v19, v16  }
0xd1: {  	v11 =	vadd.f32 @p3 v11, v3;
	v16 =	vmul.f32 @p2 v20, v16;
	v20 =	vmul.f32 @p1 v14, v8  }
0xd2: {  	v14 =	vpsel p1, v14, v0;
	v17 =	vsub.f32 @p0 v17, v10;
	v18 =	vmin.f32 v56, $9.999999400e-01  }
0xd3: {  	v21 =	vmul.f32 @p1 v14, v9;
	v19 =	vadd.f32 @p2 v19, v2;
	v18 =	vmul.f32 $2.560000000e+02, v18  }
0xd4: {  	v16 =	vadd.f32 @p2 v16, v3;
	v20 =	vpsel p1, v20, v0;
	v22 =	vmul.f32 @p0 v17, v8  }
0xd5: {  	v20 =	vadd.f32 @p1 v20, v6;
	v17 =	vpsel p0, v17, v0;
	v57 =	vsub.f32 v18, v10  }
0xd6: {  	v18 =	vadd.f32 @p1 v21, v7;
	v21 =	vpsel p0, v22, v0;
	v22 =	vmul.f32 @p0 v17, v9  }
0xd7: {  	v20 =	vmul.f32 @p1 v20, v14;
	v21 =	vadd.f32 @p0 v21, v6;
	v58 =	vmul.f32 v57, v8  }
0xd8: {  	v18 =	vmul.f32 @p1 v18, v14;
	v22 =	vadd.f32 @p0 v22, v7;
	v59 =	vmul.f32 v57, v9  }
0xd9: {  	[tilespmem:s0+$0x10] =	vst @p4 v15;
	s0 =	smov.u32 @p3 s22;
	v15 =	vadd.f32 @p1 v20, v4;
	v20 =	vmul.f32 @p0 v21, v17;
	v60 =	vadd.f32 v58, v6  }
0xda: {  	[tilespmem:s31+$0x10] =	vst @p4 v12;
	s0 =	smov.u32 @p3 s0;
	s7 =	smov.u32 @p3 s24;
	v8 =	vadd.f32 @p1 v18, v5;
	v12 =	vmul.f32 @p0 v22, v17;
	v61 =	vadd.f32 v59, v7  }
0xdb: {  	[tilespmem:s0+$0x10] =	vst @p3 v13;
	s0 =	smov.u32 @p3 s7;
	v9 =	vmul.f32 @p1 v15, v14;
	v13 =	vadd.f32 @p0 v20, v4;
	v6 =	vmul.f32 v60, v57  }
0xdc: {  	s1 =	smov.u32 @p2 s1;
	[tilespmem:s0+$0x10] =	vst @p3 v11;
	s0 =	smov.u32 @p2 s6;
	v8 =	vmul.f32 @p1 v8, v14;
	v11 =	vadd.f32 @p0 v12, v5;
	v7 =	vmul.f32 v61, v57  }
0xdd: {  	s0 =	smov.u32 @p2 s0;
	[tilespmem:s1+$0x10] =	vst @p2 v19;
	s1 =	smov.u32 @p1 s2;
	v9 =	vadd.f32 @p1 v9, v2;
	v12 =	vmul.f32 @p0 v13, v17;
	v62 =	vadd.f32 v6, v4  }
0xde: {  	[tilespmem:s0+$0x10] =	vst @p2 v16;
	s0 =	smov.u32 @p1 s5;
	s1 =	smov.u32 @p1 s1;
	v6 =	vadd.f32 @p1 v8, v3;
	v8 =	vmul.f32 @p0 v11, v17;
	v63 =	vadd.f32 v7, v5  }
0xdf: {  	s0 =	smov.u32 @p1 s0;
	[tilespmem:s1+$0x10] =	vst @p1 v9;
	s1 =	smov.u32 @p0 s3;
	v7 =	vadd.f32 @p0 v12, v2;
	v4 =	vmul.f32 v62, v57  }
0xe0: {  	s1 =	smov.u32 @p0 s1;
	[tilespmem:s0+$0x10] =	vst @p1 v6;
	s0 =	smov.u32 @p0 s4;
	v6 =	vadd.f32 @p0 v8, v3;
	v5 =	vmul.f32 v63, v57  }
0xe1: {  	[tilespmem:s1+$0x10] =	vst @p0 v7;
	s0 =	smov.u32 @p0 s0;
	v2 =	vadd.f32 v4, v2  }
0xe2: {  	[tilespmem:s0+$0x10] =	vst @p0 v6;
	v3 =	vadd.f32 v5, v3  }
0xe3: {  	[tilespmem:s9+$0x10] =	vst v2  }
0xe4: {  	[tilespmem:s10+$0x10] =	vst v3  }
.LBB2_38:
0xe5: {  	p0 =	slt.s32 s29, $0x4000  }
.Ltmp4:
0xe6: {  	_ = 	snop;
	(pc) =	sbr.rel @!p0 .LBB2_39-.Ltmp4, $2  }
0xe7: {  	_ =	sdelay $0x2  }
0xe8: {  	s0 =	smov.u32 s29  }
.LBB2_4:
0xe9: {  	v2 =	vld [tilespmem:s0+$0x0];
	_ =	sdelay $0x4  }
0xea: {  	v2 =	vmin.f32 v2, $9.999999400e-01  }
0xeb: {  	v2 =	vmul.f32 $2.560000000e+02, v2;
	_ =	sdelay $0x1  }
0xec: {  	v2 =	vtrunc.f32 v2  }
0xed: {  	v2 =	vcvt.f32.s32 v2;
	_ =	sdelay $0x1  }
0xee: {  	v2 =	vnsel vm0, $0x80000000, v2  }
0xef: {  	v2 =	vxor.u32 $0x80000000, v2  }
0xf0: {  	(xrf0) =	vmax.scan.msk.u32 $0xffff, v2;
	_ =	sdelay $0x5  }
0xf1: {  	v2, _, _ =	vpop (xrf0)  }
0xf2: {  	v9 =	vxor.u32 $0x80000000, v2;
	_ =	sdelay $0x4  }
0xf3: {  	v3 =	vld.idx.msk [tilespmem:v9+s16+$0x0], $0xffff;
	_ =	sdelay $0x4  }
0xf4: {  	(v2sf) =	vpush v3, $0x0;
	_ =	sdelay $0x8  }
0xf5: {  	s2 =	sshra.s32 s0, $0x4  }
0xf6: {  	p0 =	sgt.s32 s2, $0x3FE  }
.Ltmp5:
0xf7: {  	_ = 	snop;
	(pc) =	sbr.rel @p0 .LBB2_8-.Ltmp5, $2  }
0xf8: {  	_ =	sdelay $0x2  }
0xf9: {  	s29 =	simm.s32 $0x4000;
	s1 =	spop (v2sf)  }
0xfa: {  	s2 =	sadd.s32 $0x1, s2;
	s3 =	simm.s32 $0x400  }
.LBB2_6:
0xfb: {  	s30 =	sadd.s32 s2, s3  }
0xfc: {  	s4 =	smov.u32 s3;
	s3 =	sshra.s32 s30, $0x1  }
0xfd: {  	s5 =	sshll.u32 s3, $0x6  }
0xfe: {  	s5 =	sshra.s32 s5, $0x2  }
0xff: {  	v3 =	vld [tilespmem:s5+$0x0];
	_ =	sdelay $0x4  }
0x100: {  	(v2sf) =	vpush v3, $0x0;
	_ =	sdelay $0xe  }
0x101: {  	s31 =	spop (v2sf)  }
0x102: {  	s5 =	sadd.s32 $0x1, s3;
	p0 =	slt.s32 s31, s1  }
0x103: {  	s2 =	smov.u32 @p0 s5;
	s3 =	smov.u32 @p0 s4  }
0x104: {  	p0 =	slt.s32 s2, s3  }
.Ltmp6:
0x105: {  	_ = 	snop;
	(pc) =	sbr.rel @p0 .LBB2_6-.Ltmp6, $1  }
0x106: {  	_ =	sdelay $0x3  }
0x107: {  	s29 =	sshll.u32 s2, $0x4  }
.LBB2_8:
0x108: {  	s1 =	sadd.s32 $0xFFFFFFF0, s0;
	s2 =	sand.u32 $0xFFFFFFC0, s0  }
0x109: {  	s0 =	sadd.s32 $0x30, s0;
	p0 =	slt.s32 s1, s2  }
0x10a: {  	s2 =	smov.u32 @p0 s1;
	s1 =	sand.u32 $0xFFFFFFC0, s0  }
0x10b: {  	p0 =	sgt.s32 s2, $0x0;
	p1 =	slt.s32 s1, $0x4000;
	s6 =	smov.u32 s1  }
0x10c: {  	s2 =	simm.s32 @!p0 $0x0;
	s6 =	simm.s32 @!p1 $0x4000  }
0x10d: {  	p0 =	sge.s32 s2, s6  }
.Ltmp7:
0x10e: {  	_ = 	snop;
	(pc) =	sbr.rel @p0 .LBB2_22-.Ltmp7, $1  }
0x10f: {  	_ =	sdelay $0x3  }
0x110: {  	s3 =	sshll.u32 s2, $0x2  }
0x111: {  	s2 =	sadd.s32 $0x10, s2;
	s5 =	sshra.s32 s3, $0x2  }
0x112: {  	p4 =	slt.s32 s2, s6;
	v3 =	vld [tilespmem:s5+$0x0]  }
.Ltmp8:
0x113: {  	_ = 	snop;
	(pc) =	sbr.rel @!p4 .LBB2_10-.Ltmp8, $4  }
0x114: {  	_ = 	snop  }
0x115: {  	p0 =	por $0x0, $0x0  }
0x116: {  	p1 =	por $0x0, $0x0;
	p2 =	por $0x0, $0x0;
	p3 =	por $0x0, $0x0  }
0x117: {  	s3 =	sadd.s32 $0x10000, s5;
	s4 =	sadd.s32 $0x8000, s5;
	s5 =	sadd.s32 $0x10, s5;
	v6 =	vmin.f32 v3, $9.999999400e-01  }
0x118: {  	s2 =	sadd.s32 $0x10, s2  }
0x119: {  	v4 =	vld [tilespmem:s5+$0x0];
	v3 =	vmul.f32 $2.560000000e+02, v6;
	p4 =	slt.s32 s2, s6  }
.Ltmp9:
0x11a: {  	_ = 	snop;
	(pc) =	sbr.rel @!p4 .LBB2_12-.Ltmp9, $3  }
0x11b: {  	v5 =	vtrunc.f32 v3  }
0x11c: {  	v28 =	vcvt.f32.s32 v5;
	_ =	sdelay $0x1  }
0x11d: {  	s5 =	sadd.s32 $0x10, s5;
	p0 =	por $0x1, $0x1;
	v6 =	vmin.f32 v4, $9.999999400e-01;
	v4 =	vshll.u32 v28, $0x3  }
0x11e: {  	v7 =	vor.u32 $0x3, v4  }
0x11f: {  	v8 =	vor.u32 $0x7, v4  }
0x120: {  	v11 =	vor.u32 $0x2, v4;
	s2 =	sadd.s32 $0x10, s2  }
0x121: {  	v10 =	vld [tilespmem:s5+$0x0];
	v5 =	vmul.f32 $2.560000000e+02, v6;
	v12 =	vor.u32 $0x6, v4;
	p4 =	slt.s32 s2, s6  }
.Ltmp10:
0x122: {  	_ = 	snop;
	(pc) =	sbr.rel @!p4 .LBB2_14-.Ltmp10, $4  }
0x123: {  	v6 =	vtrunc.f32 v5;
	v23 =	vld.idx.msk [tilespmem:v7+s15+$0x0], $0xffff  }
0x124: {  	v13 =	vcvt.f32.s32 v6;
	v24 =	vld.idx.msk [tilespmem:v8+s15+$0x0], $0xffff  }
0x125: {  	v26 =	vor.u32 $0x1, v4;
	v33 =	vcvt.s32.f32 v28;
	v29 =	vor.u32 $0x5, v4;
	v30 =	vld.idx.msk [tilespmem:v11+s15+$0x0], $0xffff  }
0x126: {  	s7 =	sadd.s32 $0x10, s5;
	v31 =	vor.u32 $0x4, v4;
	p1 =	por $0x1, $0x1;
	v6 =	vmin.f32 v10, $9.999999400e-01;
	v7 =	vshll.u32 v13, $0x3;
	v35 =	vld.idx.msk [tilespmem:v12+s15+$0x0], $0xffff  }
0x127: {  	_ =	sdelay $0x2  }
0x128: {  	v8 =	vsub.f32 v3, v33  }
0x129: {  	v11 =	vld.idx.msk [tilespmem:v4+s15+$0x0], $0xffff;
	v4 =	vor.u32 $0x2, v7;
	v3 =	vmul.f32 $2.560000000e+02, v6  }
0x12a: {  	v12 =	vld [tilespmem:s7+$0x0];
	v14 =	vor.u32 $0x3, v7;
	v16 =	vmul.f32 v8, v23  }
0x12b: {  	v15 =	vor.u32 $0x7, v7;
	v17 =	vld.idx.msk [tilespmem:v26+s15+$0x0], $0xffff;
	s5 =	sadd.s32 $0x10, s2;
	v21 =	vtrunc.f32 v3  }
0x12c: {  	v18 =	vor.u32 $0x6, v7;
	v10 =	vld.idx.msk [tilespmem:v29+s15+$0x0], $0xffff;
	p4 =	slt.s32 s5, s6;
	v28 =	vcvt.f32.s32 v21;
	v20 =	vadd.f32 v16, v30  }
.Ltmp11:
0x12d: {  	v19 =	vmul.f32 v8, v24;
	v16 =	vld.idx.msk [tilespmem:v31+s15+$0x0], $0xffff;
	(pc) =	sbr.rel @!p4 .LBB2_16-.Ltmp11, $4  }
0x12e: {  	v23 =	vmul.f32 v20, v8;
	v20 =	vld.idx.msk [tilespmem:v4+s15+$0x0], $0xffff;
	v4 =	vshll.u32 v28, $0x3  }
0x12f: {  	v6 =	vmin.f32 v12, $9.999999400e-01;
	v12 =	vld.idx.msk [tilespmem:v14+s15+$0x0], $0xffff;
	v14 =	vadd.f32 v35, v19  }
0x130: {  	v22 =	vor.u32 $0x1, v7;
	v13 =	vcvt.s32.f32 v13;
	v25 =	vor.u32 $0x5, v7;
	v15 =	vld.idx.msk [tilespmem:v15+s15+$0x0], $0xffff  }
0x131: {  	s2 =	sadd.s32 $0x10, s7;
	p2 =	por $0x1, $0x1;
	v21 =	vor.u32 $0x4, v7;
	v19 =	vld.idx.msk [tilespmem:v18+s15+$0x0], $0xffff;
	v14 =	vmul.f32 v14, v8;
	v17 =	vadd.f32 v23, v17  }
0x132: {  	_ =	sdelay $0x2  }
0x133: {  	v23 =	vld [tilespmem:s2+$0x0];
	v24 =	vor.u32 $0x3, v4;
	v18 =	vsub.f32 v5, v13;
	v26 =	vadd.f32 v14, v10  }
0x134: {  	v40 =	vmul.f32 $2.560000000e+02, v6;
	v29 =	vor.u32 $0x7, v4;
	v34 =	vld.idx.msk [tilespmem:v7+s15+$0x0], $0xffff;
	v6 =	vmul.f32 v17, v8  }
0x135: {  	v30 =	vor.u32 $0x2, v4;
	v38 =	vld.idx.msk [tilespmem:v22+s15+$0x0], $0xffff;
	s7 =	sadd.s32 $0x10, s5;
	v31 =	vmul.f32 v18, v12;
	v26 =	vmul.f32 v26, v8  }
0x136: {  	v35 =	vor.u32 $0x6, v4;
	v27 =	vld.idx.msk [tilespmem:v25+s15+$0x0], $0xffff;
	p4 =	slt.s32 s7, s6;
	v33 =	vmul.f32 v18, v15;
	v36 =	vadd.f32 v6, v11  }
.Ltmp12:
0x137: {  	v32 =	vld.idx.msk [tilespmem:v21+s15+$0x0], $0xffff;
	v31 =	vadd.f32 v31, v20;
	v39 =	vadd.f32 v26, v16;
	(pc) =	sbr.rel @!p4 .LBB2_18-.Ltmp12, $4  }
0x138: {  	v6 =	vmin.f32 v23, $9.999999400e-01;
	v26 =	vtrunc.f32 v40;
	v23 =	vld.idx.msk [tilespmem:v24+s15+$0x0], $0xffff;
	v37 =	vadd.f32 v19, v33  }
0x139: {  	v24 =	vld.idx.msk [tilespmem:v29+s15+$0x0], $0xffff;
	v41 =	vcvt.f32.s32 v26;
	v26 =	vor.u32 $0x1, v4;
	v42 =	vmul.f32 v31, v18  }
0x13a: {  	s8 =	sadd.s32 $0x10, s2;
	[tilespmem:s4+$0x0] =	vst v36;
	v33 =	vcvt.s32.f32 v28;
	v30 =	vld.idx.msk [tilespmem:v30+s15+$0x0], $0xffff;
	v29 =	vor.u32 $0x5, v4;
	v37 =	vmul.f32 v37, v18  }
0x13b: {  	p3 =	por $0x1, $0x1;
	s2 =	smov.u32 s4;
	s5 =	smov.u32 s3;
	v35 =	vld.idx.msk [tilespmem:v35+s15+$0x0], $0xffff;
	v31 =	vor.u32 $0x4, v4;
	[tilespmem:s3+$0x0] =	vst v39;
	v36 =	vshll.u32 v41, $0x3;
	v38 =	vadd.f32 v42, v38  }
.LBB2_19:
0x13c: {  	v28 =	vld [tilespmem:s8+$0x0];
	v39 =	vor.u32 $0x3, v36;
	v33 =	vsub.f32 v3, v33;
	v27 =	vadd.f32 v37, v27;
	v3 =	vmovc v40  }
0x13d: {  	v40 =	vmul.f32 $2.560000000e+02, v6;
	v37 =	vor.u32 $0x7, v36;
	v42 =	vld.idx.msk [tilespmem:v4+s15+$0x0], $0xffff;
	v6 =	vmul.f32 v38, v18;
	v4 =	vmovc v36  }
0x13e: {  	s7 =	sadd.s32 $0x10, s7;
	v36 =	vor.u32 $0x2, v4;
	v23 =	vmul.f32 v33, v23;
	v38 =	vld.idx.msk [tilespmem:v26+s15+$0x0], $0xffff;
	v26 =	vmul.f32 v27, v18;
	v18 =	vmovc v33  }
0x13f: {  	p4 =	slt.s32 s7, s6;
	v43 =	vor.u32 $0x6, v4;
	v24 =	vmul.f32 v18, v24;
	v27 =	vld.idx.msk [tilespmem:v29+s15+$0x0], $0xffff;
	v29 =	vadd.f32 v6, v34  }
.Ltmp13:
0x140: {  	s2 =	sadd.s32 $0x10, s2;
	v30 =	vadd.f32 v23, v30;
	v33 =	vadd.f32 v26, v32;
	v32 =	vld.idx.msk [tilespmem:v31+s15+$0x0], $0xffff;
	(pc) =	sbr.rel @p4 .LBB2_19-.Ltmp13, $4  }
0x141: {  	s5 =	sadd.s32 $0x10, s5;
	v26 =	vtrunc.f32 v40;
	v6 =	vmin.f32 v28, $9.999999400e-01;
	v23 =	vld.idx.msk [tilespmem:v39+s15+$0x0], $0xffff;
	v28 =	vadd.f32 v35, v24;
	[tilespmem:s2+$0x0] =	vst v29  }
0x142: {  	v39 =	vcvt.f32.s32 v26;
	v26 =	vor.u32 $0x1, v4;
	v24 =	vld.idx.msk [tilespmem:v37+s15+$0x0], $0xffff;
	v44 =	vmul.f32 v30, v18;
	[tilespmem:s5+$0x0] =	vst v33  }
0x143: {  	v29 =	vor.u32 $0x5, v4;
	v33 =	vcvt.s32.f32 v41;
	v34 =	vmovc v42;
	v30 =	vld.idx.msk [tilespmem:v36+s15+$0x0], $0xffff;
	v37 =	vmul.f32 v28, v18  }
0x144: {  	s8 =	sadd.s32 $0x10, s8;
	v31 =	vor.u32 $0x4, v4;
	v36 =	vshll.u32 v39, $0x3;
	v41 =	vmovc v39;
	v35 =	vld.idx.msk [tilespmem:v43+s15+$0x0], $0xffff;
	v38 =	vadd.f32 v44, v38  }
0x145: {  	v39 =	vmov v3;
	v3 =	vmov v40;
	v28 =	vmov v41  }
.LBB2_21:
0x146: {  	v40 =	vor.u32 @p0 $0x3, v36  }
0x147: {  	v33 =	vsub.f32 @p1 v39, v33;
	v27 =	vadd.f32 @p2 v37, v27;
	v6 =	vmul.f32 $2.560000000e+02, v6  }
0x148: {  	v37 =	vor.u32 @p0 $0x7, v36;
	v38 =	vmul.f32 @p2 v38, v18;
	v39 =	vor.u32 @p0 $0x2, v36  }
0x149: {  	v28 =	vcvt.s32.f32 @p0 v28;
	v3 =	vpsel p0, v3, v5;
	v23 =	vmul.f32 @p1 v33, v23  }
0x14a: {  	v26 =	vld.idx.msk @p1 [tilespmem:v26+s15+$0x0], $0xffff;
	v18 =	vmul.f32 @p2 v27, v18;
	v27 =	vor.u32 @p0 $0x6, v36;
	v24 =	vmul.f32 @p1 v33, v24  }
0x14b: {  	v29 =	vld.idx.msk @p1 [tilespmem:v29+s15+$0x0], $0xffff;
	v34 =	vadd.f32 @p2 v38, v34;
	v48 =	vtrunc.f32 v6;
	v38 =	vor.u32 @p0 $0x5, v36  }
0x14c: {  	v4 =	vld.idx.msk @p1 [tilespmem:v4+s15+$0x0], $0xffff;
	v25 =	vpsel p0, v38, v25;
	v23 =	vadd.f32 @p1 v23, v30;
	v30 =	vcvt.f32.s32 v48  }
0x14d: {  	v18 =	vadd.f32 @p2 v18, v32;
	v24 =	vadd.f32 @p1 v35, v24;
	v32 =	vor.u32 @p0 $0x1, v36;
	v35 =	vld.idx.msk @p0 [tilespmem:v40+s15+$0x0], $0xffff  }
0x14e: {  	v7 =	vpsel p0, v36, v7;
	v22 =	vpsel p0, v32, v22;
	v32 =	vld.idx.msk @p0 [tilespmem:v37+s15+$0x0], $0xffff;
	v49 =	vshll.u32 v30, $0x3  }
0x14f: {  	v13 =	vpsel p0, v28, v13;
	v38 =	vld.idx.msk @p0 [tilespmem:v39+s15+$0x0], $0xffff;
	v23 =	vmul.f32 @p1 v23, v33;
	v50 =	vor.u32 $0x3, v49  }
0x150: {  	v8 =	vpsel p1, v33, v8;
	v3 =	vsub.f32 @p0 v3, v13;
	v51 =	vor.u32 $0x7, v49;
	v27 =	vld.idx.msk @p0 [tilespmem:v27+s15+$0x0], $0xffff  }
0x151: {  	v40 =	vor.u32 @p0 $0x4, v36;
	v52 =	vor.u32 $0x2, v49;
	v23 =	vadd.f32 @p1 v23, v26;
	v26 =	vld.idx.msk @p1 [tilespmem:v31+s15+$0x0], $0xffff  }
0x152: {  	v4 =	vpsel p1, v4, v11;
	v24 =	vmul.f32 @p1 v24, v33;
	v53 =	vor.u32 $0x6, v49;
	v11 =	vld.idx.msk @p0 [tilespmem:v25+s15+$0x0], $0xffff  }
0x153: {  	v10 =	vpsel p1, v29, v10;
	v21 =	vpsel p0, v40, v21;
	v56 =	vcvt.s32.f32 v30;
	v22 =	vld.idx.msk @p0 [tilespmem:v22+s15+$0x0], $0xffff  }
0x154: {  	v54 =	vor.u32 $0x1, v49;
	v58 =	vor.u32 $0x5, v49;
	v14 =	vpsel p1, v24, v14;
	v5 =	vld.idx.msk [tilespmem:v50+s15+$0x0], $0xffff  }
0x155: {  	v6 =	vsub.f32 v6, v56;
	v10 =	vadd.f32 @p1 v14, v10;
	v12 =	vpsel p0, v35, v12;
	v55 =	vld.idx.msk [tilespmem:v51+s15+$0x0], $0xffff  }
0x156: {  	v17 =	vpsel p1, v23, v17;
	v15 =	vpsel p0, v32, v15;
	v12 =	vmul.f32 @p0 v3, v12;
	v57 =	vld.idx.msk [tilespmem:v52+s15+$0x0], $0xffff  }
0x157: {  	v20 =	vpsel p0, v38, v20;
	v17 =	vmul.f32 @p1 v17, v8;
	v15 =	vmul.f32 @p0 v3, v15;
	v23 =	vld.idx.msk [tilespmem:v53+s15+$0x0], $0xffff  }
0x158: {  	v8 =	vmul.f32 @p1 v10, v8;
	v19 =	vpsel p0, v27, v19;
	v10 =	vadd.f32 @p0 v12, v20  }
0x159: {  	v7 =	vld.idx.msk @p0 [tilespmem:v7+s15+$0x0], $0xffff;
	v59 =	vor.u32 $0x4, v49;
	v12 =	vadd.f32 @p0 v19, v15;
	v5 =	vmul.f32 v6, v5  }
0x15a: {  	v13 =	vpsel p1, v26, v16;
	v16 =	vld.idx.msk [tilespmem:v54+s15+$0x0], $0xffff;
	v10 =	vmul.f32 @p0 v10, v3;
	v60 =	vmul.f32 v6, v55  }
0x15b: {  	s2 =	sadd.s32 @p3 $0x10, s2;
	s6 =	smov.u32 s4;
	v61 =	vld.idx.msk [tilespmem:v58+s15+$0x0], $0xffff;
	v4 =	vadd.f32 @p1 v17, v4;
	v12 =	vmul.f32 @p0 v12, v3;
	v5 =	vadd.f32 v5, v57  }
0x15c: {  	s6 =	smov.u32 @p3 s2;
	v14 =	vld.idx.msk @p0 [tilespmem:v21+s15+$0x0], $0xffff;
	v11 =	vpsel p0, v11, v0;
	v10 =	vadd.f32 @p0 v10, v22;
	v17 =	vadd.f32 v23, v60  }
0x15d: {  	[tilespmem:s6+$0x0] =	vst @p2 v34;
	v3 =	vpsel p0, v3, v0;
	v12 =	vpsel p0, v12, v0;
	v5 =	vmul.f32 v5, v6  }
0x15e: {  	s2 =	sadd.s32 @p3 $0x10, s5;
	s5 =	smov.u32 s3;
	v62 =	vld.idx.msk [tilespmem:v49+s15+$0x0], $0xffff;
	v11 =	vadd.f32 @p0 v12, v11;
	v10 =	vpsel p0, v10, v0;
	v17 =	vmul.f32 v17, v6  }
0x15f: {  	s5 =	smov.u32 @p3 s2;
	s2 =	sadd.s32 @p2 $0x10, s6;
	s6 =	smov.u32 s4;
	v7 =	vpsel p0, v7, v0;
	v15 =	vld.idx.msk [tilespmem:v59+s15+$0x0], $0xffff;
	v10 =	vmul.f32 @p0 v10, v3;
	v5 =	vadd.f32 v5, v16  }
0x160: {  	s6 =	smov.u32 @p2 s2;
	s2 =	sadd.s32 @p2 $0x10, s5;
	[tilespmem:s5+$0x0] =	vst @p2 v18;
	s5 =	smov.u32 s3;
	v8 =	vadd.f32 @p1 v8, v13;
	v3 =	vmul.f32 @p0 v11, v3;
	v11 =	vadd.f32 v17, v61  }
0x161: {  	s5 =	smov.u32 @p2 s2;
	s2 =	sadd.s32 @p1 $0x10, s6;
	[tilespmem:s6+$0x0] =	vst @p1 v4;
	s6 =	smov.u32 s4;
	v4 =	vpsel p0, v14, v0;
	v7 =	vadd.f32 @p0 v10, v7;
	v5 =	vmul.f32 v5, v6  }
0x162: {  	[tilespmem:s5+$0x0] =	vst @p1 v8;
	s6 =	smov.u32 @p1 s2;
	s2 =	sadd.s32 @p1 $0x10, s5;
	s5 =	smov.u32 s3;
	v3 =	vadd.f32 @p0 v3, v4;
	v63 =	vmul.f32 v11, v6  }
0x163: {  	s5 =	smov.u32 @p1 s2;
	s2 =	sadd.s32 @p0 $0x10, s6;
	[tilespmem:s6+$0x0] =	vst @p0 v7;
	v5 =	vadd.f32 v5, v62  }
0x164: {  	s4 =	smov.u32 @p0 s2;
	s2 =	sadd.s32 @p0 $0x10, s5;
	[tilespmem:s5+$0x0] =	vst @p0 v3;
	v3 =	vadd.f32 v63, v15  }
0x165: {  	s3 =	smov.u32 @p0 s2;
	[tilespmem:s4+$0x0] =	vst v5  }
0x166: {  	[tilespmem:s3+$0x0] =	vst v3  }
.LBB2_22:
0x167: {  	s2 =	sand.u32 $0xFFFFFFC0, s29  }
0x168: {  	p0 =	sgt.s32 s2, s1  }
.Ltmp14:
0x169: {  	_ = 	snop;
	(pc) =	sbr.rel @!p0 .LBB2_38-.Ltmp14, $1  }
0x16a: {  	_ =	sdelay $0x3  }
0x16b: {  	v3 =	vshll.u32 v2, $0x3  }
0x16c: {  	v5 =	vor.u32 $0x2, v3  }
0x16d: {  	v11 =	vor.u32 $0x5, v3;
	_ =	sdelay $0x1  }
0x16e: {  	s0 =	sshll.u32 s0, $0x2  }
0x16f: {  	s0 =	sshra.s32 s0, $0x2  }
0x170: {  	s0 =	sand.u32 $0xFFFFFFC0, s0;
	v6 =	vld.idx.msk [tilespmem:v5+s15+$0x0], $0xffff  }
0x171: {  	v7 =	vor.u32 $0x3, v3;
	s26 =	sor.u32 $0x20, s0;
	v5 =	vld.idx.msk [tilespmem:v11+s15+$0x0], $0xffff  }
0x172: {  	v10 =	vor.u32 $0x4, v3;
	v11 =	vld [tilespmem:s26+$0xFFFFFFE0]  }
0x173: {  	v13 =	vor.u32 $0x7, v3;
	_ =	sdelay $0x1  }
0x174: {  	v12 =	vor.u32 $0x6, v3;
	v2 =	vld.idx.msk [tilespmem:v3+s15+$0x0], $0xffff  }
0x175: {  	v8 =	vld.idx.msk [tilespmem:v7+s15+$0x0], $0xffff  }
0x176: {  	v4 =	vor.u32 $0x1, v3;
	v3 =	vld.idx.msk [tilespmem:v10+s15+$0x0], $0xffff;
	v11 =	vmin.f32 v11, $9.999999400e-01  }
0x177: {  	v10 =	vcvt.s32.f32 v9;
	v9 =	vld.idx.msk [tilespmem:v13+s15+$0x0], $0xffff;
	v11 =	vmul.f32 $2.560000000e+02, v11;
	_ =	sdelay $0x1  }
0x178: {  	v7 =	vld.idx.msk [tilespmem:v12+s15+$0x0], $0xffff;
	v11 =	vsub.f32 v11, v10;
	_ =	sdelay $0x1  }
0x179: {  	s17 =	smov.u32 s1;
	v63 =	vmul.f32 v11, v8  }
0x17a: {  	s17 =	smov.u32 @p0 s2;
	v4 =	vld.idx.msk [tilespmem:v4+s15+$0x0], $0xffff;
	v13 =	vmul.f32 v11, v9  }
0x17b: {  	s4 =	sadd.s32 $0x10020, s0;
	s3 =	sadd.s32 $0x8020, s0;
	s0 =	sadd.s32 $0x40, s1;
	v12 =	vadd.f32 v63, v6  }
0x17c: {  	p5 =	slt.s32 s0, s17;
	v13 =	vadd.f32 v13, v7  }
.Ltmp15:
0x17d: {  	v12 =	vmul.f32 v12, v11;
	(pc) =	sbr.rel @!p5 .LBB2_24-.Ltmp15, $4  }
0x17e: {  	v13 =	vmul.f32 v13, v11  }
0x17f: {  	v12 =	vadd.f32 v12, v4  }
0x180: {  	p1 =	por $0x0, $0x0;
	p2 =	por $0x0, $0x0;
	p3 =	por $0x0, $0x0;
	v24 =	vadd.f32 v13, v5  }
0x181: {  	p4 =	por $0x0, $0x0;
	p0 =	por $0x0, $0x0;
	s20 =	sadd.s32 $0x40, s26;
	v22 =	vmul.f32 v12, v11  }
0x182: {  	v12 =	vld [tilespmem:s20+$0xFFFFFFE0];
	_ =	sdelay $0x4  }
0x183: {  	v11 =	vmul.f32 v24, v11;
	v12 =	vmin.f32 v12, $9.999999400e-01  }
0x184: {  	v13 =	vadd.f32 v22, v2;
	v12 =	vmul.f32 $2.560000000e+02, v12  }
0x185: {  	v14 =	vadd.f32 v11, v3  }
0x186: {  	[tilespmem:s3+$0xFFFFFFE0] =	vst v13;
	v11 =	vsub.f32 v12, v10  }
0x187: {  	[tilespmem:s4+$0xFFFFFFE0] =	vst v14  }
0x188: {  	v13 =	vld [tilespmem:s26+$0xFFFFFFF0];
	v12 =	vmul.f32 v11, v8  }
0x189: {  	v14 =	vmul.f32 v11, v9  }
0x18a: {  	s0 =	sadd.s32 $0x40, s0;
	v12 =	vadd.f32 v12, v6  }
0x18b: {  	p5 =	slt.s32 s0, s17;
	v14 =	vadd.f32 v14, v7  }
.Ltmp16:
0x18c: {  	v12 =	vmul.f32 v12, v11;
	(pc) =	sbr.rel @!p5 .LBB2_26-.Ltmp16, $4  }
0x18d: {  	v13 =	vmin.f32 v13, $9.999999400e-01;
	v14 =	vmul.f32 v14, v11  }
0x18e: {  	v13 =	vmul.f32 $2.560000000e+02, v13;
	v12 =	vadd.f32 v12, v4  }
0x18f: {  	v24 =	vadd.f32 v14, v5  }
0x190: {  	s11 =	sadd.s32 $0x40, s20;
	p0 =	por $0x1, $0x1;
	v13 =	vsub.f32 v13, v10;
	v22 =	vmul.f32 v12, v11  }
0x191: {  	v12 =	vld [tilespmem:s11+$0xFFFFFFE0];
	_ =	sdelay $0x4  }
0x192: {  	v11 =	vmul.f32 v24, v11;
	v12 =	vmin.f32 v12, $9.999999400e-01  }
0x193: {  	v14 =	vadd.f32 v22, v2;
	v12 =	vmul.f32 $2.560000000e+02, v12  }
0x194: {  	s8 =	sadd.s32 $0x40, s3;
	v16 =	vadd.f32 v11, v3  }
0x195: {  	s25 =	sadd.s32 $0x40, s4;
	v15 =	vmul.f32 v13, v8;
	[tilespmem:s8+$0xFFFFFFE0] =	vst v14;
	v11 =	vsub.f32 v12, v10  }
0x196: {  	[tilespmem:s25+$0xFFFFFFE0] =	vst v16  }
0x197: {  	v12 =	vadd.f32 v15, v6;
	v15 =	vld [tilespmem:s20+$0xFFFFFFF0];
	v14 =	vmul.f32 v11, v8  }
0x198: {  	v16 =	vmul.f32 v13, v9;
	v17 =	vmul.f32 v11, v9  }
0x199: {  	s0 =	sadd.s32 $0x40, s0;
	v12 =	vmul.f32 v12, v13;
	v14 =	vadd.f32 v14, v6  }
0x19a: {  	p5 =	slt.s32 s0, s17;
	v16 =	vadd.f32 v16, v7;
	v17 =	vadd.f32 v17, v7  }
.Ltmp17:
0x19b: {  	v12 =	vadd.f32 v12, v4;
	v14 =	vmul.f32 v14, v11;
	(pc) =	sbr.rel @!p5 .LBB2_28-.Ltmp17, $4  }
0x19c: {  	v18 =	vmul.f32 v16, v13;
	v15 =	vmin.f32 v15, $9.999999400e-01;
	v17 =	vmul.f32 v17, v11  }
0x19d: {  	v12 =	vmul.f32 v12, v13;
	v15 =	vmul.f32 $2.560000000e+02, v15;
	v14 =	vadd.f32 v14, v4  }
0x19e: {  	v21 =	vadd.f32 v18, v5;
	v24 =	vadd.f32 v17, v5  }
0x19f: {  	s18 =	sadd.s32 $0x40, s11;
	p1 =	por $0x1, $0x1;
	v16 =	vadd.f32 v12, v2;
	v15 =	vsub.f32 v15, v10;
	v22 =	vmul.f32 v14, v11  }
0x1a0: {  	v12 =	vld [tilespmem:s18+$0xFFFFFFE0];
	_ =	sdelay $0x4  }
0x1a1: {  	v11 =	vmul.f32 v24, v11;
	v12 =	vmin.f32 v12, $9.999999400e-01  }
0x1a2: {  	v14 =	vadd.f32 v22, v2;
	v17 =	vmul.f32 v15, v8;
	v12 =	vmul.f32 $2.560000000e+02, v12  }
0x1a3: {  	s19 =	sadd.s32 $0x40, s8;
	v18 =	vadd.f32 v11, v3  }
0x1a4: {  	s13 =	sadd.s32 $0x40, s25;
	[tilespmem:s19+$0xFFFFFFE0] =	vst v14;
	v14 =	vadd.f32 v17, v6;
	v11 =	vsub.f32 v12, v10  }
0x1a5: {  	[tilespmem:s13+$0xFFFFFFE0] =	vst v18  }
0x1a6: {  	v17 =	vld [tilespmem:s11+$0xFFFFFFF0];
	v12 =	vmul.f32 v14, v15;
	v14 =	vmul.f32 v11, v8  }
0x1a7: {  	v18 =	vmul.f32 v15, v9;
	v19 =	vmul.f32 v11, v9  }
0x1a8: {  	v13 =	vmul.f32 v21, v13;
	s0 =	sadd.s32 $0x40, s0;
	v14 =	vadd.f32 v14, v6  }
0x1a9: {  	p5 =	slt.s32 s0, s17;
	v18 =	vadd.f32 v18, v7;
	v19 =	vadd.f32 v19, v7  }
.Ltmp18:
0x1aa: {  	v13 =	vadd.f32 v13, v3;
	v12 =	vadd.f32 v12, v4;
	v14 =	vmul.f32 v14, v11;
	(pc) =	sbr.rel @!p5 .LBB2_30-.Ltmp18, $4  }
0x1ab: {  	v18 =	vmul.f32 v18, v15;
	v17 =	vmin.f32 v17, $9.999999400e-01;
	v19 =	vmul.f32 v19, v11  }
0x1ac: {  	v20 =	vmul.f32 $2.560000000e+02, v17;
	v12 =	vmul.f32 v12, v15;
	v14 =	vadd.f32 v14, v4  }
0x1ad: {  	[tilespmem:s3+$0xFFFFFFF0] =	vst v16;
	v21 =	vadd.f32 v18, v5;
	v24 =	vadd.f32 v19, v5  }
0x1ae: {  	s1 =	sadd.s32 $0x40, s18;
	p2 =	por $0x1, $0x1;
	[tilespmem:s4+$0xFFFFFFF0] =	vst v13;
	v17 =	vadd.f32 v12, v2;
	v22 =	vmul.f32 v14, v11;
	v14 =	vsub.f32 v20, v10  }
0x1af: {  	[dreg:$0xf] =	wrdreg s29  }
0x1b0: {  	v12 =	vld [tilespmem:s1+$0xFFFFFFE0];
	_ =	sdelay $0x1  }
0x1b1: {  	v11 =	vmul.f32 v24, v11;
	v13 =	vld [tilespmem:s26+$0x0];
	v16 =	vmul.f32 v14, v8  }
0x1b2: {  	v18 =	vadd.f32 v22, v2  }
0x1b3: {  	s6 =	sadd.s32 $0x40, s19;
	v19 =	vadd.f32 v11, v3;
	v16 =	vadd.f32 v16, v6  }
0x1b4: {  	s7 =	sadd.s32 $0x40, s13;
	[tilespmem:s6+$0xFFFFFFE0] =	vst v18;
	v12 =	vmin.f32 v12, $9.999999400e-01  }
0x1b5: {  	[tilespmem:s7+$0xFFFFFFE0] =	vst v19;
	v16 =	vmul.f32 v16, v14;
	v12 =	vmul.f32 $2.560000000e+02, v12  }
0x1b6: {  	v20 =	vld [tilespmem:s18+$0xFFFFFFF0];
	v11 =	vmin.f32 v13, $9.999999400e-01;
	v13 =	vmul.f32 v14, v9  }
0x1b7: {  	v18 =	vmul.f32 $2.560000000e+02, v11;
	v16 =	vadd.f32 v16, v4;
	v11 =	vsub.f32 v12, v10  }
0x1b8: {  	v13 =	vadd.f32 v13, v7;
	v12 =	vmul.f32 v21, v15  }
0x1b9: {  	v15 =	vsub.f32 v18, v10;
	v16 =	vmul.f32 v16, v14;
	v18 =	vmul.f32 v11, v8  }
0x1ba: {  	v13 =	vmul.f32 v13, v14;
	v21 =	vmul.f32 v11, v9  }
0x1bb: {  	s0 =	sadd.s32 $0x40, s0;
	v20 =	vmin.f32 v20, $9.999999400e-01;
	v22 =	vmul.f32 v15, v9;
	v18 =	vadd.f32 v18, v6  }
0x1bc: {  	p5 =	slt.s32 s0, s17;
	v19 =	vadd.f32 v16, v2;
	v16 =	vmul.f32 v15, v8;
	v21 =	vadd.f32 v21, v7  }
.Ltmp19:
0x1bd: {  	v12 =	vadd.f32 v12, v3;
	v22 =	vadd.f32 v22, v7;
	v18 =	vmul.f32 v18, v11;
	(pc) =	sbr.rel @!p5 .LBB2_32-.Ltmp19, $4  }
0x1be: {  	[tilespmem:s8+$0xFFFFFFF0] =	vst v17;
	v25 =	vmul.f32 $2.560000000e+02, v20;
	v20 =	vadd.f32 v13, v5;
	v21 =	vmul.f32 v21, v11  }
0x1bf: {  	v16 =	vadd.f32 v16, v6;
	[tilespmem:s25+$0xFFFFFFF0] =	vst v12;
	v22 =	vmul.f32 v22, v15;
	v23 =	vadd.f32 v18, v4  }
0x1c0: {  	v13 =	vsub.f32 v25, v10;
	[dreg:$0x10] =	wrdreg s8;
	v24 =	vadd.f32 v21, v5  }
0x1c1: {  	s29 =	sadd.s32 $0x40, s1;
	p3 =	por $0x1, $0x1;
	[dreg:$0x12] =	wrdreg s25;
	v18 =	vmul.f32 v16, v15;
	v17 =	vadd.f32 v22, v5;
	v22 =	vmul.f32 v23, v11  }
0x1c2: {  	_ = 	snop  }
0x1c3: {  	v16 =	vld [tilespmem:s29+$0xFFFFFFE0];
	v21 =	vmul.f32 v13, v8;
	v12 =	vadd.f32 v18, v4  }
0x1c4: {  	v23 =	vld [tilespmem:s20+$0x0]  }
0x1c5: {  	v21 =	vadd.f32 v21, v6;
	v12 =	vmul.f32 v12, v15  }
0x1c6: {  	v25 =	vmul.f32 v17, v15;
	v22 =	vadd.f32 v22, v2  }
0x1c7: {  	v11 =	vmul.f32 v24, v11;
	s2 =	sadd.s32 $0x40, s6;
	v21 =	vmul.f32 v21, v13;
	v12 =	vadd.f32 v12, v2  }
0x1c8: {  	v24 =	vadd.f32 v25, v3;
	v25 =	vmul.f32 v13, v9;
	[tilespmem:s2+$0xFFFFFFE0] =	vst v22;
	v16 =	vmin.f32 v16, $9.999999400e-01  }
0x1c9: {  	v16 =	vmul.f32 $2.560000000e+02, v16;
	v21 =	vadd.f32 v21, v4;
	[tilespmem:s3+$0x0] =	vst v12;
	v12 =	vmin.f32 v23, $9.999999400e-01  }
0x1ca: {  	v22 =	vadd.f32 v25, v7;
	v23 =	vadd.f32 v11, v3;
	[tilespmem:s4+$0x0] =	vst v24;
	v12 =	vmul.f32 $2.560000000e+02, v12  }
0x1cb: {  	s23 =	sadd.s32 $0x40, s7;
	v11 =	vsub.f32 v16, v10;
	v16 =	vmul.f32 v21, v13;
	v21 =	vmul.f32 v20, v14;
	v24 =	vld [tilespmem:s26+$0x10]  }
0x1cc: {  	[tilespmem:s23+$0xFFFFFFE0] =	vst v23;
	v23 =	vsub.f32 v12, v10;
	v12 =	vmul.f32 v22, v13  }
0x1cd: {  	v22 =	vmul.f32 v11, v8;
	v25 =	vld [tilespmem:s1+$0xFFFFFFF0];
	v28 =	vadd.f32 v21, v3;
	v21 =	vmul.f32 v11, v9  }
0x1ce: {  	v16 =	vadd.f32 v16, v2;
	v26 =	vmul.f32 v23, v9  }
0x1cf: {  	s28 =	sadd.s32 $0x40, s0;
	v22 =	vadd.f32 v22, v6;
	v27 =	vmul.f32 v23, v8;
	v29 =	vadd.f32 v21, v7  }
0x1d0: {  	p5 =	slt.s32 s28, s17;
	v21 =	vadd.f32 v12, v5;
	v24 =	vmin.f32 v24, $9.999999400e-01;
	v26 =	vadd.f32 v26, v7  }
.Ltmp20:
0x1d1: {  	v22 =	vmul.f32 v22, v11;
	v27 =	vadd.f32 v27, v6;
	v24 =	vmul.f32 $2.560000000e+02, v24;
	(pc) =	sbr.rel @!p5 .LBB2_34-.Ltmp20, $4  }
0x1d2: {  	s30 =	sadd.s32 $0x40, s29;
	p4 =	por $0x1, $0x1;
	s5 =	smov.u32 s11;
	v29 =	vmul.f32 v29, v11;
	v12 =	vmin.f32 v25, $9.999999400e-01;
	v25 =	vmul.f32 v26, v23  }
0x1d3: {  	s22 =	smov.u32 s8;
	s24 =	smov.u32 s25;
	s21 =	smov.u32 s20;
	v22 =	vadd.f32 v22, v4;
	v30 =	vmul.f32 $2.560000000e+02, v12;
	v12 =	vsub.f32 v24, v10  }
0x1d4: {  	[tilespmem:s19+$0xFFFFFFF0] =	vst v19;
	s0 =	smov.u32 s3;
	s8 =	smov.u32 s19;
	s31 =	smov.u32 s4;
	v26 =	vmul.f32 v27, v23;
	v24 =	vadd.f32 v29, v5;
	v27 =	vadd.f32 v25, v5  }
0x1d5: {  	s25 =	smov.u32 s13;
	s9 =	smov.u32 s2;
	s10 =	smov.u32 s23;
	[tilespmem:s13+$0xFFFFFFF0] =	vst v28;
	v22 =	vmul.f32 v22, v11;
	v25 =	vsub.f32 v30, v10;
	v28 =	vmul.f32 v12, v8  }
.LBB2_35:
0x1d6: {  	s28 =	sadd.s32 $0x40, s28;
	v11 =	vmul.f32 v24, v11;
	v24 =	vld [tilespmem:s5+$0x0];
	v26 =	vadd.f32 v26, v4;
	v29 =	vmul.f32 v12, v9  }
0x1d7: {  	v30 =	vld [tilespmem:s30+$0xFFFFFFE0];
	p5 =	slt.s32 s28, s17;
	v22 =	vadd.f32 v22, v2;
	v31 =	vmul.f32 v25, v8;
	v28 =	vadd.f32 v28, v6  }
0x1d8: {  	s2 =	sadd.s32 $0x40, s2;
	v32 =	vadd.f32 v11, v3;
	v11 =	vmul.f32 v26, v23;
	v23 =	vmul.f32 v27, v23  }
0x1d9: {  	s23 =	sadd.s32 $0x40, s23;
	v27 =	vadd.f32 v29, v7;
	[tilespmem:s2+$0xFFFFFFE0] =	vst v22;
	v22 =	vadd.f32 v31, v6;
	v26 =	vmul.f32 v28, v12  }
0x1da: {  	v21 =	vmul.f32 v21, v13;
	v13 =	vmovc v25;
	v28 =	vmul.f32 v25, v9;
	v11 =	vadd.f32 v11, v2  }
0x1db: {  	v23 =	vadd.f32 v23, v3;
	v22 =	vmul.f32 v22, v13;
	v25 =	vadd.f32 v26, v4  }
0x1dc: {  	v24 =	vmin.f32 v24, $9.999999400e-01;
	v26 =	vmin.f32 v30, $9.999999400e-01;
	[tilespmem:s22+$0x0] =	vst v11;
	v11 =	vmul.f32 v27, v12  }
0x1dd: {  	v26 =	vmul.f32 $2.560000000e+02, v26;
	v22 =	vadd.f32 v22, v4;
	[tilespmem:s24+$0x0] =	vst v23;
	v23 =	vmul.f32 v25, v12  }
0x1de: {  	v24 =	vmul.f32 $2.560000000e+02, v24;
	v25 =	vadd.f32 v28, v7;
	v27 =	vld [tilespmem:s21+$0x10];
	v28 =	vadd.f32 v11, v5;
	s21 =	smov.u32 s5;
	s5 =	smov.u32 s18;
	s18 =	smov.u32 s1  }
0x1df: {  	s1 =	smov.u32 s29;
	s29 =	smov.u32 s30;
	v11 =	vsub.f32 v26, v10;
	v22 =	vmul.f32 v22, v13;
	v26 =	vadd.f32 v23, v2  }
0x1e0: {  	v25 =	vmul.f32 v25, v13;
	v23 =	vsub.f32 v24, v10;
	[tilespmem:s23+$0xFFFFFFE0] =	vst v32;
	v12 =	vmul.f32 v28, v12  }
0x1e1: {  	v21 =	vadd.f32 v21, v3;
	v24 =	vmul.f32 v11, v8;
	v28 =	vld [tilespmem:s1+$0xFFFFFFF0];
	v22 =	vadd.f32 v22, v2;
	[tilespmem:s0+$0x10] =	vst v26;
	s0 =	smov.u32 s22;
	s22 =	smov.u32 s8;
	s8 =	smov.u32 s6  }
0x1e2: {  	v26 =	vmul.f32 v11, v9;
	v29 =	vmul.f32 v23, v9;
	s6 =	smov.u32 s9;
	s9 =	smov.u32 s2;
	[tilespmem:s8+$0xFFFFFFF0] =	vst v16;
	v12 =	vadd.f32 v12, v3  }
0x1e3: {  	v30 =	vmul.f32 v23, v8;
	v24 =	vadd.f32 v24, v6;
	[tilespmem:s7+$0xFFFFFFF0] =	vst v21;
	v21 =	vmin.f32 v27, $9.999999400e-01;
	v16 =	vmovc v22  }
0x1e4: {  	v22 =	vadd.f32 v26, v7;
	v26 =	vadd.f32 v29, v7;
	v27 =	vmul.f32 $2.560000000e+02, v21;
	[tilespmem:s31+$0x10] =	vst v12;
	s31 =	smov.u32 s24;
	s24 =	smov.u32 s25;
	s25 =	smov.u32 s7  }
.Ltmp21:
0x1e5: {  	v21 =	vadd.f32 v25, v5;
	v25 =	vadd.f32 v30, v6;
	s7 =	smov.u32 s10;
	s10 =	smov.u32 s23;
	v12 =	vmul.f32 v24, v11;
	(pc) =	sbr.rel @p5 .LBB2_35-.Ltmp21, $4  }
0x1e6: {  	v22 =	vmul.f32 v22, v11;
	v24 =	vmin.f32 v28, $9.999999400e-01;
	v28 =	vmul.f32 v26, v23  }
0x1e7: {  	v29 =	vadd.f32 v12, v4;
	v30 =	vmul.f32 $2.560000000e+02, v24;
	v12 =	vsub.f32 v27, v10  }
0x1e8: {  	v26 =	vmul.f32 v25, v23;
	v24 =	vadd.f32 v22, v5;
	v27 =	vadd.f32 v28, v5  }
0x1e9: {  	s30 =	sadd.s32 $0x40, s30;
	v22 =	vmul.f32 v29, v11;
	v25 =	vsub.f32 v30, v10;
	v28 =	vmul.f32 v12, v8  }
.Ltmp22:
0x1ea: {  	(pc) =	sbr.rel .LBB2_37-.Ltmp22, $4  }
0x1eb: {  	_ = 	snop  }
0x1ec: {  	s30 =	smov.u32 s18;
	s28 =	smov.u32 s6  }
0x1ed: {  	s17 =	smov.u32 s7;
	[dreg:$0x14] =	wrdreg s1;
	s18 =	smov.u32 s29  }
0x1ee: {  	s6 =	smov.u32 s9;
	s7 =	smov.u32 s10;
	s29 =	rddreg [dreg:$0xf]  }
.LBB2_10:
.Ltmp23:
0x1ef: {  	(pc) =	sbr.rel .LBB2_21-.Ltmp23, $2  }
0x1f0: {  	_ =	sdelay $0x2  }
0x1f1: {  	s2 =	smov.u32 s4;
	s5 =	smov.u32 s3  }
.LBB2_12:
.Ltmp24:
0x1f2: {  	(pc) =	sbr.rel .LBB2_21-.Ltmp24, $2  }
0x1f3: {  	_ =	sdelay $0x2  }
0x1f4: {  	v36 =	vmov v4;
	s2 =	smov.u32 s4;
	s5 =	smov.u32 s3  }
.LBB2_26:
.Ltmp25:
0x1f5: {  	(pc) =	sbr.rel .LBB2_37-.Ltmp25, $3  }
0x1f6: {  	_ =	sdelay $0x1  }
0x1f7: {  	[dreg:$0x14] =	wrdreg s26;
	s18 =	smov.u32 s20;
	s2 =	smov.u32 s3  }
0x1f8: {  	s23 =	smov.u32 s4;
	s6 =	smov.u32 s3;
	s7 =	smov.u32 s4;
	v25 =	vmov v13  }
.LBB2_14:
.Ltmp26:
0x1f9: {  	(pc) =	sbr.rel .LBB2_21-.Ltmp26, $2  }
0x1fa: {  	_ =	sdelay $0x2  }
0x1fb: {  	v39 =	vmovc v3;
	v36 =	vmov v7;
	v3 =	vmov v5;
	s2 =	smov.u32 s4;
	s5 =	smov.u32 s3;
	v28 =	vmov v13  }
.LBB2_28:
.Ltmp27:
0x1fc: {  	(pc) =	sbr.rel .LBB2_37-.Ltmp27, $4  }
0x1fd: {  	_ = 	snop  }
0x1fe: {  	s2 =	smov.u32 s8;
	s23 =	smov.u32 s25;
	s30 =	smov.u32 s26  }
0x1ff: {  	[dreg:$0x14] =	wrdreg s20;
	s18 =	smov.u32 s11;
	s6 =	smov.u32 s8  }
0x200: {  	s7 =	smov.u32 s25;
	s28 =	smov.u32 s3;
	s17 =	smov.u32 s4;
	v25 =	vmov v15  }
.LBB2_16:
.Ltmp28:
0x201: {  	_ = 	snop;
	(pc) =	sbr.rel .LBB2_21-.Ltmp28, $4  }
0x202: {  	v36 =	vmov v4;
	v39 =	vmov v5  }
0x203: {  	v33 =	vmovc v13;
	v27 =	vmovc v10;
	v4 =	vmov v7;
	v18 =	vmov v8;
	v26 =	vmov v22  }
0x204: {  	v29 =	vmovc v25;
	v34 =	vmovc v11;
	v31 =	vmov v21;
	v32 =	vmov v16;
	v37 =	vmov v14  }
0x205: {  	s2 =	smov.u32 s4;
	s5 =	smov.u32 s3;
	v38 =	vmovc v17;
	v30 =	vmovc v20;
	v23 =	vmov v12;
	v24 =	vmov v15;
	v35 =	vmov v19  }
.LBB2_30:
.Ltmp29:
0x206: {  	(pc) =	sbr.rel .LBB2_37-.Ltmp29, $4  }
0x207: {  	s2 =	smov.u32 s19;
	s23 =	smov.u32 s13  }
0x208: {  	s30 =	smov.u32 s20;
	[dreg:$0x14] =	wrdreg s11;
	s28 =	smov.u32 s8  }
0x209: {  	s6 =	smov.u32 s19;
	s17 =	smov.u32 s25;
	s7 =	smov.u32 s13  }
0x20a: {  	s5 =	smov.u32 s26;
	v13 =	vmov v15;
	s8 =	smov.u32 s3;
	s25 =	smov.u32 s4;
	v25 =	vmov v14;
	v16 =	vmov v17  }
.LBB2_18:
.Ltmp30:
0x20b: {  	(pc) =	sbr.rel .LBB2_21-.Ltmp30, $2  }
0x20c: {  	_ =	sdelay $0x2  }
0x20d: {  	v39 =	vmov v3;
	v3 =	vmov v40;
	s2 =	smov.u32 s4;
	s5 =	smov.u32 s3;
	v28 =	vmov v41  }
.LBB2_32:
.Ltmp31:
0x20e: {  	(pc) =	sbr.rel .LBB2_37-.Ltmp31, $4  }
0x20f: {  	[dreg:$0x14] =	wrdreg s18;
	s5 =	smov.u32 s20;
	s2 =	smov.u32 s6  }
0x210: {  	s23 =	smov.u32 s7;
	s22 =	smov.u32 s3;
	s24 =	smov.u32 s4  }
0x211: {  	v25 =	vmov v13;
	v23 =	vmov v15;
	s21 =	smov.u32 s26;
	s30 =	smov.u32 s11;
	s18 =	smov.u32 s1  }
0x212: {  	v13 =	vmovc v14;
	v21 =	vmovc v20;
	s28 =	smov.u32 s19;
	v16 =	vmov v19;
	s17 =	smov.u32 s13;
	s29 =	rddreg [dreg:$0xf];
	v26 =	vmov v18;
	v27 =	vmov v17  }
.LBB2_34:
0x213: {  	s30 =	smov.u32 s18;
	s28 =	smov.u32 s6  }
.Ltmp32:
0x214: {  	s17 =	smov.u32 s7;
	s22 =	rddreg [dreg:$0x10];
	(pc) =	sbr.rel .LBB2_37-.Ltmp32, $4  }
0x215: {  	s5 =	smov.u32 s11;
	s24 =	rddreg [dreg:$0x12];
	s21 =	smov.u32 s20  }
0x216: {  	[dreg:$0x14] =	wrdreg s1;
	s18 =	smov.u32 s29;
	s0 =	smov.u32 s3  }
0x217: {  	s8 =	smov.u32 s19;
	s6 =	smov.u32 s2;
	s31 =	smov.u32 s4  }
0x218: {  	s25 =	smov.u32 s13;
	s7 =	smov.u32 s23;
	s29 =	rddreg [dreg:$0xf]  }
.LBB2_39:
0x219: {  	v2 =	vld [tilespmem:$0x3FF0];
	_ =	sdelay $0x4  }
0x21a: {  	v2 =	vmin.f32 v2, $9.999999400e-01  }
0x21b: {  	v2 =	vmul.f32 $2.560000000e+02, v2;
	_ =	sdelay $0x1  }
0x21c: {  	v3 =	vtrunc.f32 v2  }
0x21d: {  	v3 =	vcvt.f32.s32 v3;
	_ =	sdelay $0x1  }
0x21e: {  	v4 =	vshll.u32 v3, $0x3  }
0x21f: {  	v5 =	vor.u32 $0x3, v4  }
0x220: {  	v6 =	vor.u32 $0x7, v4  }
0x221: {  	v7 =	vor.u32 $0x2, v4  }
0x222: {  	v8 =	vor.u32 $0x6, v4;
	_ =	sdelay $0x1  }
0x223: {  	v5 =	vld.idx.msk [tilespmem:v5+s15+$0x0], $0xffff  }
0x224: {  	v3 =	vcvt.s32.f32 v3;
	v9 =	vor.u32 $0x1, v4;
	v6 =	vld.idx.msk [tilespmem:v6+s15+$0x0], $0xffff  }
0x225: {  	v10 =	vor.u32 $0x5, v4;
	v7 =	vld.idx.msk [tilespmem:v7+s15+$0x0], $0xffff  }
0x226: {  	v2 =	vsub.f32 v2, v3;
	v3 =	vld.idx.msk [tilespmem:v8+s15+$0x0], $0xffff;
	_ =	sdelay $0x1  }
0x227: {  	v5 =	vmul.f32 v2, v5  }
0x228: {  	v61 =	vor.u32 $0x4, v4;
	v60 =	vld.idx.msk [tilespmem:v9+s15+$0x0], $0xffff;
	v6 =	vmul.f32 v2, v6  }
0x229: {  	v62 =	vld.idx.msk [tilespmem:v10+s15+$0x0], $0xffff;
	v5 =	vadd.f32 v5, v7  }
0x22a: {  	v3 =	vadd.f32 v3, v6  }
0x22b: {  	v5 =	vmul.f32 v5, v2  }
0x22c: {  	v4 =	vld.idx.msk [tilespmem:v4+s15+$0x0], $0xffff;
	v3 =	vmul.f32 v3, v2  }
0x22d: {  	v63 =	vld.idx.msk [tilespmem:v61+s15+$0x0], $0xffff;
	v5 =	vadd.f32 v5, v60  }
0x22e: {  	v3 =	vadd.f32 v3, v62  }
0x22f: {  	v5 =	vmul.f32 v5, v2  }
0x230: {  	v2 =	vmul.f32 v3, v2  }
0x231: {  	v3 =	vadd.f32 v5, v4  }
0x232: {  	v2 =	vadd.f32 v2, v63  }
0x233: {  	s0 =	rddreg [dreg:$0x8];
	s1 =	simm.s32 $0x80;
	[tilespmem:$0xBFF0] =	vst v3  }
0x234: {  	s2 =	simm.s32 $0x100;
	s3 =	simm.s32 $0x8000;
	s29 =	rddreg [dreg:$0x9];
	[tilespmem:$0x13FF0] =	vst v2  }
0x235: {  	[hbm4b:s0+s1] =	stream.strided.scatter [tilespmem:s3], [sflag:$0x3], $0x4000, s2, s1, $0x38;
	[tilespmem:$0x19000] =	vst v63  }
.Ltmp33:
0x236: {  	s30 =	simm.s32 $0x10000;
	s31 =	simm.s32 $0x2;
	(pc) =	sbr.rel .LBB2_40-.Ltmp33, $4  }
0x237: {  	[hbm4b:s29+s1] =	stream.strided.scatter [tilespmem:s30], [sflag:$0x3], $0x4000, s2, s1, $0x38;
	[tilespmem:$0x19000] =	vst v63  }
0x238: {  	_ =	swait.ge [sflag:s31], $0x4000  }
0x239: {  	[sflag:s31] =	ssyncset.done $0x0  }
0x23a: {  	s0 =	simm.s32 $0x0;
	[sflag:s31] =	ssyncadd.s32 $0xFFFFC000  }
.LBB2_60:
0x23b: {  	_ = 	snop  }
0x23c: {  	s1 =	smov.u32 s29;
	s0 =	smov.u32 s22;
	s31 =	smov.u32 s24  }
.LBB2_73:
0x23d: {  	v11 =	vmul.f32 v24, v11;
	v24 =	vld @p2 [tilespmem:s11+$0x0]  }
0x23e: {  	v22 =	vadd.f32 v22, v2;
	s0 =	sadd.s32 @p0 $0x40, s0;
	s2 =	smov.u32 s22  }
0x23f: {  	s17 =	smov.u32 s24;
	s2 =	smov.u32 @p0 s0;
	s0 =	sadd.s32 @p0 $0x40, s31;
	v11 =	vadd.f32 v11, v3  }
0x240: {  	s17 =	smov.u32 @p0 s0;
	[tilespmem:s2+$0xFFFFFFE0] =	vst v22;
	v22 =	vmul.f32 @p0 v25, v8  }
0x241: {  	v29 =	vmov @p0 v25;
	v25 =	vmul.f32 @p0 v25, v9;
	[tilespmem:s17+$0xFFFFFFE0] =	vst v11  }
0x242: {  	v11 =	vadd.f32 @p3 v26, v4;
	v22 =	vadd.f32 @p0 v22, v6;
	v24 =	vmin.f32 @p2 v24, $9.999999400e-01;
	v39 =	vld [tilespmem:s1+$0xFFFFFFF0]  }
0x243: {  	v28 =	vadd.f32 @p4 v28, v6;
	v24 =	vmul.f32 @p2 $2.560000000e+02, v24  }
0x244: {  	v25 =	vadd.f32 @p0 v25, v7;
	v11 =	vmul.f32 @p3 v11, v23;
	v22 =	vmul.f32 @p0 v22, v29  }
0x245: {  	v13 =	vmul.f32 @p1 v21, v13;
	v23 =	vmul.f32 @p3 v27, v23;
	v24 =	vsub.f32 @p2 v24, v10  }
0x246: {  	v25 =	vmul.f32 @p0 v25, v29;
	v11 =	vadd.f32 @p3 v11, v2;
	v21 =	vadd.f32 @p0 v22, v4  }
0x247: {  	v23 =	vadd.f32 @p3 v23, v3;
	v22 =	vmul.f32 @p2 v24, v9;
	v26 =	vmin.f32 v39, $9.999999400e-01  }
0x248: {  	v27 =	vmul.f32 @p2 v24, v8;
	[tilespmem:s3+$0x0] =	vst @p3 v11;
	v11 =	vadd.f32 @p1 v13, v3;
	v26 =	vmul.f32 $2.560000000e+02, v26  }
0x249: {  	s0 =	smov.u32 @p1 s30;
	[tilespmem:s4+$0x0] =	vst @p3 v23;
	v23 =	vadd.f32 @p0 v25, v5;
	v22 =	vadd.f32 @p2 v22, v7  }
0x24a: {  	[tilespmem:s0+$0xFFFFFFF0] =	vst @p1 v16;
	v27 =	vadd.f32 @p2 v27, v6;
	v26 =	vsub.f32 v26, v10  }
0x24b: {  	v21 =	vmul.f32 @p0 v21, v29;
	[tilespmem:s28+$0xFFFFFFF0] =	vst @p1 v11;
	v11 =	vpsel p0, v29, v14;
	v22 =	vmul.f32 @p2 v22, v24  }
0x24c: {  	v14 =	vpsel p0, v23, v20;
	v13 =	vmul.f32 @p2 v27, v24;
	v40 =	vmul.f32 v26, v8  }
0x24d: {  	v21 =	vadd.f32 @p0 v21, v2;
	v11 =	vmul.f32 @p0 v14, v11;
	v41 =	vmul.f32 v26, v9  }
0x24e: {  	v22 =	vadd.f32 @p2 v22, v5;
	v13 =	vpsel p2, v13, v18;
	v18 =	vld @p3 [tilespmem:s20+$0x10];
	v42 =	vadd.f32 v40, v6  }
0x24f: {  	v15 =	vpsel p2, v24, v15;
	v43 =	vadd.f32 v41, v7;
	v13 =	vadd.f32 @p2 v13, v4  }
0x250: {  	s21 =	smov.u32 @p1 s18;
	s8 =	smov.u32 @p0 s9;
	s9 =	smov.u32 @p0 s26;
	v11 =	vadd.f32 @p0 v11, v3;
	v16 =	vpsel p2, v22, v17;
	v44 =	vmul.f32 v42, v26  }
0x251: {  	s5 =	smov.u32 @p0 s9;
	s9 =	smov.u32 @p0 s8;
	v17 =	vpsel p0, v21, v19;
	v19 =	vld @p1 [tilespmem:s21+$0x0];
	v20 =	vmul.f32 v43, v26;
	v13 =	vmul.f32 @p2 v13, v15  }
0x252: {  	v30 =	vmul.f32 @p4 v12, v9;
	s25 =	smov.u32 @p0 s10;
	s10 =	smov.u32 s29;
	v15 =	vmul.f32 @p2 v16, v15;
	[tilespmem:s9+$0xFFFFFFF0] =	vst @p0 v17;
	v14 =	vadd.f32 v44, v4  }
0x253: {  	s8 =	smov.u32 @p2 s19;
	s29 =	smov.u32 @p0 s5;
	s5 =	smov.u32 s22;
	[tilespmem:s25+$0xFFFFFFF0] =	vst @p0 v11;
	v45 =	vadd.f32 v20, v5;
	v17 =	vmin.f32 @p3 v18, $9.999999400e-01;
	v13 =	vadd.f32 @p2 v13, v2  }
0x254: {  	s5 =	smov.u32 @p2 s8;
	s8 =	smov.u32 s24;
	v15 =	vadd.f32 @p2 v15, v3;
	v11 =	vmul.f32 @p3 $2.560000000e+02, v17;
	v17 =	vld @p0 [tilespmem:s29+$0x0];
	v14 =	vmul.f32 v14, v26  }
0x255: {  	s8 =	smov.u32 @p2 s13;
	v21 =	vmul.f32 @p4 v28, v12;
	v18 =	vadd.f32 @p4 v30, v7;
	v16 =	vmul.f32 v45, v26;
	[tilespmem:s5+$0x0] =	vst @p2 v13  }
0x256: {  	s10 =	smov.u32 @p2 s11;
	v19 =	vmin.f32 @p1 v19, $9.999999400e-01;
	v11 =	vsub.f32 @p3 v11, v10;
	[tilespmem:s8+$0x0] =	vst @p2 v15;
	v46 =	vadd.f32 v14, v2  }
0x257: {  	v14 =	vmul.f32 @p1 $2.560000000e+02, v19;
	v47 =	vadd.f32 v16, v3;
	v16 =	vld @p2 [tilespmem:s10+$0x10];
	v19 =	vadd.f32 @p4 v21, v4  }
0x258: {  	v13 =	vmul.f32 @p4 v18, v12;
	v18 =	vmul.f32 @p3 v11, v8;
	v11 =	vpsel p3, v11, v0;
	[tilespmem:s2+$0xFFFFFFF0] =	vst v46  }
0x259: {  	v14 =	vsub.f32 @p1 v14, v10;
	v15 =	vmul.f32 @p4 v19, v12;
	v17 =	vmin.f32 @p0 v17, $9.999999400e-01;
	[tilespmem:s17+$0xFFFFFFF0] =	vst v47  }
0x25a: {  	v13 =	vadd.f32 @p4 v13, v5;
	v21 =	vmul.f32 @p3 v11, v9;
	v17 =	vmul.f32 @p0 $2.560000000e+02, v17;
	v48 =	vld [tilespmem:s1+$0x0]  }
0x25b: {  	v18 =	vpsel p3, v18, v0;
	v20 =	vmul.f32 @p1 v14, v8;
	v22 =	vmul.f32 @p1 v14, v9  }
0x25c: {  	v18 =	vadd.f32 @p3 v18, v6;
	v16 =	vmin.f32 @p2 v16, $9.999999400e-01;
	v17 =	vsub.f32 @p0 v17, v10  }
0x25d: {  	v20 =	vadd.f32 @p1 v20, v6;
	v22 =	vadd.f32 @p1 v22, v7;
	v16 =	vmul.f32 @p2 $2.560000000e+02, v16  }
0x25e: {  	v21 =	vadd.f32 @p3 v21, v7;
	v23 =	vmul.f32 @p0 v17, v9;
	v24 =	vmul.f32 @p0 v17, v8  }
0x25f: {  	v20 =	vmul.f32 @p1 v20, v14;
	v22 =	vmul.f32 @p1 v22, v14;
	v19 =	vmin.f32 v48, $9.999999400e-01  }
0x260: {  	v16 =	vsub.f32 @p2 v16, v10;
	v23 =	vadd.f32 @p0 v23, v7;
	v19 =	vmul.f32 $2.560000000e+02, v19  }
0x261: {  	v24 =	vadd.f32 @p0 v24, v6;
	v20 =	vpsel p1, v20, v0;
	v22 =	vadd.f32 @p1 v22, v5  }
0x262: {  	v20 =	vadd.f32 @p1 v20, v4;
	v19 =	vsub.f32 v19, v10  }
0x263: {  	v14 =	vpsel p1, v14, v0;
	v23 =	vmul.f32 @p0 v23, v17;
	v24 =	vmul.f32 @p0 v24, v17  }
0x264: {  	v22 =	vpsel p1, v22, v0;
	v20 =	vmul.f32 @p1 v20, v14;
	v49 =	vmul.f32 v19, v8  }
0x265: {  	v23 =	vadd.f32 @p0 v23, v5;
	v24 =	vpsel p0, v24, v0;
	v50 =	vmul.f32 v19, v9  }
0x266: {  	s22 =	smov.u32 @p0 s9;
	s11 =	rddreg [dreg:$0x11];
	v14 =	vmul.f32 @p1 v22, v14;
	v22 =	vadd.f32 @p0 v24, v4;
	v25 =	vadd.f32 v49, v6  }
0x267: {  	s10 =	smov.u32 @p1 s28;
	s13 =	rddreg [dreg:$0x13];
	s11 =	smov.u32 @p1 s0;
	v17 =	vpsel p0, v17, v0;
	v20 =	vadd.f32 @p1 v20, v2;
	v51 =	vadd.f32 v50, v7  }
0x268: {  	s9 =	smov.u32 @p0 s25;
	s13 =	smov.u32 @p1 s10;
	s0 =	smov.u32 @p1 s11;
	v23 =	vpsel p0, v23, v0;
	v22 =	vmul.f32 @p0 v22, v17;
	v25 =	vmul.f32 v25, v19  }
0x269: {  	s24 =	smov.u32 @p0 s9;
	s9 =	smov.u32 @p1 s13;
	s0 =	smov.u32 @p1 s0;
	v14 =	vadd.f32 @p1 v14, v3;
	v17 =	vmul.f32 @p0 v23, v17;
	v24 =	vmul.f32 v51, v19  }
0x26a: {  	s10 =	smov.u32 @p1 s21;
	v18 =	vmul.f32 @p3 v18, v11;
	s9 =	smov.u32 @p1 s9;
	[tilespmem:s0+$0x0] =	vst @p1 v20;
	v20 =	vadd.f32 @p0 v22, v2;
	v52 =	vadd.f32 v25, v4  }
0x26b: {  	s11 =	smov.u32 @p0 s22;
	s13 =	smov.u32 @p1 s10;
	v21 =	vmul.f32 @p3 v21, v11;
	[tilespmem:s9+$0x0] =	vst @p1 v14;
	v14 =	vadd.f32 @p0 v17, v3;
	v53 =	vadd.f32 v24, v5  }
0x26c: {  	s18 =	smov.u32 @p0 s24;
	s10 =	smov.u32 @p0 s11;
	v23 =	vld @p1 [tilespmem:s13+$0x10];
	v25 =	vmul.f32 @p2 v16, v8;
	v16 =	vpsel p2, v16, v0;
	v54 =	vmul.f32 v52, v19  }
0x26d: {  	s11 =	smov.u32 @p0 s18;
	v18 =	vadd.f32 @p3 v18, v4;
	s13 =	smov.u32 @p0 s29;
	[tilespmem:s10+$0x0] =	vst @p0 v20;
	v20 =	vmul.f32 @p2 v16, v9;
	v19 =	vmul.f32 v53, v19  }
0x26e: {  	s13 =	smov.u32 @p0 s13;
	[tilespmem:s11+$0x0] =	vst @p0 v14;
	v14 =	vadd.f32 @p3 v21, v5;
	v24 =	vpsel p2, v25, v0;
	v55 =	vadd.f32 v54, v2  }
0x26f: {  	v17 =	vld @p0 [tilespmem:s13+$0x10];
	v22 =	vadd.f32 @p2 v24, v6;
	v19 =	vadd.f32 v19, v3  }
0x270: {  	v12 =	vmul.f32 @p4 v13, v12;
	v13 =	vmul.f32 @p3 v18, v11;
	v20 =	vadd.f32 @p2 v20, v7;
	[tilespmem:s2+$0x0] =	vst v55  }
0x271: {  	v11 =	vmul.f32 @p3 v14, v11;
	v21 =	vmin.f32 @p1 v23, $9.999999400e-01;
	v22 =	vmul.f32 @p2 v22, v16;
	[tilespmem:s17+$0x0] =	vst v19  }
0x272: {  	v15 =	vadd.f32 @p4 v15, v2;
	v20 =	vmul.f32 @p2 v20, v16;
	v14 =	vmul.f32 @p1 $2.560000000e+02, v21;
	v56 =	vld [tilespmem:s1+$0x10]  }
0x273: {  	v12 =	vadd.f32 @p4 v12, v3;
	v19 =	vadd.f32 @p2 v22, v4  }
0x274: {  	v20 =	vadd.f32 @p2 v20, v5;
	v17 =	vmin.f32 @p0 v17, $9.999999400e-01;
	v14 =	vsub.f32 @p1 v14, v10  }
0x275: {  	v13 =	vadd.f32 @p3 v13, v2;
	v17 =	vmul.f32 @p0 $2.560000000e+02, v17;
	v19 =	vmul.f32 @p2 v19, v16  }
0x276: {  	v11 =	vadd.f32 @p3 v11, v3;
	v16 =	vmul.f32 @p2 v20, v16;
	v20 =	vmul.f32 @p1 v14, v8  }
0x277: {  	v14 =	vpsel p1, v14, v0;
	v17 =	vsub.f32 @p0 v17, v10;
	v18 =	vmin.f32 v56, $9.999999400e-01  }
0x278: {  	v21 =	vmul.f32 @p1 v14, v9;
	v19 =	vadd.f32 @p2 v19, v2;
	v18 =	vmul.f32 $2.560000000e+02, v18  }
0x279: {  	v16 =	vadd.f32 @p2 v16, v3;
	v20 =	vpsel p1, v20, v0;
	v22 =	vmul.f32 @p0 v17, v8  }
0x27a: {  	v20 =	vadd.f32 @p1 v20, v6;
	v17 =	vpsel p0, v17, v0;
	v57 =	vsub.f32 v18, v10  }
0x27b: {  	v18 =	vadd.f32 @p1 v21, v7;
	v21 =	vpsel p0, v22, v0;
	v22 =	vmul.f32 @p0 v17, v9  }
0x27c: {  	v20 =	vmul.f32 @p1 v20, v14;
	v21 =	vadd.f32 @p0 v21, v6;
	v58 =	vmul.f32 v57, v8  }
0x27d: {  	v18 =	vmul.f32 @p1 v18, v14;
	v22 =	vadd.f32 @p0 v22, v7;
	v59 =	vmul.f32 v57, v9  }
0x27e: {  	[tilespmem:s6+$0x10] =	vst @p4 v15;
	s1 =	smov.u32 @p3 s3;
	v15 =	vadd.f32 @p1 v20, v4;
	v20 =	vmul.f32 @p0 v21, v17;
	v60 =	vadd.f32 v58, v6  }
0x27f: {  	[tilespmem:s7+$0x10] =	vst @p4 v12;
	s3 =	smov.u32 @p3 s4;
	s1 =	smov.u32 @p3 s1;
	v8 =	vadd.f32 @p1 v18, v5;
	v12 =	vmul.f32 @p0 v22, v17;
	v61 =	vadd.f32 v59, v7  }
0x280: {  	[tilespmem:s1+$0x10] =	vst @p3 v13;
	s1 =	smov.u32 @p3 s3;
	s3 =	smov.u32 @p2 s5;
	v9 =	vmul.f32 @p1 v15, v14;
	v13 =	vadd.f32 @p0 v20, v4;
	v6 =	vmul.f32 v60, v57  }
0x281: {  	[tilespmem:s1+$0x10] =	vst @p3 v11;
	s1 =	smov.u32 @p2 s8;
	s3 =	smov.u32 @p2 s3;
	v8 =	vmul.f32 @p1 v8, v14;
	v11 =	vadd.f32 @p0 v12, v5;
	v7 =	vmul.f32 v61, v57  }
0x282: {  	s1 =	smov.u32 @p2 s1;
	[tilespmem:s3+$0x10] =	vst @p2 v19;
	v9 =	vadd.f32 @p1 v9, v2;
	v12 =	vmul.f32 @p0 v13, v17;
	v62 =	vadd.f32 v6, v4  }
0x283: {  	s0 =	smov.u32 @p1 s0;
	[tilespmem:s1+$0x10] =	vst @p2 v16;
	s1 =	smov.u32 @p1 s9;
	v6 =	vadd.f32 @p1 v8, v3;
	v8 =	vmul.f32 @p0 v11, v17;
	v63 =	vadd.f32 v7, v5  }
0x284: {  	[tilespmem:s0+$0x10] =	vst @p1 v9;
	s0 =	smov.u32 @p1 s1;
	s1 =	smov.u32 @p0 s10;
	v7 =	vadd.f32 @p0 v12, v2;
	v4 =	vmul.f32 v62, v57  }
0x285: {  	s1 =	smov.u32 @p0 s1;
	[tilespmem:s0+$0x10] =	vst @p1 v6;
	s0 =	smov.u32 @p0 s11;
	v6 =	vadd.f32 @p0 v8, v3;
	v5 =	vmul.f32 v63, v57  }
0x286: {  	[tilespmem:s1+$0x10] =	vst @p0 v7;
	s0 =	smov.u32 @p0 s0;
	v2 =	vadd.f32 v4, v2  }
0x287: {  	[tilespmem:s0+$0x10] =	vst @p0 v6;
	v3 =	vadd.f32 v5, v3  }
0x288: {  	[tilespmem:s2+$0x10] =	vst v2  }
0x289: {  	[tilespmem:s17+$0x10] =	vst v3  }
.LBB2_74:
0x28a: {  	p0 =	slt.s32 s23, $0x4000  }
.Ltmp34:
0x28b: {  	_ = 	snop;
	(pc) =	sbr.rel @!p0 .LBB2_75-.Ltmp34, $2  }
0x28c: {  	_ =	sdelay $0x2  }
0x28d: {  	s0 =	smov.u32 s23  }
.LBB2_40:
0x28e: {  	v2 =	vld [tilespmem:s0+$0x4000];
	_ =	sdelay $0x4  }
0x28f: {  	v2 =	vmin.f32 v2, $9.999999400e-01  }
0x290: {  	v2 =	vmul.f32 $2.560000000e+02, v2;
	_ =	sdelay $0x1  }
0x291: {  	v2 =	vtrunc.f32 v2  }
0x292: {  	v2 =	vcvt.f32.s32 v2;
	_ =	sdelay $0x1  }
0x293: {  	v2 =	vnsel vm0, $0x80000000, v2  }
0x294: {  	v2 =	vxor.u32 $0x80000000, v2  }
0x295: {  	(xrf0) =	vmax.scan.msk.u32 $0xffff, v2;
	_ =	sdelay $0x5  }
0x296: {  	v2, _, _ =	vpop (xrf0)  }
0x297: {  	v9 =	vxor.u32 $0x80000000, v2;
	_ =	sdelay $0x4  }
0x298: {  	v3 =	vld.idx.msk [tilespmem:v9+s16+$0x0], $0xffff;
	_ =	sdelay $0x4  }
0x299: {  	(v2sf) =	vpush v3, $0x0;
	_ =	sdelay $0x8  }
0x29a: {  	s2 =	sshra.s32 s0, $0x4  }
0x29b: {  	p0 =	sgt.s32 s2, $0x3FE  }
.Ltmp35:
0x29c: {  	_ = 	snop;
	(pc) =	sbr.rel @p0 .LBB2_44-.Ltmp35, $2  }
0x29d: {  	_ =	sdelay $0x2  }
0x29e: {  	s23 =	simm.s32 $0x4000;
	s1 =	spop (v2sf)  }
0x29f: {  	s2 =	sadd.s32 $0x1, s2;
	s3 =	simm.s32 $0x400  }
.LBB2_42:
0x2a0: {  	s30 =	sadd.s32 s2, s3  }
0x2a1: {  	s4 =	smov.u32 s3;
	s3 =	sshra.s32 s30, $0x1  }
0x2a2: {  	s5 =	sshll.u32 s3, $0x6  }
0x2a3: {  	s5 =	sshra.s32 s5, $0x2  }
0x2a4: {  	v3 =	vld [tilespmem:s5+$0x4000];
	_ =	sdelay $0x4  }
0x2a5: {  	(v2sf) =	vpush v3, $0x0;
	_ =	sdelay $0xe  }
0x2a6: {  	s31 =	spop (v2sf)  }
0x2a7: {  	s5 =	sadd.s32 $0x1, s3;
	p0 =	slt.s32 s31, s1  }
0x2a8: {  	s2 =	smov.u32 @p0 s5;
	s3 =	smov.u32 @p0 s4  }
0x2a9: {  	p0 =	slt.s32 s2, s3  }
.Ltmp36:
0x2aa: {  	_ = 	snop;
	(pc) =	sbr.rel @p0 .LBB2_42-.Ltmp36, $1  }
0x2ab: {  	_ =	sdelay $0x3  }
0x2ac: {  	s23 =	sshll.u32 s2, $0x4  }
.LBB2_44:
0x2ad: {  	s1 =	sadd.s32 $0xFFFFFFF0, s0;
	s2 =	sand.u32 $0xFFFFFFC0, s0  }
0x2ae: {  	s0 =	sadd.s32 $0x30, s0;
	p0 =	slt.s32 s1, s2  }
0x2af: {  	s18 =	sand.u32 $0xFFFFFFC0, s0;
	s2 =	smov.u32 @p0 s1  }
0x2b0: {  	p1 =	slt.s32 s18, $0x4000;
	s5 =	smov.u32 s18;
	p0 =	sgt.s32 s2, $0x0  }
0x2b1: {  	s5 =	simm.s32 @!p1 $0x4000;
	s2 =	simm.s32 @!p0 $0x0  }
0x2b2: {  	p0 =	sge.s32 s2, s5  }
.Ltmp37:
0x2b3: {  	_ = 	snop;
	(pc) =	sbr.rel @p0 .LBB2_58-.Ltmp37, $1  }
0x2b4: {  	_ =	sdelay $0x3  }
0x2b5: {  	s1 =	sshll.u32 s2, $0x2  }
0x2b6: {  	s2 =	sadd.s32 $0x10, s2;
	s4 =	sshra.s32 s1, $0x2  }
0x2b7: {  	s1 =	sadd.s32 $0x14000, s4;
	s3 =	sadd.s32 $0xC000, s4;
	s4 =	sadd.s32 $0x4000, s4  }
0x2b8: {  	p4 =	slt.s32 s2, s5;
	v3 =	vld [tilespmem:s4+$0x0]  }
.Ltmp38:
0x2b9: {  	_ = 	snop;
	(pc) =	sbr.rel @!p4 .LBB2_46-.Ltmp38, $3  }
0x2ba: {  	_ =	sdelay $0x1  }
0x2bb: {  	p0 =	por $0x0, $0x0;
	p1 =	por $0x0, $0x0  }
0x2bc: {  	p2 =	por $0x0, $0x0;
	p3 =	por $0x0, $0x0;
	s4 =	sadd.s32 $0x10, s4;
	v6 =	vmin.f32 v3, $9.999999400e-01  }
0x2bd: {  	s2 =	sadd.s32 $0x10, s2  }
0x2be: {  	v4 =	vld [tilespmem:s4+$0x0];
	v3 =	vmul.f32 $2.560000000e+02, v6;
	p4 =	slt.s32 s2, s5  }
.Ltmp39:
0x2bf: {  	_ = 	snop;
	(pc) =	sbr.rel @!p4 .LBB2_48-.Ltmp39, $3  }
0x2c0: {  	v5 =	vtrunc.f32 v3  }
0x2c1: {  	v28 =	vcvt.f32.s32 v5;
	_ =	sdelay $0x1  }
0x2c2: {  	s4 =	sadd.s32 $0x10, s4;
	p0 =	por $0x1, $0x1;
	v6 =	vmin.f32 v4, $9.999999400e-01;
	v4 =	vshll.u32 v28, $0x3  }
0x2c3: {  	v7 =	vor.u32 $0x3, v4  }
0x2c4: {  	v8 =	vor.u32 $0x7, v4  }
0x2c5: {  	v11 =	vor.u32 $0x2, v4;
	s2 =	sadd.s32 $0x10, s2  }
0x2c6: {  	v10 =	vld [tilespmem:s4+$0x0];
	v5 =	vmul.f32 $2.560000000e+02, v6;
	v12 =	vor.u32 $0x6, v4;
	p4 =	slt.s32 s2, s5  }
.Ltmp40:
0x2c7: {  	_ = 	snop;
	(pc) =	sbr.rel @!p4 .LBB2_50-.Ltmp40, $4  }
0x2c8: {  	v6 =	vtrunc.f32 v5;
	v23 =	vld.idx.msk [tilespmem:v7+s15+$0x0], $0xffff  }
0x2c9: {  	v13 =	vcvt.f32.s32 v6;
	v24 =	vld.idx.msk [tilespmem:v8+s15+$0x0], $0xffff  }
0x2ca: {  	v26 =	vor.u32 $0x1, v4;
	v33 =	vcvt.s32.f32 v28;
	v29 =	vor.u32 $0x5, v4;
	v30 =	vld.idx.msk [tilespmem:v11+s15+$0x0], $0xffff  }
0x2cb: {  	s6 =	sadd.s32 $0x10, s4;
	v31 =	vor.u32 $0x4, v4;
	p1 =	por $0x1, $0x1;
	v6 =	vmin.f32 v10, $9.999999400e-01;
	v7 =	vshll.u32 v13, $0x3;
	v35 =	vld.idx.msk [tilespmem:v12+s15+$0x0], $0xffff  }
0x2cc: {  	_ =	sdelay $0x2  }
0x2cd: {  	v8 =	vsub.f32 v3, v33  }
0x2ce: {  	v11 =	vld.idx.msk [tilespmem:v4+s15+$0x0], $0xffff;
	v4 =	vor.u32 $0x2, v7;
	v3 =	vmul.f32 $2.560000000e+02, v6  }
0x2cf: {  	v12 =	vld [tilespmem:s6+$0x0];
	v14 =	vor.u32 $0x3, v7;
	v16 =	vmul.f32 v8, v23  }
0x2d0: {  	v15 =	vor.u32 $0x7, v7;
	v17 =	vld.idx.msk [tilespmem:v26+s15+$0x0], $0xffff;
	s4 =	sadd.s32 $0x10, s2;
	v21 =	vtrunc.f32 v3  }
0x2d1: {  	v18 =	vor.u32 $0x6, v7;
	v10 =	vld.idx.msk [tilespmem:v29+s15+$0x0], $0xffff;
	p4 =	slt.s32 s4, s5;
	v28 =	vcvt.f32.s32 v21;
	v20 =	vadd.f32 v16, v30  }
.Ltmp41:
0x2d2: {  	v19 =	vmul.f32 v8, v24;
	v16 =	vld.idx.msk [tilespmem:v31+s15+$0x0], $0xffff;
	(pc) =	sbr.rel @!p4 .LBB2_52-.Ltmp41, $4  }
0x2d3: {  	v23 =	vmul.f32 v20, v8;
	v20 =	vld.idx.msk [tilespmem:v4+s15+$0x0], $0xffff;
	v4 =	vshll.u32 v28, $0x3  }
0x2d4: {  	v6 =	vmin.f32 v12, $9.999999400e-01;
	v12 =	vld.idx.msk [tilespmem:v14+s15+$0x0], $0xffff;
	v14 =	vadd.f32 v35, v19  }
0x2d5: {  	v22 =	vor.u32 $0x1, v7;
	v13 =	vcvt.s32.f32 v13;
	v25 =	vor.u32 $0x5, v7;
	v15 =	vld.idx.msk [tilespmem:v15+s15+$0x0], $0xffff  }
0x2d6: {  	s2 =	sadd.s32 $0x10, s6;
	p2 =	por $0x1, $0x1;
	v21 =	vor.u32 $0x4, v7;
	v19 =	vld.idx.msk [tilespmem:v18+s15+$0x0], $0xffff;
	v14 =	vmul.f32 v14, v8;
	v17 =	vadd.f32 v23, v17  }
0x2d7: {  	_ =	sdelay $0x2  }
0x2d8: {  	v23 =	vld [tilespmem:s2+$0x0];
	v24 =	vor.u32 $0x3, v4;
	v18 =	vsub.f32 v5, v13;
	v26 =	vadd.f32 v14, v10  }
0x2d9: {  	v40 =	vmul.f32 $2.560000000e+02, v6;
	v29 =	vor.u32 $0x7, v4;
	v34 =	vld.idx.msk [tilespmem:v7+s15+$0x0], $0xffff;
	v6 =	vmul.f32 v17, v8  }
0x2da: {  	v30 =	vor.u32 $0x2, v4;
	v38 =	vld.idx.msk [tilespmem:v22+s15+$0x0], $0xffff;
	s6 =	sadd.s32 $0x10, s4;
	v31 =	vmul.f32 v18, v12;
	v26 =	vmul.f32 v26, v8  }
0x2db: {  	v35 =	vor.u32 $0x6, v4;
	v27 =	vld.idx.msk [tilespmem:v25+s15+$0x0], $0xffff;
	p4 =	slt.s32 s6, s5;
	v33 =	vmul.f32 v18, v15;
	v36 =	vadd.f32 v6, v11  }
.Ltmp42:
0x2dc: {  	v32 =	vld.idx.msk [tilespmem:v21+s15+$0x0], $0xffff;
	v31 =	vadd.f32 v31, v20;
	v39 =	vadd.f32 v26, v16;
	(pc) =	sbr.rel @!p4 .LBB2_54-.Ltmp42, $4  }
0x2dd: {  	v6 =	vmin.f32 v23, $9.999999400e-01;
	v26 =	vtrunc.f32 v40;
	v23 =	vld.idx.msk [tilespmem:v24+s15+$0x0], $0xffff;
	v37 =	vadd.f32 v19, v33  }
0x2de: {  	v24 =	vld.idx.msk [tilespmem:v29+s15+$0x0], $0xffff;
	v41 =	vcvt.f32.s32 v26;
	v26 =	vor.u32 $0x1, v4;
	v42 =	vmul.f32 v31, v18  }
0x2df: {  	s7 =	sadd.s32 $0x10, s2;
	[tilespmem:s3+$0x0] =	vst v36;
	v33 =	vcvt.s32.f32 v28;
	v30 =	vld.idx.msk [tilespmem:v30+s15+$0x0], $0xffff;
	v29 =	vor.u32 $0x5, v4;
	v37 =	vmul.f32 v37, v18  }
0x2e0: {  	p3 =	por $0x1, $0x1;
	s2 =	smov.u32 s3;
	s4 =	smov.u32 s1;
	v35 =	vld.idx.msk [tilespmem:v35+s15+$0x0], $0xffff;
	v31 =	vor.u32 $0x4, v4;
	[tilespmem:s1+$0x0] =	vst v39;
	v36 =	vshll.u32 v41, $0x3;
	v38 =	vadd.f32 v42, v38  }
.LBB2_55:
0x2e1: {  	v28 =	vld [tilespmem:s7+$0x0];
	v39 =	vor.u32 $0x3, v36;
	v33 =	vsub.f32 v3, v33;
	v27 =	vadd.f32 v37, v27;
	v3 =	vmovc v40  }
0x2e2: {  	v40 =	vmul.f32 $2.560000000e+02, v6;
	v37 =	vor.u32 $0x7, v36;
	v42 =	vld.idx.msk [tilespmem:v4+s15+$0x0], $0xffff;
	v6 =	vmul.f32 v38, v18;
	v4 =	vmovc v36  }
0x2e3: {  	s6 =	sadd.s32 $0x10, s6;
	v36 =	vor.u32 $0x2, v4;
	v23 =	vmul.f32 v33, v23;
	v38 =	vld.idx.msk [tilespmem:v26+s15+$0x0], $0xffff;
	v26 =	vmul.f32 v27, v18;
	v18 =	vmovc v33  }
0x2e4: {  	p4 =	slt.s32 s6, s5;
	v43 =	vor.u32 $0x6, v4;
	v24 =	vmul.f32 v18, v24;
	v27 =	vld.idx.msk [tilespmem:v29+s15+$0x0], $0xffff;
	v29 =	vadd.f32 v6, v34  }
.Ltmp43:
0x2e5: {  	s2 =	sadd.s32 $0x10, s2;
	v30 =	vadd.f32 v23, v30;
	v33 =	vadd.f32 v26, v32;
	v32 =	vld.idx.msk [tilespmem:v31+s15+$0x0], $0xffff;
	(pc) =	sbr.rel @p4 .LBB2_55-.Ltmp43, $4  }
0x2e6: {  	s4 =	sadd.s32 $0x10, s4;
	v26 =	vtrunc.f32 v40;
	v6 =	vmin.f32 v28, $9.999999400e-01;
	v23 =	vld.idx.msk [tilespmem:v39+s15+$0x0], $0xffff;
	v28 =	vadd.f32 v35, v24;
	[tilespmem:s2+$0x0] =	vst v29  }
0x2e7: {  	v39 =	vcvt.f32.s32 v26;
	v26 =	vor.u32 $0x1, v4;
	v24 =	vld.idx.msk [tilespmem:v37+s15+$0x0], $0xffff;
	v44 =	vmul.f32 v30, v18;
	[tilespmem:s4+$0x0] =	vst v33  }
0x2e8: {  	v29 =	vor.u32 $0x5, v4;
	v33 =	vcvt.s32.f32 v41;
	v34 =	vmovc v42;
	v30 =	vld.idx.msk [tilespmem:v36+s15+$0x0], $0xffff;
	v37 =	vmul.f32 v28, v18  }
0x2e9: {  	s7 =	sadd.s32 $0x10, s7;
	v31 =	vor.u32 $0x4, v4;
	v36 =	vshll.u32 v39, $0x3;
	v41 =	vmovc v39;
	v35 =	vld.idx.msk [tilespmem:v43+s15+$0x0], $0xffff;
	v38 =	vadd.f32 v44, v38  }
0x2ea: {  	v39 =	vmov v3;
	v3 =	vmov v40;
	v28 =	vmov v41  }
.LBB2_57:
0x2eb: {  	v40 =	vor.u32 @p0 $0x3, v36  }
0x2ec: {  	v33 =	vsub.f32 @p1 v39, v33;
	v27 =	vadd.f32 @p2 v37, v27;
	v6 =	vmul.f32 $2.560000000e+02, v6  }
0x2ed: {  	v37 =	vor.u32 @p0 $0x7, v36;
	v38 =	vmul.f32 @p2 v38, v18;
	v39 =	vor.u32 @p0 $0x2, v36  }
0x2ee: {  	v28 =	vcvt.s32.f32 @p0 v28;
	v3 =	vpsel p0, v3, v5;
	v23 =	vmul.f32 @p1 v33, v23  }
0x2ef: {  	v26 =	vld.idx.msk @p1 [tilespmem:v26+s15+$0x0], $0xffff;
	v18 =	vmul.f32 @p2 v27, v18;
	v27 =	vor.u32 @p0 $0x6, v36;
	v24 =	vmul.f32 @p1 v33, v24  }
0x2f0: {  	v29 =	vld.idx.msk @p1 [tilespmem:v29+s15+$0x0], $0xffff;
	v34 =	vadd.f32 @p2 v38, v34;
	v48 =	vtrunc.f32 v6;
	v38 =	vor.u32 @p0 $0x5, v36  }
0x2f1: {  	v4 =	vld.idx.msk @p1 [tilespmem:v4+s15+$0x0], $0xffff;
	v25 =	vpsel p0, v38, v25;
	v23 =	vadd.f32 @p1 v23, v30;
	v30 =	vcvt.f32.s32 v48  }
0x2f2: {  	v18 =	vadd.f32 @p2 v18, v32;
	v24 =	vadd.f32 @p1 v35, v24;
	v32 =	vor.u32 @p0 $0x1, v36;
	v35 =	vld.idx.msk @p0 [tilespmem:v40+s15+$0x0], $0xffff  }
0x2f3: {  	v7 =	vpsel p0, v36, v7;
	v22 =	vpsel p0, v32, v22;
	v32 =	vld.idx.msk @p0 [tilespmem:v37+s15+$0x0], $0xffff;
	v49 =	vshll.u32 v30, $0x3  }
0x2f4: {  	v13 =	vpsel p0, v28, v13;
	v38 =	vld.idx.msk @p0 [tilespmem:v39+s15+$0x0], $0xffff;
	v23 =	vmul.f32 @p1 v23, v33;
	v50 =	vor.u32 $0x3, v49  }
0x2f5: {  	v8 =	vpsel p1, v33, v8;
	v3 =	vsub.f32 @p0 v3, v13;
	v51 =	vor.u32 $0x7, v49;
	v27 =	vld.idx.msk @p0 [tilespmem:v27+s15+$0x0], $0xffff  }
0x2f6: {  	v40 =	vor.u32 @p0 $0x4, v36;
	v52 =	vor.u32 $0x2, v49;
	v23 =	vadd.f32 @p1 v23, v26;
	v26 =	vld.idx.msk @p1 [tilespmem:v31+s15+$0x0], $0xffff  }
0x2f7: {  	v4 =	vpsel p1, v4, v11;
	v24 =	vmul.f32 @p1 v24, v33;
	v53 =	vor.u32 $0x6, v49;
	v11 =	vld.idx.msk @p0 [tilespmem:v25+s15+$0x0], $0xffff  }
0x2f8: {  	v10 =	vpsel p1, v29, v10;
	v21 =	vpsel p0, v40, v21;
	v56 =	vcvt.s32.f32 v30;
	v22 =	vld.idx.msk @p0 [tilespmem:v22+s15+$0x0], $0xffff  }
0x2f9: {  	v54 =	vor.u32 $0x1, v49;
	v58 =	vor.u32 $0x5, v49;
	v14 =	vpsel p1, v24, v14;
	v5 =	vld.idx.msk [tilespmem:v50+s15+$0x0], $0xffff  }
0x2fa: {  	v6 =	vsub.f32 v6, v56;
	v10 =	vadd.f32 @p1 v14, v10;
	v12 =	vpsel p0, v35, v12;
	v55 =	vld.idx.msk [tilespmem:v51+s15+$0x0], $0xffff  }
0x2fb: {  	v17 =	vpsel p1, v23, v17;
	v15 =	vpsel p0, v32, v15;
	v12 =	vmul.f32 @p0 v3, v12;
	v57 =	vld.idx.msk [tilespmem:v52+s15+$0x0], $0xffff  }
0x2fc: {  	v20 =	vpsel p0, v38, v20;
	v17 =	vmul.f32 @p1 v17, v8;
	v15 =	vmul.f32 @p0 v3, v15;
	v23 =	vld.idx.msk [tilespmem:v53+s15+$0x0], $0xffff  }
0x2fd: {  	v8 =	vmul.f32 @p1 v10, v8;
	v19 =	vpsel p0, v27, v19;
	v10 =	vadd.f32 @p0 v12, v20  }
0x2fe: {  	v7 =	vld.idx.msk @p0 [tilespmem:v7+s15+$0x0], $0xffff;
	v59 =	vor.u32 $0x4, v49;
	v12 =	vadd.f32 @p0 v19, v15;
	v5 =	vmul.f32 v6, v5  }
0x2ff: {  	v13 =	vpsel p1, v26, v16;
	v16 =	vld.idx.msk [tilespmem:v54+s15+$0x0], $0xffff;
	v10 =	vmul.f32 @p0 v10, v3;
	v60 =	vmul.f32 v6, v55  }
0x300: {  	s2 =	sadd.s32 @p3 $0x10, s2;
	s5 =	smov.u32 s3;
	v61 =	vld.idx.msk [tilespmem:v58+s15+$0x0], $0xffff;
	v4 =	vadd.f32 @p1 v17, v4;
	v12 =	vmul.f32 @p0 v12, v3;
	v5 =	vadd.f32 v5, v57  }
0x301: {  	s5 =	smov.u32 @p3 s2;
	v14 =	vld.idx.msk @p0 [tilespmem:v21+s15+$0x0], $0xffff;
	v11 =	vpsel p0, v11, v0;
	v10 =	vadd.f32 @p0 v10, v22;
	v17 =	vadd.f32 v23, v60  }
0x302: {  	[tilespmem:s5+$0x0] =	vst @p2 v34;
	v3 =	vpsel p0, v3, v0;
	v12 =	vpsel p0, v12, v0;
	v5 =	vmul.f32 v5, v6  }
0x303: {  	s2 =	sadd.s32 @p3 $0x10, s4;
	s4 =	smov.u32 s1;
	v62 =	vld.idx.msk [tilespmem:v49+s15+$0x0], $0xffff;
	v11 =	vadd.f32 @p0 v12, v11;
	v10 =	vpsel p0, v10, v0;
	v17 =	vmul.f32 v17, v6  }
0x304: {  	s4 =	smov.u32 @p3 s2;
	s2 =	sadd.s32 @p2 $0x10, s5;
	s5 =	smov.u32 s3;
	v7 =	vpsel p0, v7, v0;
	v15 =	vld.idx.msk [tilespmem:v59+s15+$0x0], $0xffff;
	v10 =	vmul.f32 @p0 v10, v3;
	v5 =	vadd.f32 v5, v16  }
0x305: {  	s5 =	smov.u32 @p2 s2;
	s2 =	sadd.s32 @p2 $0x10, s4;
	[tilespmem:s4+$0x0] =	vst @p2 v18;
	s4 =	smov.u32 s1;
	v8 =	vadd.f32 @p1 v8, v13;
	v3 =	vmul.f32 @p0 v11, v3;
	v11 =	vadd.f32 v17, v61  }
0x306: {  	s4 =	smov.u32 @p2 s2;
	s2 =	sadd.s32 @p1 $0x10, s5;
	[tilespmem:s5+$0x0] =	vst @p1 v4;
	s5 =	smov.u32 s3;
	v4 =	vpsel p0, v14, v0;
	v7 =	vadd.f32 @p0 v10, v7;
	v5 =	vmul.f32 v5, v6  }
0x307: {  	[tilespmem:s4+$0x0] =	vst @p1 v8;
	s5 =	smov.u32 @p1 s2;
	s2 =	sadd.s32 @p1 $0x10, s4;
	s4 =	smov.u32 s1;
	v3 =	vadd.f32 @p0 v3, v4;
	v63 =	vmul.f32 v11, v6  }
0x308: {  	s4 =	smov.u32 @p1 s2;
	s2 =	sadd.s32 @p0 $0x10, s5;
	[tilespmem:s5+$0x0] =	vst @p0 v7;
	v5 =	vadd.f32 v5, v62  }
0x309: {  	s3 =	smov.u32 @p0 s2;
	s2 =	sadd.s32 @p0 $0x10, s4;
	[tilespmem:s4+$0x0] =	vst @p0 v3;
	v3 =	vadd.f32 v63, v15  }
0x30a: {  	s1 =	smov.u32 @p0 s2;
	[tilespmem:s3+$0x0] =	vst v5  }
0x30b: {  	[tilespmem:s1+$0x0] =	vst v3  }
.LBB2_58:
0x30c: {  	s1 =	sand.u32 $0xFFFFFFC0, s23  }
0x30d: {  	p0 =	sgt.s32 s1, s18  }
.Ltmp44:
0x30e: {  	_ = 	snop;
	(pc) =	sbr.rel @!p0 .LBB2_74-.Ltmp44, $1  }
0x30f: {  	_ =	sdelay $0x3  }
0x310: {  	v3 =	vshll.u32 v2, $0x3  }
0x311: {  	v5 =	vor.u32 $0x2, v3  }
0x312: {  	v11 =	vor.u32 $0x5, v3;
	_ =	sdelay $0x1  }
0x313: {  	s0 =	sshll.u32 s0, $0x2  }
0x314: {  	s0 =	sshra.s32 s0, $0x2  }
0x315: {  	s0 =	sand.u32 $0xFFFFFFC0, s0;
	v6 =	vld.idx.msk [tilespmem:v5+s15+$0x0], $0xffff  }
0x316: {  	v7 =	vor.u32 $0x3, v3;
	s29 =	sadd.s32 $0x4020, s0;
	v5 =	vld.idx.msk [tilespmem:v11+s15+$0x0], $0xffff  }
0x317: {  	v10 =	vor.u32 $0x4, v3;
	v11 =	vld [tilespmem:s29+$0xFFFFFFE0]  }
0x318: {  	v13 =	vor.u32 $0x7, v3;
	_ =	sdelay $0x1  }
0x319: {  	v12 =	vor.u32 $0x6, v3;
	v2 =	vld.idx.msk [tilespmem:v3+s15+$0x0], $0xffff  }
0x31a: {  	v8 =	vld.idx.msk [tilespmem:v7+s15+$0x0], $0xffff  }
0x31b: {  	v4 =	vor.u32 $0x1, v3;
	v3 =	vld.idx.msk [tilespmem:v10+s15+$0x0], $0xffff;
	v11 =	vmin.f32 v11, $9.999999400e-01  }
0x31c: {  	v10 =	vcvt.s32.f32 v9;
	v9 =	vld.idx.msk [tilespmem:v13+s15+$0x0], $0xffff;
	v11 =	vmul.f32 $2.560000000e+02, v11;
	_ =	sdelay $0x1  }
0x31d: {  	v7 =	vld.idx.msk [tilespmem:v12+s15+$0x0], $0xffff;
	v11 =	vsub.f32 v11, v10;
	_ =	sdelay $0x1  }
0x31e: {  	s17 =	smov.u32 s18;
	v63 =	vmul.f32 v11, v8  }
0x31f: {  	s17 =	smov.u32 @p0 s1;
	v4 =	vld.idx.msk [tilespmem:v4+s15+$0x0], $0xffff;
	v13 =	vmul.f32 v11, v9  }
0x320: {  	s24 =	sadd.s32 $0x14020, s0;
	s22 =	sadd.s32 $0xC020, s0;
	s0 =	sadd.s32 $0x40, s18;
	v12 =	vadd.f32 v63, v6  }
0x321: {  	p5 =	slt.s32 s0, s17;
	v13 =	vadd.f32 v13, v7  }
.Ltmp45:
0x322: {  	v12 =	vmul.f32 v12, v11;
	(pc) =	sbr.rel @!p5 .LBB2_60-.Ltmp45, $4  }
0x323: {  	v13 =	vmul.f32 v13, v11  }
0x324: {  	v12 =	vadd.f32 v12, v4  }
0x325: {  	p1 =	por $0x0, $0x0;
	p2 =	por $0x0, $0x0;
	p3 =	por $0x0, $0x0;
	v24 =	vadd.f32 v13, v5  }
0x326: {  	p4 =	por $0x0, $0x0;
	p0 =	por $0x0, $0x0;
	s21 =	sadd.s32 $0x40, s29;
	v22 =	vmul.f32 v12, v11  }
0x327: {  	v12 =	vld [tilespmem:s21+$0xFFFFFFE0];
	_ =	sdelay $0x4  }
0x328: {  	v11 =	vmul.f32 v24, v11;
	v12 =	vmin.f32 v12, $9.999999400e-01  }
0x329: {  	v13 =	vadd.f32 v22, v2;
	v12 =	vmul.f32 $2.560000000e+02, v12  }
0x32a: {  	v14 =	vadd.f32 v11, v3  }
0x32b: {  	[tilespmem:s22+$0xFFFFFFE0] =	vst v13;
	v11 =	vsub.f32 v12, v10  }
0x32c: {  	[tilespmem:s24+$0xFFFFFFE0] =	vst v14  }
0x32d: {  	v13 =	vld [tilespmem:s29+$0xFFFFFFF0];
	v12 =	vmul.f32 v11, v8  }
0x32e: {  	v14 =	vmul.f32 v11, v9  }
0x32f: {  	s0 =	sadd.s32 $0x40, s0;
	v12 =	vadd.f32 v12, v6  }
0x330: {  	p5 =	slt.s32 s0, s17;
	v14 =	vadd.f32 v14, v7  }
.Ltmp46:
0x331: {  	v12 =	vmul.f32 v12, v11;
	(pc) =	sbr.rel @!p5 .LBB2_62-.Ltmp46, $4  }
0x332: {  	v13 =	vmin.f32 v13, $9.999999400e-01;
	v14 =	vmul.f32 v14, v11  }
0x333: {  	v13 =	vmul.f32 $2.560000000e+02, v13;
	v12 =	vadd.f32 v12, v4  }
0x334: {  	v24 =	vadd.f32 v14, v5  }
0x335: {  	s5 =	sadd.s32 $0x40, s21;
	p0 =	por $0x1, $0x1;
	v13 =	vsub.f32 v13, v10;
	v22 =	vmul.f32 v12, v11  }
0x336: {  	v12 =	vld [tilespmem:s5+$0xFFFFFFE0];
	_ =	sdelay $0x4  }
0x337: {  	v11 =	vmul.f32 v24, v11;
	v12 =	vmin.f32 v12, $9.999999400e-01  }
0x338: {  	v14 =	vadd.f32 v22, v2;
	v12 =	vmul.f32 $2.560000000e+02, v12  }
0x339: {  	s19 =	sadd.s32 $0x40, s22;
	v16 =	vadd.f32 v11, v3  }
0x33a: {  	s13 =	sadd.s32 $0x40, s24;
	v15 =	vmul.f32 v13, v8;
	[tilespmem:s19+$0xFFFFFFE0] =	vst v14;
	v11 =	vsub.f32 v12, v10  }
0x33b: {  	[tilespmem:s13+$0xFFFFFFE0] =	vst v16  }
0x33c: {  	v12 =	vadd.f32 v15, v6;
	v15 =	vld [tilespmem:s21+$0xFFFFFFF0];
	v14 =	vmul.f32 v11, v8  }
0x33d: {  	v16 =	vmul.f32 v13, v9;
	v17 =	vmul.f32 v11, v9  }
0x33e: {  	s0 =	sadd.s32 $0x40, s0;
	v12 =	vmul.f32 v12, v13;
	v14 =	vadd.f32 v14, v6  }
0x33f: {  	p5 =	slt.s32 s0, s17;
	v16 =	vadd.f32 v16, v7;
	v17 =	vadd.f32 v17, v7  }
.Ltmp47:
0x340: {  	v12 =	vadd.f32 v12, v4;
	v14 =	vmul.f32 v14, v11;
	(pc) =	sbr.rel @!p5 .LBB2_64-.Ltmp47, $4  }
0x341: {  	v18 =	vmul.f32 v16, v13;
	v15 =	vmin.f32 v15, $9.999999400e-01;
	v17 =	vmul.f32 v17, v11  }
0x342: {  	v12 =	vmul.f32 v12, v13;
	v15 =	vmul.f32 $2.560000000e+02, v15;
	v14 =	vadd.f32 v14, v4  }
0x343: {  	v21 =	vadd.f32 v18, v5;
	v24 =	vadd.f32 v17, v5  }
0x344: {  	s1 =	sadd.s32 $0x40, s5;
	p1 =	por $0x1, $0x1;
	v16 =	vadd.f32 v12, v2;
	v15 =	vsub.f32 v15, v10;
	v22 =	vmul.f32 v14, v11  }
0x345: {  	v12 =	vld [tilespmem:s1+$0xFFFFFFE0];
	_ =	sdelay $0x4  }
0x346: {  	v11 =	vmul.f32 v24, v11;
	v12 =	vmin.f32 v12, $9.999999400e-01  }
0x347: {  	v14 =	vadd.f32 v22, v2;
	v17 =	vmul.f32 v15, v8;
	v12 =	vmul.f32 $2.560000000e+02, v12  }
0x348: {  	s8 =	sadd.s32 $0x40, s19;
	v18 =	vadd.f32 v11, v3  }
0x349: {  	s25 =	sadd.s32 $0x40, s13;
	[tilespmem:s8+$0xFFFFFFE0] =	vst v14;
	v14 =	vadd.f32 v17, v6;
	v11 =	vsub.f32 v12, v10  }
0x34a: {  	[tilespmem:s25+$0xFFFFFFE0] =	vst v18  }
0x34b: {  	v17 =	vld [tilespmem:s5+$0xFFFFFFF0];
	v12 =	vmul.f32 v14, v15;
	v14 =	vmul.f32 v11, v8  }
0x34c: {  	v18 =	vmul.f32 v15, v9;
	v19 =	vmul.f32 v11, v9  }
0x34d: {  	v13 =	vmul.f32 v21, v13;
	s0 =	sadd.s32 $0x40, s0;
	v14 =	vadd.f32 v14, v6  }
0x34e: {  	p5 =	slt.s32 s0, s17;
	v18 =	vadd.f32 v18, v7;
	v19 =	vadd.f32 v19, v7  }
.Ltmp48:
0x34f: {  	v13 =	vadd.f32 v13, v3;
	v12 =	vadd.f32 v12, v4;
	v14 =	vmul.f32 v14, v11;
	(pc) =	sbr.rel @!p5 .LBB2_66-.Ltmp48, $4  }
0x350: {  	v18 =	vmul.f32 v18, v15;
	v17 =	vmin.f32 v17, $9.999999400e-01;
	v19 =	vmul.f32 v19, v11  }
0x351: {  	v20 =	vmul.f32 $2.560000000e+02, v17;
	v12 =	vmul.f32 v12, v15;
	v14 =	vadd.f32 v14, v4  }
0x352: {  	[tilespmem:s22+$0xFFFFFFF0] =	vst v16;
	v21 =	vadd.f32 v18, v5;
	v24 =	vadd.f32 v19, v5  }
0x353: {  	s26 =	sadd.s32 $0x40, s1;
	p2 =	por $0x1, $0x1;
	[tilespmem:s24+$0xFFFFFFF0] =	vst v13;
	v17 =	vadd.f32 v12, v2;
	v22 =	vmul.f32 v14, v11;
	v14 =	vsub.f32 v20, v10  }
0x354: {  	v12 =	vld [tilespmem:s26+$0xFFFFFFE0];
	_ =	sdelay $0x1  }
0x355: {  	v13 =	vld [tilespmem:s29+$0x0];
	v16 =	vmul.f32 v14, v8  }
0x356: {  	v11 =	vmul.f32 v24, v11  }
0x357: {  	v18 =	vadd.f32 v22, v2;
	v16 =	vadd.f32 v16, v6  }
0x358: {  	s9 =	sadd.s32 $0x40, s8;
	v19 =	vadd.f32 v11, v3;
	v12 =	vmin.f32 v12, $9.999999400e-01  }
0x359: {  	s10 =	sadd.s32 $0x40, s25;
	[tilespmem:s9+$0xFFFFFFE0] =	vst v18;
	v16 =	vmul.f32 v16, v14;
	v12 =	vmul.f32 $2.560000000e+02, v12  }
0x35a: {  	[tilespmem:s10+$0xFFFFFFE0] =	vst v19;
	v11 =	vmin.f32 v13, $9.999999400e-01;
	v13 =	vmul.f32 v14, v9  }
0x35b: {  	v20 =	vld [tilespmem:s1+$0xFFFFFFF0];
	v18 =	vmul.f32 $2.560000000e+02, v11;
	v16 =	vadd.f32 v16, v4;
	v11 =	vsub.f32 v12, v10  }
0x35c: {  	v13 =	vadd.f32 v13, v7;
	v12 =	vmul.f32 v21, v15  }
0x35d: {  	v15 =	vsub.f32 v18, v10;
	v16 =	vmul.f32 v16, v14;
	v18 =	vmul.f32 v11, v8  }
0x35e: {  	v13 =	vmul.f32 v13, v14;
	v21 =	vmul.f32 v11, v9  }
0x35f: {  	s2 =	sadd.s32 $0x40, s0;
	v22 =	vmul.f32 v15, v9;
	v12 =	vadd.f32 v12, v3;
	v18 =	vadd.f32 v18, v6  }
0x360: {  	p5 =	slt.s32 s2, s17;
	v20 =	vmin.f32 v20, $9.999999400e-01;
	v19 =	vadd.f32 v16, v2;
	v21 =	vadd.f32 v21, v7  }
.Ltmp49:
0x361: {  	v16 =	vmul.f32 v15, v8;
	v22 =	vadd.f32 v22, v7;
	v18 =	vmul.f32 v18, v11;
	(pc) =	sbr.rel @!p5 .LBB2_68-.Ltmp49, $4  }
0x362: {  	[tilespmem:s19+$0xFFFFFFF0] =	vst v17;
	v25 =	vmul.f32 $2.560000000e+02, v20;
	v20 =	vadd.f32 v13, v5;
	v21 =	vmul.f32 v21, v11  }
0x363: {  	[tilespmem:s13+$0xFFFFFFF0] =	vst v12;
	v16 =	vadd.f32 v16, v6;
	v22 =	vmul.f32 v22, v15;
	v23 =	vadd.f32 v18, v4  }
0x364: {  	v13 =	vsub.f32 v25, v10;
	[dreg:$0x11] =	wrdreg s19;
	v24 =	vadd.f32 v21, v5  }
0x365: {  	s18 =	sadd.s32 $0x40, s26;
	p3 =	por $0x1, $0x1;
	[dreg:$0x13] =	wrdreg s13;
	v18 =	vmul.f32 v16, v15;
	v17 =	vadd.f32 v22, v5;
	v22 =	vmul.f32 v23, v11  }
0x366: {  	[dreg:$0xe] =	wrdreg s23  }
0x367: {  	v21 =	vmul.f32 v13, v8;
	v12 =	vadd.f32 v18, v4;
	v16 =	vld [tilespmem:s18+$0xFFFFFFE0]  }
0x368: {  	v23 =	vld [tilespmem:s21+$0x0]  }
0x369: {  	v21 =	vadd.f32 v21, v6;
	v12 =	vmul.f32 v12, v15  }
0x36a: {  	v25 =	vmul.f32 v17, v15;
	v22 =	vadd.f32 v22, v2  }
0x36b: {  	v11 =	vmul.f32 v24, v11;
	s0 =	sadd.s32 $0x40, s9;
	v21 =	vmul.f32 v21, v13;
	v12 =	vadd.f32 v12, v2  }
0x36c: {  	v24 =	vadd.f32 v25, v3;
	v25 =	vmul.f32 v13, v9;
	[tilespmem:s0+$0xFFFFFFE0] =	vst v22;
	v16 =	vmin.f32 v16, $9.999999400e-01  }
0x36d: {  	v21 =	vadd.f32 v21, v4;
	[tilespmem:s22+$0x0] =	vst v12;
	v12 =	vmin.f32 v23, $9.999999400e-01;
	v16 =	vmul.f32 $2.560000000e+02, v16  }
0x36e: {  	v22 =	vadd.f32 v25, v7;
	v23 =	vadd.f32 v11, v3;
	[tilespmem:s24+$0x0] =	vst v24;
	v12 =	vmul.f32 $2.560000000e+02, v12  }
0x36f: {  	s31 =	sadd.s32 $0x40, s10;
	v24 =	vld [tilespmem:s29+$0x10];
	v11 =	vsub.f32 v16, v10;
	v16 =	vmul.f32 v21, v13;
	v21 =	vmul.f32 v20, v14  }
0x370: {  	[tilespmem:s31+$0xFFFFFFE0] =	vst v23;
	v23 =	vsub.f32 v12, v10;
	v12 =	vmul.f32 v22, v13  }
0x371: {  	v25 =	vld [tilespmem:s26+$0xFFFFFFF0];
	v22 =	vmul.f32 v11, v8;
	v28 =	vadd.f32 v21, v3;
	v21 =	vmul.f32 v11, v9  }
0x372: {  	v16 =	vadd.f32 v16, v2;
	v26 =	vmul.f32 v23, v9  }
0x373: {  	s28 =	sadd.s32 $0x40, s2;
	v27 =	vmul.f32 v23, v8;
	v22 =	vadd.f32 v22, v6;
	v29 =	vadd.f32 v21, v7  }
0x374: {  	p5 =	slt.s32 s28, s17;
	v21 =	vadd.f32 v12, v5;
	v24 =	vmin.f32 v24, $9.999999400e-01;
	v26 =	vadd.f32 v26, v7  }
.Ltmp50:
0x375: {  	v27 =	vadd.f32 v27, v6;
	v24 =	vmul.f32 $2.560000000e+02, v24;
	v22 =	vmul.f32 v22, v11;
	(pc) =	sbr.rel @!p5 .LBB2_70-.Ltmp50, $4  }
0x376: {  	s30 =	sadd.s32 $0x40, s18;
	p4 =	por $0x1, $0x1;
	s11 =	smov.u32 s5;
	v29 =	vmul.f32 v29, v11;
	v12 =	vmin.f32 v25, $9.999999400e-01;
	v25 =	vmul.f32 v26, v23  }
0x377: {  	s3 =	smov.u32 s19;
	s4 =	smov.u32 s13;
	s20 =	smov.u32 s21;
	v30 =	vmul.f32 $2.560000000e+02, v12;
	v22 =	vadd.f32 v22, v4;
	v12 =	vsub.f32 v24, v10  }
0x378: {  	s6 =	smov.u32 s22;
	s19 =	smov.u32 s8;
	s7 =	smov.u32 s24;
	[tilespmem:s8+$0xFFFFFFF0] =	vst v19;
	v26 =	vmul.f32 v27, v23;
	v24 =	vadd.f32 v29, v5;
	v27 =	vadd.f32 v25, v5  }
0x379: {  	s13 =	smov.u32 s25;
	s2 =	smov.u32 s0;
	s23 =	smov.u32 s31;
	[tilespmem:s25+$0xFFFFFFF0] =	vst v28;
	v25 =	vsub.f32 v30, v10;
	v22 =	vmul.f32 v22, v11;
	v28 =	vmul.f32 v12, v8  }
.LBB2_71:
0x37a: {  	s28 =	sadd.s32 $0x40, s28;
	v11 =	vmul.f32 v24, v11;
	v24 =	vld [tilespmem:s11+$0x0];
	v26 =	vadd.f32 v26, v4;
	v29 =	vmul.f32 v12, v9  }
0x37b: {  	v30 =	vld [tilespmem:s30+$0xFFFFFFE0];
	p5 =	slt.s32 s28, s17;
	v22 =	vadd.f32 v22, v2;
	v31 =	vmul.f32 v25, v8;
	v28 =	vadd.f32 v28, v6  }
0x37c: {  	s0 =	sadd.s32 $0x40, s0;
	v32 =	vadd.f32 v11, v3;
	v11 =	vmul.f32 v26, v23;
	v23 =	vmul.f32 v27, v23  }
0x37d: {  	s31 =	sadd.s32 $0x40, s31;
	v27 =	vadd.f32 v29, v7;
	[tilespmem:s0+$0xFFFFFFE0] =	vst v22;
	v22 =	vadd.f32 v31, v6;
	v26 =	vmul.f32 v28, v12  }
0x37e: {  	v21 =	vmul.f32 v21, v13;
	v13 =	vmovc v25;
	v28 =	vmul.f32 v25, v9;
	v11 =	vadd.f32 v11, v2  }
0x37f: {  	v23 =	vadd.f32 v23, v3;
	v22 =	vmul.f32 v22, v13;
	v25 =	vadd.f32 v26, v4  }
0x380: {  	v24 =	vmin.f32 v24, $9.999999400e-01;
	v26 =	vmin.f32 v30, $9.999999400e-01;
	[tilespmem:s3+$0x0] =	vst v11;
	v11 =	vmul.f32 v27, v12  }
0x381: {  	v26 =	vmul.f32 $2.560000000e+02, v26;
	v22 =	vadd.f32 v22, v4;
	[tilespmem:s4+$0x0] =	vst v23;
	v23 =	vmul.f32 v25, v12  }
0x382: {  	v24 =	vmul.f32 $2.560000000e+02, v24;
	v25 =	vadd.f32 v28, v7;
	v27 =	vld [tilespmem:s20+$0x10];
	v28 =	vadd.f32 v11, v5;
	s20 =	smov.u32 s11;
	s11 =	smov.u32 s1;
	s1 =	smov.u32 s26  }
0x383: {  	s26 =	smov.u32 s18;
	s18 =	smov.u32 s30;
	v11 =	vsub.f32 v26, v10;
	v22 =	vmul.f32 v22, v13;
	v26 =	vadd.f32 v23, v2  }
0x384: {  	v25 =	vmul.f32 v25, v13;
	v23 =	vsub.f32 v24, v10;
	[tilespmem:s31+$0xFFFFFFE0] =	vst v32;
	v12 =	vmul.f32 v28, v12  }
0x385: {  	v21 =	vadd.f32 v21, v3;
	v24 =	vmul.f32 v11, v8;
	v28 =	vld [tilespmem:s26+$0xFFFFFFF0];
	v22 =	vadd.f32 v22, v2;
	[tilespmem:s6+$0x10] =	vst v26;
	s6 =	smov.u32 s3;
	s3 =	smov.u32 s19;
	s19 =	smov.u32 s9  }
0x386: {  	v26 =	vmul.f32 v11, v9;
	v29 =	vmul.f32 v23, v9;
	s9 =	smov.u32 s2;
	s2 =	smov.u32 s0;
	[tilespmem:s19+$0xFFFFFFF0] =	vst v16;
	v12 =	vadd.f32 v12, v3  }
0x387: {  	v30 =	vmul.f32 v23, v8;
	v24 =	vadd.f32 v24, v6;
	[tilespmem:s10+$0xFFFFFFF0] =	vst v21;
	v21 =	vmin.f32 v27, $9.999999400e-01;
	v16 =	vmovc v22  }
0x388: {  	v22 =	vadd.f32 v26, v7;
	v26 =	vadd.f32 v29, v7;
	v27 =	vmul.f32 $2.560000000e+02, v21;
	[tilespmem:s7+$0x10] =	vst v12;
	s7 =	smov.u32 s4;
	s4 =	smov.u32 s13;
	s13 =	smov.u32 s10  }
.Ltmp51:
0x389: {  	v21 =	vadd.f32 v25, v5;
	v25 =	vadd.f32 v30, v6;
	s10 =	smov.u32 s23;
	s23 =	smov.u32 s31;
	v12 =	vmul.f32 v24, v11;
	(pc) =	sbr.rel @p5 .LBB2_71-.Ltmp51, $4  }
0x38a: {  	v22 =	vmul.f32 v22, v11;
	v24 =	vmin.f32 v28, $9.999999400e-01;
	v28 =	vmul.f32 v26, v23  }
0x38b: {  	v29 =	vadd.f32 v12, v4;
	v30 =	vmul.f32 $2.560000000e+02, v24;
	v12 =	vsub.f32 v27, v10  }
0x38c: {  	v26 =	vmul.f32 v25, v23;
	v24 =	vadd.f32 v22, v5;
	v27 =	vadd.f32 v28, v5  }
0x38d: {  	s30 =	sadd.s32 $0x40, s30;
	v22 =	vmul.f32 v29, v11;
	v25 =	vsub.f32 v30, v10;
	v28 =	vmul.f32 v12, v8  }
.Ltmp52:
0x38e: {  	(pc) =	sbr.rel .LBB2_73-.Ltmp52, $4  }
0x38f: {  	_ = 	snop  }
0x390: {  	s17 =	smov.u32 s1;
	s30 =	smov.u32 s9  }
0x391: {  	s28 =	smov.u32 s10;
	s1 =	smov.u32 s18;
	s9 =	smov.u32 s2  }
0x392: {  	s10 =	smov.u32 s23;
	s23 =	rddreg [dreg:$0xe];
	s18 =	smov.u32 s17  }
.LBB2_46:
.Ltmp53:
0x393: {  	(pc) =	sbr.rel .LBB2_57-.Ltmp53, $2  }
0x394: {  	_ =	sdelay $0x2  }
0x395: {  	s2 =	smov.u32 s3;
	s4 =	smov.u32 s1  }
.LBB2_48:
.Ltmp54:
0x396: {  	(pc) =	sbr.rel .LBB2_57-.Ltmp54, $2  }
0x397: {  	_ =	sdelay $0x2  }
0x398: {  	v36 =	vmov v4;
	s2 =	smov.u32 s3;
	s4 =	smov.u32 s1  }
.LBB2_62:
.Ltmp55:
0x399: {  	(pc) =	sbr.rel .LBB2_73-.Ltmp55, $3  }
0x39a: {  	_ =	sdelay $0x1  }
0x39b: {  	s26 =	smov.u32 s29;
	s1 =	smov.u32 s21;
	s0 =	smov.u32 s22  }
0x39c: {  	s31 =	smov.u32 s24;
	s9 =	smov.u32 s22;
	s10 =	smov.u32 s24;
	v25 =	vmov v13  }
.LBB2_50:
.Ltmp56:
0x39d: {  	(pc) =	sbr.rel .LBB2_57-.Ltmp56, $2  }
0x39e: {  	_ =	sdelay $0x2  }
0x39f: {  	v39 =	vmovc v3;
	v36 =	vmov v7;
	v3 =	vmov v5;
	s2 =	smov.u32 s3;
	s4 =	smov.u32 s1;
	v28 =	vmov v13  }
.LBB2_64:
.Ltmp57:
0x3a0: {  	(pc) =	sbr.rel .LBB2_73-.Ltmp57, $4  }
0x3a1: {  	_ = 	snop  }
0x3a2: {  	s0 =	smov.u32 s19;
	s31 =	smov.u32 s13;
	s18 =	smov.u32 s29  }
0x3a3: {  	s26 =	smov.u32 s21;
	s1 =	smov.u32 s5;
	s9 =	smov.u32 s19  }
0x3a4: {  	s10 =	smov.u32 s13;
	s30 =	smov.u32 s22;
	s28 =	smov.u32 s24;
	v25 =	vmov v15  }
.LBB2_52:
.Ltmp58:
0x3a5: {  	_ = 	snop;
	(pc) =	sbr.rel .LBB2_57-.Ltmp58, $4  }
0x3a6: {  	v36 =	vmov v4;
	v39 =	vmov v5  }
0x3a7: {  	v33 =	vmovc v13;
	v27 =	vmovc v10;
	v4 =	vmov v7;
	v18 =	vmov v8;
	v26 =	vmov v22  }
0x3a8: {  	v29 =	vmovc v25;
	v34 =	vmovc v11;
	v31 =	vmov v21;
	v32 =	vmov v16;
	v37 =	vmov v14  }
0x3a9: {  	s2 =	smov.u32 s3;
	s4 =	smov.u32 s1;
	v38 =	vmovc v17;
	v30 =	vmovc v20;
	v23 =	vmov v12;
	v24 =	vmov v15;
	v35 =	vmov v19  }
.LBB2_66:
.Ltmp59:
0x3aa: {  	(pc) =	sbr.rel .LBB2_73-.Ltmp59, $4  }
0x3ab: {  	s0 =	smov.u32 s8;
	s31 =	smov.u32 s25  }
0x3ac: {  	s18 =	smov.u32 s21;
	s26 =	smov.u32 s5;
	s30 =	smov.u32 s19  }
0x3ad: {  	s9 =	smov.u32 s8;
	s28 =	smov.u32 s13;
	s10 =	smov.u32 s25  }
0x3ae: {  	s11 =	smov.u32 s29;
	v13 =	vmov v15;
	s19 =	smov.u32 s22;
	s13 =	smov.u32 s24;
	v25 =	vmov v14;
	v16 =	vmov v17  }
.LBB2_54:
.Ltmp60:
0x3af: {  	(pc) =	sbr.rel .LBB2_57-.Ltmp60, $2  }
0x3b0: {  	_ =	sdelay $0x2  }
0x3b1: {  	v39 =	vmov v3;
	v3 =	vmov v40;
	s2 =	smov.u32 s3;
	s4 =	smov.u32 s1;
	v28 =	vmov v41  }
.LBB2_68:
.Ltmp61:
0x3b2: {  	(pc) =	sbr.rel .LBB2_73-.Ltmp61, $4  }
0x3b3: {  	s2 =	smov.u32 s1;
	s11 =	smov.u32 s21;
	s0 =	smov.u32 s9  }
0x3b4: {  	s31 =	smov.u32 s10;
	s3 =	smov.u32 s22;
	s4 =	smov.u32 s24  }
0x3b5: {  	v25 =	vmov v13;
	v23 =	vmov v15;
	s20 =	smov.u32 s29;
	s18 =	smov.u32 s5;
	s1 =	smov.u32 s26  }
0x3b6: {  	v13 =	vmovc v14;
	v21 =	vmovc v20;
	s30 =	smov.u32 s8;
	v16 =	vmov v19;
	s28 =	smov.u32 s25;
	v26 =	vmov v18;
	v27 =	vmov v17;
	s26 =	smov.u32 s2  }
.LBB2_70:
0x3b7: {  	s2 =	smov.u32 s1;
	s30 =	smov.u32 s9  }
.Ltmp62:
0x3b8: {  	s28 =	smov.u32 s10;
	s3 =	rddreg [dreg:$0x11];
	(pc) =	sbr.rel .LBB2_73-.Ltmp62, $4  }
0x3b9: {  	s11 =	smov.u32 s5;
	s4 =	rddreg [dreg:$0x13];
	s20 =	smov.u32 s21  }
0x3ba: {  	s1 =	smov.u32 s18;
	s6 =	smov.u32 s22;
	s19 =	smov.u32 s8  }
0x3bb: {  	s9 =	smov.u32 s0;
	s7 =	smov.u32 s24;
	s13 =	smov.u32 s25  }
0x3bc: {  	s10 =	smov.u32 s31;
	s23 =	rddreg [dreg:$0xe];
	s18 =	smov.u32 s2  }
.LBB2_76:
0x3bd: {  	_ =	sfence.sel $0x180000  }
0x3be: {  	[bflag:$0x0] =	sbarrier.arrive $0xFFFF  }
0x3bf: {  	_ =	strace $0x90000047  }
0x3c0: {  	s0 =	stileid.u32;
	[bflag:$0x2] =	sbarrier.arrive $0xFFFF  }
0x3c1: {  	p0 =	sne.s32 s0, $0x0;
	s0 =	rddreg [dreg:$0x3]  }
0x3c2: {  	s0 =	sadd.s32 @!p0 $0x100000, s0  }
0x3c3: {  	[sflag:s0] =	ssyncadd.tile.s32 @!p0 $0x1;
	_ =	shalt  }
.Lfunc_end2:
_tile_overlayer_lowered:
.L_overlay_start_2:
0x3c4: {  	(tag) =	ssettag $0x2  }
0x3c5: {  	s0 =	rddreg [dreg:$0x0];
	s2 =	stileid.u32  }
0x3c6: {  	s1 =	rddreg [dreg:$0x1];
	p0 =	sne.s32 s2, $0x0  }
0x3c7: {  	s3 =	rddreg [dreg:$0x2];
	[bflag:$0x3] =	sbarrier.arrive $0xFFFF;
	s2 =	simm.s32 @!p0 $0x1C05  }
0x3c8: {  	[timem:s3], [sflag:s2] =	dma.local @!p0 [hbm:s0], s1  }
0x3c9: {  	s0 =	simm.s32 @!p0 $0x5  }
0x3ca: {  	_ =	swait.ge @!p0 [sflag:s0], s1  }
0x3cb: {  	s1 =	ssub.s32 @!p0 $0x0, s1;
	[sflag:s0] =	ssyncset.done @!p0 $0x0  }
0x3cc: {  	[sflag:s0] =	ssyncadd.s32 @!p0 s1  }
0x3cd: {  	[bflag:$0x3] =	sbarrier.arrive $0xFFFF  }
0x3ce: {  	_ =	shalt  }

</sc_bundles>
